<compile_context>
chip_gen: v7x
topology: tpu7x:2x2x1
jax: 0.10.2.dev20260603
libtpu: 0.0.44.dev20260713+nightly
codegen_flags: <defaults>
</compile_context>

<pallas_src>
import functools

import numpy as np
import jax
import jax.numpy as jnp
from jax import lax
from jax.experimental import pallas as pl
from jax.experimental.pallas import tpu as pltpu
from jax.experimental.pallas import tpu_sc as plsc

_NUM_BUCKETS = 32
_MAX_DISTANCE = 128
_NUM_HEADS = 16
_Q_LEN = 2048
_K_LEN = 2048

_NDIAG = _Q_LEN + _K_LEN - 1
_D8W = 4224
_DPAD = 4240
_QBLK = 2048


def _bucket_per_diagonal() -> np.ndarray:
    d = np.arange(_DPAD, dtype=np.int64)
    rel = np.clip(d, 0, _NDIAG - 1) - (_Q_LEN - 1)
    n = -rel
    half = _NUM_BUCKETS // 2
    sign = (n < 0).astype(np.int32)
    n = np.abs(n)
    max_exact = half // 2
    nf = n.astype(np.float32)
    val_large = max_exact + (
        np.log(nf / max_exact + np.float32(1e-6))
        / np.log(np.float32(_MAX_DISTANCE / max_exact))
        * (half - max_exact)
    ).astype(np.int32)
    val_large = np.minimum(val_large, half - 1)
    bucket = np.where(n < max_exact, n.astype(np.int32), val_large)
    return (bucket + sign * half).astype(np.int32)


_BUCKET_STATIC = _bucket_per_diagonal()


@functools.cache
def _build_d8_kernel():
    mesh = plsc.VectorSubcoreMesh(
        core_axis_name="c", subcore_axis_name="s", num_cores=2, num_subcores=16
    )
    return pl.kernel(
        _d8_kernel_body,
        out_type=jax.ShapeDtypeStruct((_NUM_HEADS, 8, _D8W), jnp.float32),
        mesh=mesh,
        compiler_params=pltpu.CompilerParams(
            needs_layout_passes=False, use_tc_tiling_on_sc=False
        ),
        scratch_types=[
            pltpu.VMEM((_NUM_HEADS * _NUM_BUCKETS,), jnp.float32),
            pltpu.VMEM((_DPAD,), jnp.int32),
            pltpu.VMEM((8 * _D8W,), jnp.float32),
        ],
    )


def _d8_kernel_body(table_hbm, bucket_hbm, d8_hbm, table_v, bucket_v, dp_v):
    wid = lax.axis_index("s") * 2 + lax.axis_index("c")
    h = wid // 2
    j0 = (wid % 2) * 4

    pltpu.sync_copy(table_hbm, table_v)
    pltpu.sync_copy(bucket_hbm, bucket_v)

    iota = lax.iota(jnp.int32, 16)
    hbase = jnp.zeros((16,), jnp.int32) + h * _NUM_BUCKETS
    p0 = 4 - j0

    def body(i, _):
        base = 16 * i
        bk = bucket_v[pl.ds(pl.multiple_of(base, 8), 16)]
        vals = plsc.load_gather(table_v, [hbase + bk])
        for t in range(4):
            p = p0 + t
            idx = iota + (p * _D8W + base - p)
            plsc.store_scatter(dp_v, [idx], vals, mask=iota + (base - p) >= 0)
        return 0

    lax.fori_loop(0, _D8W // 16, body, 0)

    for t in range(4):
        j = j0 + t
        src = pl.ds(pl.multiple_of((7 - j) * _D8W, 8), _D8W)
        pltpu.sync_copy(dp_v.at[src], d8_hbm.at[h, j])


_LOADW = _K_LEN + 128


def _bias_tc_body(d8_ref, out_ref):
    qb = pl.program_id(1)
    for c in range(_QBLK // 128):
        a128 = pl.multiple_of(128 * (_Q_LEN // 128 - 1 - (_QBLK // 128) * qb - c), 128)
        val = d8_ref[0, :, pl.ds(a128, _LOADW)]
        for g in range(16):
            off = 120 - 8 * g
            out_ref[0, 0, pl.ds(128 * c + 8 * g, 8), :] = val[:, off : off + _K_LEN]


@functools.cache
def _build_tc_kernel():
    return pl.pallas_call(
        _bias_tc_body,
        grid=(_NUM_HEADS, _Q_LEN // _QBLK),
        in_specs=[
            pl.BlockSpec((1, 8, _D8W), lambda hh, qq: (hh, 0, 0)),
        ],
        out_specs=pl.BlockSpec((1, 1, _QBLK, _K_LEN), lambda hh, qq: (0, hh, qq, 0)),
        out_shape=jax.ShapeDtypeStruct((1, _NUM_HEADS, _Q_LEN, _K_LEN), jnp.float32),
    )


def kernel(bias_table, q_len, k_len):
    del q_len, k_len
    table_flat = jnp.transpose(bias_table.astype(jnp.float32)).reshape(-1)
    bucket = jnp.asarray(_BUCKET_STATIC)
    d8 = _build_d8_kernel()(table_flat, bucket)
    return _build_tc_kernel()(d8)

# --- scband reference (transcript-rebuilt; emitter-appended) ---
"""Pipeline reference for scband-relative-position-bias-30502857736274 (READ-ONLY COPY).

The authoritative reference and input builder live on the scoring server;
editing this copy changes nothing except your own understanding.
"""

import jax, jax.numpy as jnp
import numpy as np

NUM_BUCKETS = 32
MAX_DISTANCE = 128
NUM_HEADS = 16
Q_LEN = 2048
K_LEN = 2048


def _relative_position_bucket(relative_position, num_buckets=32, max_distance=128):
    n = -relative_position
    num_buckets = num_buckets // 2
    sign = (n < 0).astype(jnp.int32)
    n = jnp.abs(n)
    max_exact = num_buckets // 2
    is_small = n < max_exact
    val_if_small = n
    val_if_large = max_exact + (
        jnp.log(n.astype(jnp.float32) / max_exact + 1e-06)
        / jnp.log(jnp.float32(max_distance / max_exact))
        * (num_buckets - max_exact)
    ).astype(jnp.int32)
    val_if_large = jnp.minimum(val_if_large, jnp.full_like(val_if_large, num_buckets - 1))
    bucket = jnp.where(is_small, val_if_small, val_if_large)
    return bucket + sign * num_buckets


def setup_inputs(seed: int = 0) -> dict:
    key = jax.random.key(seed)
    bias_table = jax.random.normal(key, (NUM_BUCKETS, NUM_HEADS), dtype=jnp.float32) * 0.02
    return {"bias_table": bias_table, "q_len": Q_LEN, "k_len": K_LEN}


def reference(bias_table, q_len, k_len):
    q_pos = (jnp.arange(Q_LEN, dtype=jnp.int32) + q_len * 0)[:, None]
    k_pos = (jnp.arange(K_LEN, dtype=jnp.int32) + k_len * 0)[None, :]
    rel = k_pos - q_pos
    buckets = _relative_position_bucket(rel, NUM_BUCKETS, MAX_DISTANCE)
    b = jnp.take(bias_table, buckets, axis=0)  # [q, k, H] embedding gather
    return jnp.transpose(b, (2, 0, 1))[None, ...]  # [1, H, q, k]

if __name__ == "__main__":
    import jax
    _d = setup_inputs()
    print(jax.jit(kernel)(*tuple(_d.values())))

</pallas_src>

<mosaic_0001>
#map = affine_map<(d0, d1) -> (0)>
#map1 = affine_map<(d0, d1) -> (0, 0, 0)>
module attributes {stable_mosaic.version = 14 : i64} {
  func.func @_d8_kernel_body(%arg0: i32, %arg1: i32, %arg2: memref<512xf32, #tpu.memory_space<hbm>>, %arg3: memref<4240xi32, #tpu.memory_space<hbm>>, %arg4: memref<16x8x4224xf32, #tpu.memory_space<hbm>>, %arg5: memref<512xf32, #tpu.memory_space<vmem>>, %arg6: memref<4240xi32, #tpu.memory_space<vmem>>, %arg7: memref<33792xf32, #tpu.memory_space<vmem>>) attributes {dimension_semantics = [#tpu.dimension_semantics<core_parallel>, #tpu.dimension_semantics<subcore_parallel>], iteration_bounds = array<i64: 2, 16>, scalar_prefetch = 0 : i64, scratch_operands = 3 : i64, tpu.core_type = #tpu.core_type<sc_vector_subcore>, window_params = [{transform_indices = #map}, {transform_indices = #map}, {transform_indices = #map1}]} {
    %mul3A = arith.constant 2 : i32
    %mul3A_0 = arith.muli %arg1, %mul3A : i32
    %add3A = arith.addi %mul3A_0, %arg0 : i32
    %jit3A = arith.constant 2 : i32
    %div3A = arith.divsi %add3A, %jit3A : i32
    %sign3A = arith.constant 0 : i32
    %sign3A_1 = arith.cmpi sgt, %add3A, %sign3A : i32
    %sign3A_2 = arith.extui %sign3A_1 : i1 to i32
    %sign3A_3 = arith.constant 0 : i32
    %sign3A_4 = arith.cmpi slt, %add3A, %sign3A_3 : i32
    %sign3A_5 = arith.extui %sign3A_4 : i1 to i32
    %sign3A_6 = arith.subi %sign3A_2, %sign3A_5 : i32
    %sign3A_7 = arith.constant 0 : i32
    %sign3A_8 = arith.cmpi sgt, %jit3A, %sign3A_7 : i32
    %sign3A_9 = arith.extui %sign3A_8 : i1 to i32
    %sign3A_10 = arith.constant 0 : i32
    %sign3A_11 = arith.cmpi slt, %jit3A, %sign3A_10 : i32
    %sign3A_12 = arith.extui %sign3A_11 : i1 to i32
    %sign3A_13 = arith.subi %sign3A_9, %sign3A_12 : i32
    %ne3A = arith.cmpi ne, %sign3A_6, %sign3A_13 : i32
    %rem3A = arith.remsi %add3A, %jit3A : i32
    %ne3A_14 = arith.constant 0 : i32
    %ne3A_15 = arith.cmpi ne, %rem3A, %ne3A_14 : i32
    %and3A = arith.andi %ne3A, %ne3A_15 : i1
    %sub3A = arith.constant 1 : i32
    %sub3A_16 = arith.subi %div3A, %sub3A : i32
    %select_n3A = arith.select %and3A, %sub3A_16, %div3A : i32
    %jit3A_17 = arith.constant 2 : i32
    %eq3A = arith.constant 0 : i32
    %eq3A_18 = arith.cmpi eq, %jit3A_17, %eq3A : i32
    %jit3A_19 = arith.constant 1 : i32
    %select_n3A_20 = arith.select %eq3A_18, %jit3A_19, %jit3A_17 : i32
    %rem3A_21 = arith.remsi %add3A, %select_n3A_20 : i32
    %ne3A_22 = arith.constant 0 : i32
    %ne3A_23 = arith.cmpi ne, %rem3A_21, %ne3A_22 : i32
    %lt3A = arith.constant 0 : i32
    %lt3A_24 = arith.cmpi slt, %rem3A_21, %lt3A : i32
    %lt3A_25 = arith.constant 0 : i32
    %lt3A_26 = arith.cmpi slt, %select_n3A_20, %lt3A_25 : i32
    %ne3A_27 = arith.xori %lt3A_24, %lt3A_26 : i1
    %and3A_28 = arith.andi %ne3A_27, %ne3A_23 : i1
    %add3A_29 = arith.addi %rem3A_21, %select_n3A_20 : i32
    %select_n3A_30 = arith.select %and3A_28, %add3A_29, %rem3A_21 : i32
    %mul3A_31 = arith.constant 4 : i32
    %mul3A_32 = arith.muli %select_n3A_30, %mul3A_31 : i32
    "tpu.region"() ({
      %run_scoped3A = tpu.sem_alloc : memref<!tpu.dma_semaphore, #tpu.memory_space<semaphore_mem>>
      tpu.enqueue_dma source(%arg2 : memref<512xf32, #tpu.memory_space<hbm>>) target(%arg5 : memref<512xf32, #tpu.memory_space<vmem>>) target_semaphore(%run_scoped3A : memref<!tpu.dma_semaphore, #tpu.memory_space<semaphore_mem>>)
      tpu.wait_dma2 semaphore(%run_scoped3A : memref<!tpu.dma_semaphore, #tpu.memory_space<semaphore_mem>>) src(%arg2 : memref<512xf32, #tpu.memory_space<hbm>>) dst(%arg5 : memref<512xf32, #tpu.memory_space<vmem>>)
      tpu.yield
    }) : () -> ()
    "tpu.region"() ({
      %run_scoped3A = tpu.sem_alloc : memref<!tpu.dma_semaphore, #tpu.memory_space<semaphore_mem>>
      tpu.enqueue_dma source(%arg3 : memref<4240xi32, #tpu.memory_space<hbm>>) target(%arg6 : memref<4240xi32, #tpu.memory_space<vmem>>) target_semaphore(%run_scoped3A : memref<!tpu.dma_semaphore, #tpu.memory_space<semaphore_mem>>)
      tpu.wait_dma2 semaphore(%run_scoped3A : memref<!tpu.dma_semaphore, #tpu.memory_space<semaphore_mem>>) src(%arg3 : memref<4240xi32, #tpu.memory_space<hbm>>) dst(%arg6 : memref<4240xi32, #tpu.memory_space<vmem>>)
      tpu.yield
    }) : () -> ()
    %iota3A = tpu.iota {dimensions = array<i32: 0>} : vector<16xi32>
    %broadcast_in_dim3A = arith.constant 0 : i32
    %broadcast_in_dim3A_33 = vector.broadcast %broadcast_in_dim3A : i32 to vector<16xi32>
    %mul3A_34 = arith.constant 32 : i32
    %mul3A_35 = arith.muli %select_n3A, %mul3A_34 : i32
    %add3A_36 = vector.broadcast %mul3A_35 : i32 to vector<16xi32>
    %add3A_37 = arith.addi %broadcast_in_dim3A_33, %add3A_36 : vector<16xi32>
    %sub3A_38 = arith.constant 4 : i32
    %sub3A_39 = arith.subi %sub3A_38, %mul3A_32 : i32
    %scan3A = arith.constant 0 : i32
    %scan3A_40 = arith.constant 0 : i32
    %scan3A_41 = arith.constant 264 : i32
    %scan3A_42 = arith.addi %scan3A_40, %scan3A_41 : i32
    %scan3A_43 = arith.constant 1 : i32
    %scan3A_44 = scf.for %scan3A_73 = %scan3A_40 to %scan3A_42 step %scan3A_43 iter_args(%scan3A_74 = %scan3A) -> (i32)  : i32 {
      %mul3A_75 = arith.constant 16 : i32
      %mul3A_76 = arith.muli %mul3A_75, %scan3A_73 : i32
      %multiple_of3A_77 = tpu.assume_multiple %mul3A_76, 8 : i32
      %get3A = arith.index_cast %multiple_of3A_77 : i32 to index
      %get3A_78 = tpu.vector_load %arg6[%get3A] {strides = array<i32>} : memref<4240xi32, #tpu.memory_space<vmem>>, vector<16xi32>,
      %add3A_79 = arith.addi %add3A_37, %get3A_78 : vector<16xi32>
      %gather3A = tpu.vector_load_idx %arg5[%add3A_79] : memref<512xf32, #tpu.memory_space<vmem>>[vector<16xi32>], vector<16xf32>,
      %add3A_80 = arith.constant 0 : i32
      %add3A_81 = arith.addi %sub3A_39, %add3A_80 : i32
      %mul3A_82 = arith.constant 4224 : i32
      %mul3A_83 = arith.muli %add3A_81, %mul3A_82 : i32
      %add3A_84 = arith.addi %mul3A_83, %mul3A_76 : i32
      %sub3A_85 = arith.subi %add3A_84, %add3A_81 : i32
      %add3A_86 = vector.broadcast %sub3A_85 : i32 to vector<16xi32>
      %add3A_87 = arith.addi %iota3A, %add3A_86 : vector<16xi32>
      %sub3A_88 = arith.subi %mul3A_76, %add3A_81 : i32
      %add3A_89 = vector.broadcast %sub3A_88 : i32 to vector<16xi32>
      %add3A_90 = arith.addi %iota3A, %add3A_89 : vector<16xi32>
      %ge3A = arith.constant 0 : i32
      %ge3A_91 = vector.broadcast %ge3A : i32 to vector<16xi32>
      %ge3A_92 = arith.cmpi sge, %add3A_90, %ge3A_91 : vector<16xi32>
      tpu.vector_store_idx %arg7[%add3A_87], %gather3A masked %ge3A_92 : memref<33792xf32, #tpu.memory_space<vmem>>[vector<16xi32>], vector<16xf32>, vector<16xi1>
      %add3A_93 = arith.constant 1 : i32
      %add3A_94 = arith.addi %sub3A_39, %add3A_93 : i32
      %mul3A_95 = arith.constant 4224 : i32
      %mul3A_96 = arith.muli %add3A_94, %mul3A_95 : i32
      %add3A_97 = arith.addi %mul3A_96, %mul3A_76 : i32
      %sub3A_98 = arith.subi %add3A_97, %add3A_94 : i32
      %add3A_99 = vector.broadcast %sub3A_98 : i32 to vector<16xi32>
      %add3A_100 = arith.addi %iota3A, %add3A_99 : vector<16xi32>
      %sub3A_101 = arith.subi %mul3A_76, %add3A_94 : i32
      %add3A_102 = vector.broadcast %sub3A_101 : i32 to vector<16xi32>
      %add3A_103 = arith.addi %iota3A, %add3A_102 : vector<16xi32>
      %ge3A_104 = arith.constant 0 : i32
      %ge3A_105 = vector.broadcast %ge3A_104 : i32 to vector<16xi32>
      %ge3A_106 = arith.cmpi sge, %add3A_103, %ge3A_105 : vector<16xi32>
      tpu.vector_store_idx %arg7[%add3A_100], %gather3A masked %ge3A_106 : memref<33792xf32, #tpu.memory_space<vmem>>[vector<16xi32>], vector<16xf32>, vector<16xi1>
      %add3A_107 = arith.constant 2 : i32
      %add3A_108 = arith.addi %sub3A_39, %add3A_107 : i32
      %mul3A_109 = arith.constant 4224 : i32
      %mul3A_110 = arith.muli %add3A_108, %mul3A_109 : i32
      %add3A_111 = arith.addi %mul3A_110, %mul3A_76 : i32
      %sub3A_112 = arith.subi %add3A_111, %add3A_108 : i32
      %add3A_113 = vector.broadcast %sub3A_112 : i32 to vector<16xi32>
      %add3A_114 = arith.addi %iota3A, %add3A_113 : vector<16xi32>
      %sub3A_115 = arith.subi %mul3A_76, %add3A_108 : i32
      %add3A_116 = vector.broadcast %sub3A_115 : i32 to vector<16xi32>
      %add3A_117 = arith.addi %iota3A, %add3A_116 : vector<16xi32>
      %ge3A_118 = arith.constant 0 : i32
      %ge3A_119 = vector.broadcast %ge3A_118 : i32 to vector<16xi32>
      %ge3A_120 = arith.cmpi sge, %add3A_117, %ge3A_119 : vector<16xi32>
      tpu.vector_store_idx %arg7[%add3A_114], %gather3A masked %ge3A_120 : memref<33792xf32, #tpu.memory_space<vmem>>[vector<16xi32>], vector<16xf32>, vector<16xi1>
      %add3A_121 = arith.constant 3 : i32
      %add3A_122 = arith.addi %sub3A_39, %add3A_121 : i32
      %mul3A_123 = arith.constant 4224 : i32
      %mul3A_124 = arith.muli %add3A_122, %mul3A_123 : i32
      %add3A_125 = arith.addi %mul3A_124, %mul3A_76 : i32
      %sub3A_126 = arith.subi %add3A_125, %add3A_122 : i32
      %add3A_127 = vector.broadcast %sub3A_126 : i32 to vector<16xi32>
      %add3A_128 = arith.addi %iota3A, %add3A_127 : vector<16xi32>
      %sub3A_129 = arith.subi %mul3A_76, %add3A_122 : i32
      %add3A_130 = vector.broadcast %sub3A_129 : i32 to vector<16xi32>
      %add3A_131 = arith.addi %iota3A, %add3A_130 : vector<16xi32>
      %ge3A_132 = arith.constant 0 : i32
      %ge3A_133 = vector.broadcast %ge3A_132 : i32 to vector<16xi32>
      %ge3A_134 = arith.cmpi sge, %add3A_131, %ge3A_133 : vector<16xi32>
      tpu.vector_store_idx %arg7[%add3A_128], %gather3A masked %ge3A_134 : memref<33792xf32, #tpu.memory_space<vmem>>[vector<16xi32>], vector<16xf32>, vector<16xi1>
      %scan3A_135 = arith.constant 0 : i32
      scf.yield %scan3A_135 : i32
    }
    %scan3A_45 = arith.constant 264 : i32
    %add3A_46 = arith.constant 0 : i32
    %add3A_47 = arith.addi %mul3A_32, %add3A_46 : i32
    %sub3A_48 = arith.constant 7 : i32
    %sub3A_49 = arith.subi %sub3A_48, %add3A_47 : i32
    %mul3A_50 = arith.constant 4224 : i32
    %mul3A_51 = arith.muli %sub3A_49, %mul3A_50 : i32
    %multiple_of3A = tpu.assume_multiple %mul3A_51, 8 : i32
    "tpu.region"() ({
      %run_scoped3A = tpu.sem_alloc : memref<!tpu.dma_semaphore, #tpu.memory_space<semaphore_mem>>
      %dma_start3A = tpu.memref_slice %arg7[%multiple_of3A] : memref<33792xf32, #tpu.memory_space<vmem>> -> memref<4224xf32, #tpu.memory_space<vmem>>
      %dma_start3A_73 = arith.constant 0 : i32
      %dma_start3A_74 = tpu.memref_slice %arg4[%select_n3A, %add3A_47, %dma_start3A_73] : memref<16x8x4224xf32, #tpu.memory_space<hbm>> -> memref<1x1x4224xf32, #tpu.memory_space<hbm>>
      %dma_start3A_75 = tpu.memref_squeeze %dma_start3A_74 : memref<1x1x4224xf32, #tpu.memory_space<hbm>> -> memref<4224xf32, #tpu.memory_space<hbm>>
      %dma_start3A_76 = arith.constant 0 : i32
      %dma_start3A_77 = tpu.memref_slice %arg4[%select_n3A, %add3A_47, %dma_start3A_76] : memref<16x8x4224xf32, #tpu.memory_space<hbm>> -> memref<1x1x4224xf32, #tpu.memory_space<hbm>>
      %dma_start3A_78 = tpu.memref_squeeze %dma_start3A_77 : memref<1x1x4224xf32, #tpu.memory_space<hbm>> -> memref<4224xf32, #tpu.memory_space<hbm>>
      %dma_start3A_79 = tpu.memref_slice %arg7[%multiple_of3A] : memref<33792xf32, #tpu.memory_space<vmem>> -> memref<4224xf32, #tpu.memory_space<vmem>>
      tpu.enqueue_dma source(%dma_start3A_79 : memref<4224xf32, #tpu.memory_space<vmem>>) target(%dma_start3A_78 : memref<4224xf32, #tpu.memory_space<hbm>>) target_semaphore(%run_scoped3A : memref<!tpu.dma_semaphore, #tpu.memory_space<semaphore_mem>>)
      %dma_wait3A = tpu.memref_slice %arg7[%multiple_of3A] : memref<33792xf32, #tpu.memory_space<vmem>> -> memref<4224xf32, #tpu.memory_space<vmem>>
      %dma_wait3A_80 = arith.constant 0 : i32
      %dma_wait3A_81 = tpu.memref_slice %arg4[%select_n3A, %add3A_47, %dma_wait3A_80] : memref<16x8x4224xf32, #tpu.memory_space<hbm>> -> memref<1x1x4224xf32, #tpu.memory_space<hbm>>
      %dma_wait3A_82 = tpu.memref_squeeze %dma_wait3A_81 : memref<1x1x4224xf32, #tpu.memory_space<hbm>> -> memref<4224xf32, #tpu.memory_space<hbm>>
      %dma_wait3A_83 = arith.constant 0 : i32
      %dma_wait3A_84 = tpu.memref_slice %arg4[%select_n3A, %add3A_47, %dma_wait3A_83] : memref<16x8x4224xf32, #tpu.memory_space<hbm>> -> memref<1x1x4224xf32, #tpu.memory_space<hbm>>
      %dma_wait3A_85 = tpu.memref_squeeze %dma_wait3A_84 : memref<1x1x4224xf32, #tpu.memory_space<hbm>> -> memref<4224xf32, #tpu.memory_space<hbm>>
      %dma_wait3A_86 = tpu.memref_slice %arg7[%multiple_of3A] : memref<33792xf32, #tpu.memory_space<vmem>> -> memref<4224xf32, #tpu.memory_space<vmem>>
      tpu.wait_dma2 semaphore(%run_scoped3A : memref<!tpu.dma_semaphore, #tpu.memory_space<semaphore_mem>>) src(%dma_wait3A_86 : memref<4224xf32, #tpu.memory_space<vmem>>) dst(%dma_wait3A_85 : memref<4224xf32, #tpu.memory_space<hbm>>)
      tpu.yield
    }) : () -> ()
    %add3A_52 = arith.constant 1 : i32
    %add3A_53 = arith.addi %mul3A_32, %add3A_52 : i32
    %sub3A_54 = arith.constant 7 : i32
    %sub3A_55 = arith.subi %sub3A_54, %add3A_53 : i32
    %mul3A_56 = arith.constant 4224 : i32
    %mul3A_57 = arith.muli %sub3A_55, %mul3A_56 : i32
    %multiple_of3A_58 = tpu.assume_multiple %mul3A_57, 8 : i32
    "tpu.region"() ({
      %run_scoped3A = tpu.sem_alloc : memref<!tpu.dma_semaphore, #tpu.memory_space<semaphore_mem>>
      %dma_start3A = tpu.memref_slice %arg7[%multiple_of3A_58] : memref<33792xf32, #tpu.memory_space<vmem>> -> memref<4224xf32, #tpu.memory_space<vmem>>
      %dma_start3A_73 = arith.constant 0 : i32
      %dma_start3A_74 = tpu.memref_slice %arg4[%select_n3A, %add3A_53, %dma_start3A_73] : memref<16x8x4224xf32, #tpu.memory_space<hbm>> -> memref<1x1x4224xf32, #tpu.memory_space<hbm>>
      %dma_start3A_75 = tpu.memref_squeeze %dma_start3A_74 : memref<1x1x4224xf32, #tpu.memory_space<hbm>> -> memref<4224xf32, #tpu.memory_space<hbm>>
      %dma_start3A_76 = arith.constant 0 : i32
      %dma_start3A_77 = tpu.memref_slice %arg4[%select_n3A, %add3A_53, %dma_start3A_76] : memref<16x8x4224xf32, #tpu.memory_space<hbm>> -> memref<1x1x4224xf32, #tpu.memory_space<hbm>>
      %dma_start3A_78 = tpu.memref_squeeze %dma_start3A_77 : memref<1x1x4224xf32, #tpu.memory_space<hbm>> -> memref<4224xf32, #tpu.memory_space<hbm>>
      %dma_start3A_79 = tpu.memref_slice %arg7[%multiple_of3A_58] : memref<33792xf32, #tpu.memory_space<vmem>> -> memref<4224xf32, #tpu.memory_space<vmem>>
      tpu.enqueue_dma source(%dma_start3A_79 : memref<4224xf32, #tpu.memory_space<vmem>>) target(%dma_start3A_78 : memref<4224xf32, #tpu.memory_space<hbm>>) target_semaphore(%run_scoped3A : memref<!tpu.dma_semaphore, #tpu.memory_space<semaphore_mem>>)
      %dma_wait3A = tpu.memref_slice %arg7[%multiple_of3A_58] : memref<33792xf32, #tpu.memory_space<vmem>> -> memref<4224xf32, #tpu.memory_space<vmem>>
      %dma_wait3A_80 = arith.constant 0 : i32
      %dma_wait3A_81 = tpu.memref_slice %arg4[%select_n3A, %add3A_53, %dma_wait3A_80] : memref<16x8x4224xf32, #tpu.memory_space<hbm>> -> memref<1x1x4224xf32, #tpu.memory_space<hbm>>
      %dma_wait3A_82 = tpu.memref_squeeze %dma_wait3A_81 : memref<1x1x4224xf32, #tpu.memory_space<hbm>> -> memref<4224xf32, #tpu.memory_space<hbm>>
      %dma_wait3A_83 = arith.constant 0 : i32
      %dma_wait3A_84 = tpu.memref_slice %arg4[%select_n3A, %add3A_53, %dma_wait3A_83] : memref<16x8x4224xf32, #tpu.memory_space<hbm>> -> memref<1x1x4224xf32, #tpu.memory_space<hbm>>
      %dma_wait3A_85 = tpu.memref_squeeze %dma_wait3A_84 : memref<1x1x4224xf32, #tpu.memory_space<hbm>> -> memref<4224xf32, #tpu.memory_space<hbm>>
      %dma_wait3A_86 = tpu.memref_slice %arg7[%multiple_of3A_58] : memref<33792xf32, #tpu.memory_space<vmem>> -> memref<4224xf32, #tpu.memory_space<vmem>>
      tpu.wait_dma2 semaphore(%run_scoped3A : memref<!tpu.dma_semaphore, #tpu.memory_space<semaphore_mem>>) src(%dma_wait3A_86 : memref<4224xf32, #tpu.memory_space<vmem>>) dst(%dma_wait3A_85 : memref<4224xf32, #tpu.memory_space<hbm>>)
      tpu.yield
    }) : () -> ()
    %add3A_59 = arith.constant 2 : i32
    %add3A_60 = arith.addi %mul3A_32, %add3A_59 : i32
    %sub3A_61 = arith.constant 7 : i32
    %sub3A_62 = arith.subi %sub3A_61, %add3A_60 : i32
    %mul3A_63 = arith.constant 4224 : i32
    %mul3A_64 = arith.muli %sub3A_62, %mul3A_63 : i32
    %multiple_of3A_65 = tpu.assume_multiple %mul3A_64, 8 : i32
    "tpu.region"() ({
      %run_scoped3A = tpu.sem_alloc : memref<!tpu.dma_semaphore, #tpu.memory_space<semaphore_mem>>
      %dma_start3A = tpu.memref_slice %arg7[%multiple_of3A_65] : memref<33792xf32, #tpu.memory_space<vmem>> -> memref<4224xf32, #tpu.memory_space<vmem>>
      %dma_start3A_73 = arith.constant 0 : i32
      %dma_start3A_74 = tpu.memref_slice %arg4[%select_n3A, %add3A_60, %dma_start3A_73] : memref<16x8x4224xf32, #tpu.memory_space<hbm>> -> memref<1x1x4224xf32, #tpu.memory_space<hbm>>
      %dma_start3A_75 = tpu.memref_squeeze %dma_start3A_74 : memref<1x1x4224xf32, #tpu.memory_space<hbm>> -> memref<4224xf32, #tpu.memory_space<hbm>>
      %dma_start3A_76 = arith.constant 0 : i32
      %dma_start3A_77 = tpu.memref_slice %arg4[%select_n3A, %add3A_60, %dma_start3A_76] : memref<16x8x4224xf32, #tpu.memory_space<hbm>> -> memref<1x1x4224xf32, #tpu.memory_space<hbm>>
      %dma_start3A_78 = tpu.memref_squeeze %dma_start3A_77 : memref<1x1x4224xf32, #tpu.memory_space<hbm>> -> memref<4224xf32, #tpu.memory_space<hbm>>
      %dma_start3A_79 = tpu.memref_slice %arg7[%multiple_of3A_65] : memref<33792xf32, #tpu.memory_space<vmem>> -> memref<4224xf32, #tpu.memory_space<vmem>>
      tpu.enqueue_dma source(%dma_start3A_79 : memref<4224xf32, #tpu.memory_space<vmem>>) target(%dma_start3A_78 : memref<4224xf32, #tpu.memory_space<hbm>>) target_semaphore(%run_scoped3A : memref<!tpu.dma_semaphore, #tpu.memory_space<semaphore_mem>>)
      %dma_wait3A = tpu.memref_slice %arg7[%multiple_of3A_65] : memref<33792xf32, #tpu.memory_space<vmem>> -> memref<4224xf32, #tpu.memory_space<vmem>>
      %dma_wait3A_80 = arith.constant 0 : i32
      %dma_wait3A_81 = tpu.memref_slice %arg4[%select_n3A, %add3A_60, %dma_wait3A_80] : memref<16x8x4224xf32, #tpu.memory_space<hbm>> -> memref<1x1x4224xf32, #tpu.memory_space<hbm>>
      %dma_wait3A_82 = tpu.memref_squeeze %dma_wait3A_81 : memref<1x1x4224xf32, #tpu.memory_space<hbm>> -> memref<4224xf32, #tpu.memory_space<hbm>>
      %dma_wait3A_83 = arith.constant 0 : i32
      %dma_wait3A_84 = tpu.memref_slice %arg4[%select_n3A, %add3A_60, %dma_wait3A_83] : memref<16x8x4224xf32, #tpu.memory_space<hbm>> -> memref<1x1x4224xf32, #tpu.memory_space<hbm>>
      %dma_wait3A_85 = tpu.memref_squeeze %dma_wait3A_84 : memref<1x1x4224xf32, #tpu.memory_space<hbm>> -> memref<4224xf32, #tpu.memory_space<hbm>>
      %dma_wait3A_86 = tpu.memref_slice %arg7[%multiple_of3A_65] : memref<33792xf32, #tpu.memory_space<vmem>> -> memref<4224xf32, #tpu.memory_space<vmem>>
      tpu.wait_dma2 semaphore(%run_scoped3A : memref<!tpu.dma_semaphore, #tpu.memory_space<semaphore_mem>>) src(%dma_wait3A_86 : memref<4224xf32, #tpu.memory_space<vmem>>) dst(%dma_wait3A_85 : memref<4224xf32, #tpu.memory_space<hbm>>)
      tpu.yield
    }) : () -> ()
    %add3A_66 = arith.constant 3 : i32
    %add3A_67 = arith.addi %mul3A_32, %add3A_66 : i32
    %sub3A_68 = arith.constant 7 : i32
    %sub3A_69 = arith.subi %sub3A_68, %add3A_67 : i32
    %mul3A_70 = arith.constant 4224 : i32
    %mul3A_71 = arith.muli %sub3A_69, %mul3A_70 : i32
    %multiple_of3A_72 = tpu.assume_multiple %mul3A_71, 8 : i32
    "tpu.region"() ({
      %run_scoped3A = tpu.sem_alloc : memref<!tpu.dma_semaphore, #tpu.memory_space<semaphore_mem>>
      %dma_start3A = tpu.memref_slice %arg7[%multiple_of3A_72] : memref<33792xf32, #tpu.memory_space<vmem>> -> memref<4224xf32, #tpu.memory_space<vmem>>
      %dma_start3A_73 = arith.constant 0 : i32
      %dma_start3A_74 = tpu.memref_slice %arg4[%select_n3A, %add3A_67, %dma_start3A_73] : memref<16x8x4224xf32, #tpu.memory_space<hbm>> -> memref<1x1x4224xf32, #tpu.memory_space<hbm>>
      %dma_start3A_75 = tpu.memref_squeeze %dma_start3A_74 : memref<1x1x4224xf32, #tpu.memory_space<hbm>> -> memref<4224xf32, #tpu.memory_space<hbm>>
      %dma_start3A_76 = arith.constant 0 : i32
      %dma_start3A_77 = tpu.memref_slice %arg4[%select_n3A, %add3A_67, %dma_start3A_76] : memref<16x8x4224xf32, #tpu.memory_space<hbm>> -> memref<1x1x4224xf32, #tpu.memory_space<hbm>>
      %dma_start3A_78 = tpu.memref_squeeze %dma_start3A_77 : memref<1x1x4224xf32, #tpu.memory_space<hbm>> -> memref<4224xf32, #tpu.memory_space<hbm>>
      %dma_start3A_79 = tpu.memref_slice %arg7[%multiple_of3A_72] : memref<33792xf32, #tpu.memory_space<vmem>> -> memref<4224xf32, #tpu.memory_space<vmem>>
      tpu.enqueue_dma source(%dma_start3A_79 : memref<4224xf32, #tpu.memory_space<vmem>>) target(%dma_start3A_78 : memref<4224xf32, #tpu.memory_space<hbm>>) target_semaphore(%run_scoped3A : memref<!tpu.dma_semaphore, #tpu.memory_space<semaphore_mem>>)
      %dma_wait3A = tpu.memref_slice %arg7[%multiple_of3A_72] : memref<33792xf32, #tpu.memory_space<vmem>> -> memref<4224xf32, #tpu.memory_space<vmem>>
      %dma_wait3A_80 = arith.constant 0 : i32
      %dma_wait3A_81 = tpu.memref_slice %arg4[%select_n3A, %add3A_67, %dma_wait3A_80] : memref<16x8x4224xf32, #tpu.memory_space<hbm>> -> memref<1x1x4224xf32, #tpu.memory_space<hbm>>
      %dma_wait3A_82 = tpu.memref_squeeze %dma_wait3A_81 : memref<1x1x4224xf32, #tpu.memory_space<hbm>> -> memref<4224xf32, #tpu.memory_space<hbm>>
      %dma_wait3A_83 = arith.constant 0 : i32
      %dma_wait3A_84 = tpu.memref_slice %arg4[%select_n3A, %add3A_67, %dma_wait3A_83] : memref<16x8x4224xf32, #tpu.memory_space<hbm>> -> memref<1x1x4224xf32, #tpu.memory_space<hbm>>
      %dma_wait3A_85 = tpu.memref_squeeze %dma_wait3A_84 : memref<1x1x4224xf32, #tpu.memory_space<hbm>> -> memref<4224xf32, #tpu.memory_space<hbm>>
      %dma_wait3A_86 = tpu.memref_slice %arg7[%multiple_of3A_72] : memref<33792xf32, #tpu.memory_space<vmem>> -> memref<4224xf32, #tpu.memory_space<vmem>>
      tpu.wait_dma2 semaphore(%run_scoped3A : memref<!tpu.dma_semaphore, #tpu.memory_space<semaphore_mem>>) src(%dma_wait3A_86 : memref<4224xf32, #tpu.memory_space<vmem>>) dst(%dma_wait3A_85 : memref<4224xf32, #tpu.memory_space<hbm>>)
      tpu.yield
    }) : () -> ()
    return
  }
}

module attributes {stable_mosaic.version = 14 : i64} {
  func.func @_bias_tc_body(%arg0: i32, %arg1: i32, %arg2: memref<1x8x4224xf32, #tpu.memory_space<vmem>>, %arg3: memref<1x1x2048x2048xf32, #tpu.memory_space<vmem>>) attributes {dimension_semantics = [#tpu.dimension_semantics<arbitrary>, #tpu.dimension_semantics<arbitrary>], iteration_bounds = array<i64: 16, 1>, scalar_prefetch = 0 : i64, scratch_operands = 0 : i64, tpu.core_type = #tpu.core_type<tc>, window_params = [{transform_indices = @transform_0, window_bounds = array<i64: 1, 8, 4224>}, {transform_indices = @transform_1, window_bounds = array<i64: 1, 1, 2048, 2048>}]} {
    %mul3A = arith.constant 16 : i32
    %mul3A_0 = arith.muli %mul3A, %arg1 : i32
    %sub3A = arith.constant 15 : i32
    %sub3A_1 = arith.subi %sub3A, %mul3A_0 : i32
    %sub3A_2 = arith.constant 0 : i32
    %sub3A_3 = arith.subi %sub3A_1, %sub3A_2 : i32
    %mul3A_4 = arith.constant 128 : i32
    %mul3A_5 = arith.muli %mul3A_4, %sub3A_3 : i32
    %multiple_of3A = tpu.assume_multiple %mul3A_5, 128 : i32
    %get3A = arith.constant 0 : index
    %get3A_6 = arith.constant 0 : index
    %get3A_7 = arith.index_cast %multiple_of3A : i32 to index
    %get3A_8 = vector.load %arg2[%get3A, %get3A_6, %get3A_7] : memref<1x8x4224xf32, #tpu.memory_space<vmem>>, vector<1x8x2176xf32>
    %get3A_9 = vector.shape_cast %get3A_8 : vector<1x8x2176xf32> to vector<8x2176xf32>
    %slice3A = vector.extract_strided_slice %get3A_9 {offsets = [0, 120], sizes = [8, 2048], strides = [1, 1]} : vector<8x2176xf32> to vector<8x2048xf32>
    %swap3A = arith.constant 0 : index
    %swap3A_10 = arith.constant 0 : index
    %swap3A_11 = arith.constant 0 : index
    %swap3A_12 = arith.constant 0 : index
    %swap3A_13 = vector.load %arg3[%swap3A, %swap3A_10, %swap3A_11, %swap3A_12] : memref<1x1x2048x2048xf32, #tpu.memory_space<vmem>>, vector<1x1x8x2048xf32>
    %swap3A_14 = vector.shape_cast %swap3A_13 : vector<1x1x8x2048xf32> to vector<8x2048xf32>
    %swap3A_15 = vector.shape_cast %slice3A : vector<8x2048xf32> to vector<1x1x8x2048xf32>
    tpu.vector_store %arg3[%swap3A, %swap3A_10, %swap3A_11, %swap3A_12], %swap3A_15 {strides = array<i32>} : memref<1x1x2048x2048xf32, #tpu.memory_space<vmem>>, vector<1x1x8x2048xf32>,
    %slice3A_16 = vector.extract_strided_slice %get3A_9 {offsets = [0, 112], sizes = [8, 2048], strides = [1, 1]} : vector<8x2176xf32> to vector<8x2048xf32>
    %swap3A_17 = arith.constant 0 : index
    %swap3A_18 = arith.constant 0 : index
    %swap3A_19 = arith.constant 8 : index
    %swap3A_20 = arith.constant 0 : index
    %swap3A_21 = vector.load %arg3[%swap3A_17, %swap3A_18, %swap3A_19, %swap3A_20] : memref<1x1x2048x2048xf32, #tpu.memory_space<vmem>>, vector<1x1x8x2048xf32>
    %swap3A_22 = vector.shape_cast %swap3A_21 : vector<1x1x8x2048xf32> to vector<8x2048xf32>
    %swap3A_23 = vector.shape_cast %slice3A_16 : vector<8x2048xf32> to vector<1x1x8x2048xf32>
    tpu.vector_store %arg3[%swap3A_17, %swap3A_18, %swap3A_19, %swap3A_20], %swap3A_23 {strides = array<i32>} : memref<1x1x2048x2048xf32, #tpu.memory_space<vmem>>, vector<1x1x8x2048xf32>,
    %slice3A_24 = vector.extract_strided_slice %get3A_9 {offsets = [0, 104], sizes = [8, 2048], strides = [1, 1]} : vector<8x2176xf32> to vector<8x2048xf32>
    %swap3A_25 = arith.constant 0 : index
    %swap3A_26 = arith.constant 0 : index
    %swap3A_27 = arith.constant 16 : index
    %swap3A_28 = arith.constant 0 : index
    %swap3A_29 = vector.load %arg3[%swap3A_25, %swap3A_26, %swap3A_27, %swap3A_28] : memref<1x1x2048x2048xf32, #tpu.memory_space<vmem>>, vector<1x1x8x2048xf32>
    %swap3A_30 = vector.shape_cast %swap3A_29 : vector<1x1x8x2048xf32> to vector<8x2048xf32>
    %swap3A_31 = vector.shape_cast %slice3A_24 : vector<8x2048xf32> to vector<1x1x8x2048xf32>
    tpu.vector_store %arg3[%swap3A_25, %swap3A_26, %swap3A_27, %swap3A_28], %swap3A_31 {strides = array<i32>} : memref<1x1x2048x2048xf32, #tpu.memory_space<vmem>>, vector<1x1x8x2048xf32>,
    %slice3A_32 = vector.extract_strided_slice %get3A_9 {offsets = [0, 96], sizes = [8, 2048], strides = [1, 1]} : vector<8x2176xf32> to vector<8x2048xf32>
    %swap3A_33 = arith.constant 0 : index
    %swap3A_34 = arith.constant 0 : index
    %swap3A_35 = arith.constant 24 : index
    %swap3A_36 = arith.constant 0 : index
    %swap3A_37 = vector.load %arg3[%swap3A_33, %swap3A_34, %swap3A_35, %swap3A_36] : memref<1x1x2048x2048xf32, #tpu.memory_space<vmem>>, vector<1x1x8x2048xf32>
    %swap3A_38 = vector.shape_cast %swap3A_37 : vector<1x1x8x2048xf32> to vector<8x2048xf32>
    %swap3A_39 = vector.shape_cast %slice3A_32 : vector<8x2048xf32> to vector<1x1x8x2048xf32>
    tpu.vector_store %arg3[%swap3A_33, %swap3A_34, %swap3A_35, %swap3A_36], %swap3A_39 {strides = array<i32>} : memref<1x1x2048x2048xf32, #tpu.memory_space<vmem>>, vector<1x1x8x2048xf32>,
    %slice3A_40 = vector.extract_strided_slice %get3A_9 {offsets = [0, 88], sizes = [8, 2048], strides = [1, 1]} : vector<8x2176xf32> to vector<8x2048xf32>
    %swap3A_41 = arith.constant 0 : index
    %swap3A_42 = arith.constant 0 : index
    %swap3A_43 = arith.constant 32 : index
    %swap3A_44 = arith.constant 0 : index
    %swap3A_45 = vector.load %arg3[%swap3A_41, %swap3A_42, %swap3A_43, %swap3A_44] : memref<1x1x2048x2048xf32, #tpu.memory_space<vmem>>, vector<1x1x8x2048xf32>
    %swap3A_46 = vector.shape_cast %swap3A_45 : vector<1x1x8x2048xf32> to vector<8x2048xf32>
    %swap3A_47 = vector.shape_cast %slice3A_40 : vector<8x2048xf32> to vector<1x1x8x2048xf32>
    tpu.vector_store %arg3[%swap3A_41, %swap3A_42, %swap3A_43, %swap3A_44], %swap3A_47 {strides = array<i32>} : memref<1x1x2048x2048xf32, #tpu.memory_space<vmem>>, vector<1x1x8x2048xf32>,
    %slice3A_48 = vector.extract_strided_slice %get3A_9 {offsets = [0, 80], sizes = [8, 2048], strides = [1, 1]} : vector<8x2176xf32> to vector<8x2048xf32>
    %swap3A_49 = arith.constant 0 : index
    %swap3A_50 = arith.constant 0 : index
    %swap3A_51 = arith.constant 40 : index
    %swap3A_52 = arith.constant 0 : index
    %swap3A_53 = vector.load %arg3[%swap3A_49, %swap3A_50, %swap3A_51, %swap3A_52] : memref<1x1x2048x2048xf32, #tpu.memory_space<vmem>>, vector<1x1x8x2048xf32>
    %swap3A_54 = vector.shape_cast %swap3A_53 : vector<1x1x8x2048xf32> to vector<8x2048xf32>
    %swap3A_55 = vector.shape_cast %slice3A_48 : vector<8x2048xf32> to vector<1x1x8x2048xf32>
    tpu.vector_store %arg3[%swap3A_49, %swap3A_50, %swap3A_51, %swap3A_52], %swap3A_55 {strides = array<i32>} : memref<1x1x2048x2048xf32, #tpu.memory_space<vmem>>, vector<1x1x8x2048xf32>,
    %slice3A_56 = vector.extract_strided_slice %get3A_9 {offsets = [0, 72], sizes = [8, 2048], strides = [1, 1]} : vector<8x2176xf32> to vector<8x2048xf32>
    %swap3A_57 = arith.constant 0 : index
    %swap3A_58 = arith.constant 0 : index
    %swap3A_59 = arith.constant 48 : index
    %swap3A_60 = arith.constant 0 : index
    %swap3A_61 = vector.load %arg3[%swap3A_57, %swap3A_58, %swap3A_59, %swap3A_60] : memref<1x1x2048x2048xf32, #tpu.memory_space<vmem>>, vector<1x1x8x2048xf32>
    %swap3A_62 = vector.shape_cast %swap3A_61 : vector<1x1x8x2048xf32> to vector<8x2048xf32>
    %swap3A_63 = vector.shape_cast %slice3A_56 : vector<8x2048xf32> to vector<1x1x8x2048xf32>
    tpu.vector_store %arg3[%swap3A_57, %swap3A_58, %swap3A_59, %swap3A_60], %swap3A_63 {strides = array<i32>} : memref<1x1x2048x2048xf32, #tpu.memory_space<vmem>>, vector<1x1x8x2048xf32>,
    %slice3A_64 = vector.extract_strided_slice %get3A_9 {offsets = [0, 64], sizes = [8, 2048], strides = [1, 1]} : vector<8x2176xf32> to vector<8x2048xf32>
    %swap3A_65 = arith.constant 0 : index
    %swap3A_66 = arith.constant 0 : index
    %swap3A_67 = arith.constant 56 : index
    %swap3A_68 = arith.constant 0 : index
    %swap3A_69 = vector.load %arg3[%swap3A_65, %swap3A_66, %swap3A_67, %swap3A_68] : memref<1x1x2048x2048xf32, #tpu.memory_space<vmem>>, vector<1x1x8x2048xf32>
    %swap3A_70 = vector.shape_cast %swap3A_69 : vector<1x1x8x2048xf32> to vector<8x2048xf32>
    %swap3A_71 = vector.shape_cast %slice3A_64 : vector<8x2048xf32> to vector<1x1x8x2048xf32>
    tpu.vector_store %arg3[%swap3A_65, %swap3A_66, %swap3A_67, %swap3A_68], %swap3A_71 {strides = array<i32>} : memref<1x1x2048x2048xf32, #tpu.memory_space<vmem>>, vector<1x1x8x2048xf32>,
    %slice3A_72 = vector.extract_strided_slice %get3A_9 {offsets = [0, 56], sizes = [8, 2048], strides = [1, 1]} : vector<8x2176xf32> to vector<8x2048xf32>
    %swap3A_73 = arith.constant 0 : index
    %swap3A_74 = arith.constant 0 : index
    %swap3A_75 = arith.constant 64 : index
    %swap3A_76 = arith.constant 0 : index
    %swap3A_77 = vector.load %arg3[%swap3A_73, %swap3A_74, %swap3A_75, %swap3A_76] : memref<1x1x2048x2048xf32, #tpu.memory_space<vmem>>, vector<1x1x8x2048xf32>
    %swap3A_78 = vector.shape_cast %swap3A_77 : vector<1x1x8x2048xf32> to vector<8x2048xf32>
    %swap3A_79 = vector.shape_cast %slice3A_72 : vector<8x2048xf32> to vector<1x1x8x2048xf32>
    tpu.vector_store %arg3[%swap3A_73, %swap3A_74, %swap3A_75, %swap3A_76], %swap3A_79 {strides = array<i32>} : memref<1x1x2048x2048xf32, #tpu.memory_space<vmem>>, vector<1x1x8x2048xf32>,
    %slice3A_80 = vector.extract_strided_slice %get3A_9 {offsets = [0, 48], sizes = [8, 2048], strides = [1, 1]} : vector<8x2176xf32> to vector<8x2048xf32>
    %swap3A_81 = arith.constant 0 : index
    %swap3A_82 = arith.constant 0 : index
    %swap3A_83 = arith.constant 72 : index
    %swap3A_84 = arith.constant 0 : index
    %swap3A_85 = vector.load %arg3[%swap3A_81, %swap3A_82, %swap3A_83, %swap3A_84] : memref<1x1x2048x2048xf32, #tpu.memory_space<vmem>>, vector<1x1x8x2048xf32>
    %swap3A_86 = vector.shape_cast %swap3A_85 : vector<1x1x8x2048xf32> to vector<8x2048xf32>
    %swap3A_87 = vector.shape_cast %slice3A_80 : vector<8x2048xf32> to vector<1x1x8x2048xf32>
    tpu.vector_store %arg3[%swap3A_81, %swap3A_82, %swap3A_83, %swap3A_84], %swap3A_87 {strides = array<i32>} : memref<1x1x2048x2048xf32, #tpu.memory_space<vmem>>, vector<1x1x8x2048xf32>,
    %slice3A_88 = vector.extract_strided_slice %get3A_9 {offsets = [0, 40], sizes = [8, 2048], strides = [1, 1]} : vector<8x2176xf32> to vector<8x2048xf32>
    %swap3A_89 = arith.constant 0 : index
    %swap3A_90 = arith.constant 0 : index
    %swap3A_91 = arith.constant 80 : index
    %swap3A_92 = arith.constant 0 : index
    %swap3A_93 = vector.load %arg3[%swap3A_89, %swap3A_90, %swap3A_91, %swap3A_92] : memref<1x1x2048x2048xf32, #tpu.memory_space<vmem>>, vector<1x1x8x2048xf32>
    %swap3A_94 = vector.shape_cast %swap3A_93 : vector<1x1x8x2048xf32> to vector<8x2048xf32>
    %swap3A_95 = vector.shape_cast %slice3A_88 : vector<8x2048xf32> to vector<1x1x8x2048xf32>
    tpu.vector_store %arg3[%swap3A_89, %swap3A_90, %swap3A_91, %swap3A_92], %swap3A_95 {strides = array<i32>} : memref<1x1x2048x2048xf32, #tpu.memory_space<vmem>>, vector<1x1x8x2048xf32>,
    %slice3A_96 = vector.extract_strided_slice %get3A_9 {offsets = [0, 32], sizes = [8, 2048], strides = [1, 1]} : vector<8x2176xf32> to vector<8x2048xf32>
    %swap3A_97 = arith.constant 0 : index
    %swap3A_98 = arith.constant 0 : index
    %swap3A_99 = arith.constant 88 : index
    %swap3A_100 = arith.constant 0 : index
    %swap3A_101 = vector.load %arg3[%swap3A_97, %swap3A_98, %swap3A_99, %swap3A_100] : memref<1x1x2048x2048xf32, #tpu.memory_space<vmem>>, vector<1x1x8x2048xf32>
    %swap3A_102 = vector.shape_cast %swap3A_101 : vector<1x1x8x2048xf32> to vector<8x2048xf32>
    %swap3A_103 = vector.shape_cast %slice3A_96 : vector<8x2048xf32> to vector<1x1x8x2048xf32>
    tpu.vector_store %arg3[%swap3A_97, %swap3A_98, %swap3A_99, %swap3A_100], %swap3A_103 {strides = array<i32>} : memref<1x1x2048x2048xf32, #tpu.memory_space<vmem>>, vector<1x1x8x2048xf32>,
    %slice3A_104 = vector.extract_strided_slice %get3A_9 {offsets = [0, 24], sizes = [8, 2048], strides = [1, 1]} : vector<8x2176xf32> to vector<8x2048xf32>
    %swap3A_105 = arith.constant 0 : index
    %swap3A_106 = arith.constant 0 : index
    %swap3A_107 = arith.constant 96 : index
    %swap3A_108 = arith.constant 0 : index
    %swap3A_109 = vector.load %arg3[%swap3A_105, %swap3A_106, %swap3A_107, %swap3A_108] : memref<1x1x2048x2048xf32, #tpu.memory_space<vmem>>, vector<1x1x8x2048xf32>
    %swap3A_110 = vector.shape_cast %swap3A_109 : vector<1x1x8x2048xf32> to vector<8x2048xf32>
    %swap3A_111 = vector.shape_cast %slice3A_104 : vector<8x2048xf32> to vector<1x1x8x2048xf32>
    tpu.vector_store %arg3[%swap3A_105, %swap3A_106, %swap3A_107, %swap3A_108], %swap3A_111 {strides = array<i32>} : memref<1x1x2048x2048xf32, #tpu.memory_space<vmem>>, vector<1x1x8x2048xf32>,
    %slice3A_112 = vector.extract_strided_slice %get3A_9 {offsets = [0, 16], sizes = [8, 2048], strides = [1, 1]} : vector<8x2176xf32> to vector<8x2048xf32>
    %swap3A_113 = arith.constant 0 : index
    %swap3A_114 = arith.constant 0 : index
    %swap3A_115 = arith.constant 104 : index
    %swap3A_116 = arith.constant 0 : index
    %swap3A_117 = vector.load %arg3[%swap3A_113, %swap3A_114, %swap3A_115, %swap3A_116] : memref<1x1x2048x2048xf32, #tpu.memory_space<vmem>>, vector<1x1x8x2048xf32>
    %swap3A_118 = vector.shape_cast %swap3A_117 : vector<1x1x8x2048xf32> to vector<8x2048xf32>
    %swap3A_119 = vector.shape_cast %slice3A_112 : vector<8x2048xf32> to vector<1x1x8x2048xf32>
    tpu.vector_store %arg3[%swap3A_113, %swap3A_114, %swap3A_115, %swap3A_116], %swap3A_119 {strides = array<i32>} : memref<1x1x2048x2048xf32, #tpu.memory_space<vmem>>, vector<1x1x8x2048xf32>,
    %slice3A_120 = vector.extract_strided_slice %get3A_9 {offsets = [0, 8], sizes = [8, 2048], strides = [1, 1]} : vector<8x2176xf32> to vector<8x2048xf32>
    %swap3A_121 = arith.constant 0 : index
    %swap3A_122 = arith.constant 0 : index
    %swap3A_123 = arith.constant 112 : index
    %swap3A_124 = arith.constant 0 : index
    %swap3A_125 = vector.load %arg3[%swap3A_121, %swap3A_122, %swap3A_123, %swap3A_124] : memref<1x1x2048x2048xf32, #tpu.memory_space<vmem>>, vector<1x1x8x2048xf32>
    %swap3A_126 = vector.shape_cast %swap3A_125 : vector<1x1x8x2048xf32> to vector<8x2048xf32>
    %swap3A_127 = vector.shape_cast %slice3A_120 : vector<8x2048xf32> to vector<1x1x8x2048xf32>
    tpu.vector_store %arg3[%swap3A_121, %swap3A_122, %swap3A_123, %swap3A_124], %swap3A_127 {strides = array<i32>} : memref<1x1x2048x2048xf32, #tpu.memory_space<vmem>>, vector<1x1x8x2048xf32>,
    %slice3A_128 = vector.extract_strided_slice %get3A_9 {offsets = [0, 0], sizes = [8, 2048], strides = [1, 1]} : vector<8x2176xf32> to vector<8x2048xf32>
    %swap3A_129 = arith.constant 0 : index
    %swap3A_130 = arith.constant 0 : index
    %swap3A_131 = arith.constant 120 : index
    %swap3A_132 = arith.constant 0 : index
    %swap3A_133 = vector.load %arg3[%swap3A_129, %swap3A_130, %swap3A_131, %swap3A_132] : memref<1x1x2048x2048xf32, #tpu.memory_space<vmem>>, vector<1x1x8x2048xf32>
    %swap3A_134 = vector.shape_cast %swap3A_133 : vector<1x1x8x2048xf32> to vector<8x2048xf32>
    %swap3A_135 = vector.shape_cast %slice3A_128 : vector<8x2048xf32> to vector<1x1x8x2048xf32>
    tpu.vector_store %arg3[%swap3A_129, %swap3A_130, %swap3A_131, %swap3A_132], %swap3A_135 {strides = array<i32>} : memref<1x1x2048x2048xf32, #tpu.memory_space<vmem>>, vector<1x1x8x2048xf32>,
    %mul3A_136 = arith.constant 16 : i32
    %mul3A_137 = arith.muli %mul3A_136, %arg1 : i32
    %sub3A_138 = arith.constant 15 : i32
    %sub3A_139 = arith.subi %sub3A_138, %mul3A_137 : i32
    %sub3A_140 = arith.constant 1 : i32
    %sub3A_141 = arith.subi %sub3A_139, %sub3A_140 : i32
    %mul3A_142 = arith.constant 128 : i32
    %mul3A_143 = arith.muli %mul3A_142, %sub3A_141 : i32
    %multiple_of3A_144 = tpu.assume_multiple %mul3A_143, 128 : i32
    %get3A_145 = arith.constant 0 : index
    %get3A_146 = arith.constant 0 : index
    %get3A_147 = arith.index_cast %multiple_of3A_144 : i32 to index
    %get3A_148 = vector.load %arg2[%get3A_145, %get3A_146, %get3A_147] : memref<1x8x4224xf32, #tpu.memory_space<vmem>>, vector<1x8x2176xf32>
    %get3A_149 = vector.shape_cast %get3A_148 : vector<1x8x2176xf32> to vector<8x2176xf32>
    %slice3A_150 = vector.extract_strided_slice %get3A_149 {offsets = [0, 120], sizes = [8, 2048], strides = [1, 1]} : vector<8x2176xf32> to vector<8x2048xf32>
    %swap3A_151 = arith.constant 0 : index
    %swap3A_152 = arith.constant 0 : index
    %swap3A_153 = arith.constant 128 : index
    %swap3A_154 = arith.constant 0 : index
    %swap3A_155 = vector.load %arg3[%swap3A_151, %swap3A_152, %swap3A_153, %swap3A_154] : memref<1x1x2048x2048xf32, #tpu.memory_space<vmem>>, vector<1x1x8x2048xf32>
    %swap3A_156 = vector.shape_cast %swap3A_155 : vector<1x1x8x2048xf32> to vector<8x2048xf32>
    %swap3A_157 = vector.shape_cast %slice3A_150 : vector<8x2048xf32> to vector<1x1x8x2048xf32>
    tpu.vector_store %arg3[%swap3A_151, %swap3A_152, %swap3A_153, %swap3A_154], %swap3A_157 {strides = array<i32>} : memref<1x1x2048x2048xf32, #tpu.memory_space<vmem>>, vector<1x1x8x2048xf32>,
    %slice3A_158 = vector.extract_strided_slice %get3A_149 {offsets = [0, 112], sizes = [8, 2048], strides = [1, 1]} : vector<8x2176xf32> to vector<8x2048xf32>
    %swap3A_159 = arith.constant 0 : index
    %swap3A_160 = arith.constant 0 : index
    %swap3A_161 = arith.constant 136 : index
    %swap3A_162 = arith.constant 0 : index
    %swap3A_163 = vector.load %arg3[%swap3A_159, %swap3A_160, %swap3A_161, %swap3A_162] : memref<1x1x2048x2048xf32, #tpu.memory_space<vmem>>, vector<1x1x8x2048xf32>
    %swap3A_164 = vector.shape_cast %swap3A_163 : vector<1x1x8x2048xf32> to vector<8x2048xf32>
    %swap3A_165 = vector.shape_cast %slice3A_158 : vector<8x2048xf32> to vector<1x1x8x2048xf32>
    tpu.vector_store %arg3[%swap3A_159, %swap3A_160, %swap3A_161, %swap3A_162], %swap3A_165 {strides = array<i32>} : memref<1x1x2048x2048xf32, #tpu.memory_space<vmem>>, vector<1x1x8x2048xf32>,
    %slice3A_166 = vector.extract_strided_slice %get3A_149 {offsets = [0, 104], sizes = [8, 2048], strides = [1, 1]} : vector<8x2176xf32> to vector<8x2048xf32>
    %swap3A_167 = arith.constant 0 : index
    %swap3A_168 = arith.constant 0 : index
    %swap3A_169 = arith.constant 144 : index
    %swap3A_170 = arith.constant 0 : index
    %swap3A_171 = vector.load %arg3[%swap3A_167, %swap3A_168, %swap3A_169, %swap3A_170] : memref<1x1x2048x2048xf32, #tpu.memory_space<vmem>>, vector<1x1x8x2048xf32>
    %swap3A_172 = vector.shape_cast %swap3A_171 : vector<1x1x8x2048xf32> to vector<8x2048xf32>
    %swap3A_173 = vector.shape_cast %slice3A_166 : vector<8x2048xf32> to vector<1x1x8x2048xf32>
    tpu.vector_store %arg3[%swap3A_167, %swap3A_168, %swap3A_169, %swap3A_170], %swap3A_173 {strides = array<i32>} : memref<1x1x2048x2048xf32, #tpu.memory_space<vmem>>, vector<1x1x8x2048xf32>,
    %slice3A_174 = vector.extract_strided_slice %get3A_149 {offsets = [0, 96], sizes = [8, 2048], strides = [1, 1]} : vector<8x2176xf32> to vector<8x2048xf32>
    %swap3A_175 = arith.constant 0 : index
    %swap3A_176 = arith.constant 0 : index
    %swap3A_177 = arith.constant 152 : index
    %swap3A_178 = arith.constant 0 : index
    %swap3A_179 = vector.load %arg3[%swap3A_175, %swap3A_176, %swap3A_177, %swap3A_178] : memref<1x1x2048x2048xf32, #tpu.memory_space<vmem>>, vector<1x1x8x2048xf32>
    %swap3A_180 = vector.shape_cast %swap3A_179 : vector<1x1x8x2048xf32> to vector<8x2048xf32>
    %swap3A_181 = vector.shape_cast %slice3A_174 : vector<8x2048xf32> to vector<1x1x8x2048xf32>
    tpu.vector_store %arg3[%swap3A_175, %swap3A_176, %swap3A_177, %swap3A_178], %swap3A_181 {strides = array<i32>} : memref<1x1x2048x2048xf32, #tpu.memory_space<vmem>>, vector<1x1x8x2048xf32>,
    %slice3A_182 = vector.extract_strided_slice %get3A_149 {offsets = [0, 88], sizes = [8, 2048], strides = [1, 1]} : vector<8x2176xf32> to vector<8x2048xf32>
    %swap3A_183 = arith.constant 0 : index
    %swap3A_184 = arith.constant 0 : index
    %swap3A_185 = arith.constant 160 : index
    %swap3A_186 = arith.constant 0 : index
    %swap3A_187 = vector.load %arg3[%swap3A_183, %swap3A_184, %swap3A_185, %swap3A_186] : memref<1x1x2048x2048xf32, #tpu.memory_space<vmem>>, vector<1x1x8x2048xf32>
    %swap3A_188 = vector.shape_cast %swap3A_187 : vector<1x1x8x2048xf32> to vector<8x2048xf32>
    %swap3A_189 = vector.shape_cast %slice3A_182 : vector<8x2048xf32> to vector<1x1x8x2048xf32>
    tpu.vector_store %arg3[%swap3A_183, %swap3A_184, %swap3A_185, %swap3A_186], %swap3A_189 {strides = array<i32>} : memref<1x1x2048x2048xf32, #tpu.memory_space<vmem>>, vector<1x1x8x2048xf32>,
    %slice3A_190 = vector.extract_strided_slice %get3A_149 {offsets = [0, 80], sizes = [8, 2048], strides = [1, 1]} : vector<8x2176xf32> to vector<8x2048xf32>
    %swap3A_191 = arith.constant 0 : index
    %swap3A_192 = arith.constant 0 : index
    %swap3A_193 = arith.constant 168 : index
    %swap3A_194 = arith.constant 0 : index
    %swap3A_195 = vector.load %arg3[%swap3A_191, %swap3A_192, %swap3A_193, %swap3A_194] : memref<1x1x2048x2048xf32, #tpu.memory_space<vmem>>, vector<1x1x8x2048xf32>
    %swap3A_196 = vector.shape_cast %swap3A_195 : vector<1x1x8x2048xf32> to vector<8x2048xf32>
    %swap3A_197 = vector.shape_cast %slice3A_190 : vector<8x2048xf32> to vector<1x1x8x2048xf32>
    tpu.vector_store %arg3[%swap3A_191, %swap3A_192, %swap3A_193, %swap3A_194], %swap3A_197 {strides = array<i32>} : memref<1x1x2048x2048xf32, #tpu.memory_space<vmem>>, vector<1x1x8x2048xf32>,
    %slice3A_198 = vector.extract_strided_slice %get3A_149 {offsets = [0, 72], sizes = [8, 2048], strides = [1, 1]} : vector<8x2176xf32> to vector<8x2048xf32>
    %swap3A_199 = arith.constant 0 : index
    %swap3A_200 = arith.constant 0 : index
    %swap3A_201 = arith.constant 176 : index
    %swap3A_202 = arith.constant 0 : index
    %swap3A_203 = vector.load %arg3[%swap3A_199, %swap3A_200, %swap3A_201, %swap3A_202] : memref<1x1x2048x2048xf32, #tpu.memory_space<vmem>>, vector<1x1x8x2048xf32>
    %swap3A_204 = vector.shape_cast %swap3A_203 : vector<1x1x8x2048xf32> to vector<8x2048xf32>
    %swap3A_205 = vector.shape_cast %slice3A_198 : vector<8x2048xf32> to vector<1x1x8x2048xf32>
    tpu.vector_store %arg3[%swap3A_199, %swap3A_200, %swap3A_201, %swap3A_202], %swap3A_205 {strides = array<i32>} : memref<1x1x2048x2048xf32, #tpu.memory_space<vmem>>, vector<1x1x8x2048xf32>,
    %slice3A_206 = vector.extract_strided_slice %get3A_149 {offsets = [0, 64], sizes = [8, 2048], strides = [1, 1]} : vector<8x2176xf32> to vector<8x2048xf32>
    %swap3A_207 = arith.constant 0 : index
    %swap3A_208 = arith.constant 0 : index
    %swap3A_209 = arith.constant 184 : index
    %swap3A_210 = arith.constant 0 : index
    %swap3A_211 = vector.load %arg3[%swap3A_207, %swap3A_208, %swap3A_209, %swap3A_210] : memref<1x1x2048x2048xf32, #tpu.memory_space<vmem>>, vector<1x1x8x2048xf32>
    %swap3A_212 = vector.shape_cast %swap3A_211 : vector<1x1x8x2048xf32> to vector<8x2048xf32>
    %swap3A_213 = vector.shape_cast %slice3A_206 : vector<8x2048xf32> to vector<1x1x8x2048xf32>
    tpu.vector_store %arg3[%swap3A_207, %swap3A_208, %swap3A_209, %swap3A_210], %swap3A_213 {strides = array<i32>} : memref<1x1x2048x2048xf32, #tpu.memory_space<vmem>>, vector<1x1x8x2048xf32>,
    %slice3A_214 = vector.extract_strided_slice %get3A_149 {offsets = [0, 56], sizes = [8, 2048], strides = [1, 1]} : vector<8x2176xf32> to vector<8x2048xf32>
    %swap3A_215 = arith.constant 0 : index
    %swap3A_216 = arith.constant 0 : index
    %swap3A_217 = arith.constant 192 : index
    %swap3A_218 = arith.constant 0 : index
    %swap3A_219 = vector.load %arg3[%swap3A_215, %swap3A_216, %swap3A_217, %swap3A_218] : memref<1x1x2048x2048xf32, #tpu.memory_space<vmem>>, vector<1x1x8x2048xf32>
    %swap3A_220 = vector.shape_cast %swap3A_219 : vector<1x1x8x2048xf32> to vector<8x2048xf32>
    %swap3A_221 = vector.shape_cast %slice3A_214 : vector<8x2048xf32> to vector<1x1x8x2048xf32>
    tpu.vector_store %arg3[%swap3A_215, %swap3A_216, %swap3A_217, %swap3A_218], %swap3A_221 {strides = array<i32>} : memref<1x1x2048x2048xf32, #tpu.memory_space<vmem>>, vector<1x1x8x2048xf32>,
    %slice3A_222 = vector.extract_strided_slice %get3A_149 {offsets = [0, 48], sizes = [8, 2048], strides = [1, 1]} : vector<8x2176xf32> to vector<8x2048xf32>
    %swap3A_223 = arith.constant 0 : index
    %swap3A_224 = arith.constant 0 : index
    %swap3A_225 = arith.constant 200 : index
    %swap3A_226 = arith.constant 0 : index
    %swap3A_227 = vector.load %arg3[%swap3A_223, %swap3A_224, %swap3A_225, %swap3A_226] : memref<1x1x2048x2048xf32, #tpu.memory_space<vmem>>, vector<1x1x8x2048xf32>
    %swap3A_228 = vector.shape_cast %swap3A_227 : vector<1x1x8x2048xf32> to vector<8x2048xf32>
    %swap3A_229 = vector.shape_cast %slice3A_222 : vector<8x2048xf32> to vector<1x1x8x2048xf32>
    tpu.vector_store %arg3[%swap3A_223, %swap3A_224, %swap3A_225, %swap3A_226], %swap3A_229 {strides = array<i32>} : memref<1x1x2048x2048xf32, #tpu.memory_space<vmem>>, vector<1x1x8x2048xf32>,
    %slice3A_230 = vector.extract_strided_slice %get3A_149 {offsets = [0, 40], sizes = [8, 2048], strides = [1, 1]} : vector<8x2176xf32> to vector<8x2048xf32>
    %swap3A_231 = arith.constant 0 : index
    %swap3A_232 = arith.constant 0 : index
    %swap3A_233 = arith.constant 208 : index
    %swap3A_234 = arith.constant 0 : index
    %swap3A_235 = vector.load %arg3[%swap3A_231, %swap3A_232, %swap3A_233, %swap3A_234] : memref<1x1x2048x2048xf32, #tpu.memory_space<vmem>>, vector<1x1x8x2048xf32>
    %swap3A_236 = vector.shape_cast %swap3A_235 : vector<1x1x8x2048xf32> to vector<8x2048xf32>
    %swap3A_237 = vector.shape_cast %slice3A_230 : vector<8x2048xf32> to vector<1x1x8x2048xf32>
    tpu.vector_store %arg3[%swap3A_231, %swap3A_232, %swap3A_233, %swap3A_234], %swap3A_237 {strides = array<i32>} : memref<1x1x2048x2048xf32, #tpu.memory_space<vmem>>, vector<1x1x8x2048xf32>,
    %slice3A_238 = vector.extract_strided_slice %get3A_149 {offsets = [0, 32], sizes = [8, 2048], strides = [1, 1]} : vector<8x2176xf32> to vector<8x2048xf32>
    %swap3A_239 = arith.constant 0 : index
    %swap3A_240 = arith.constant 0 : index
    %swap3A_241 = arith.constant 216 : index
    %swap3A_242 = arith.constant 0 : index
    %swap3A_243 = vector.load %arg3[%swap3A_239, %swap3A_240, %swap3A_241, %swap3A_242] : memref<1x1x2048x2048xf32, #tpu.memory_space<vmem>>, vector<1x1x8x2048xf32>
    %swap3A_244 = vector.shape_cast %swap3A_243 : vector<1x1x8x2048xf32> to vector<8x2048xf32>
    %swap3A_245 = vector.shape_cast %slice3A_238 : vector<8x2048xf32> to vector<1x1x8x2048xf32>
    tpu.vector_store %arg3[%swap3A_239, %swap3A_240, %swap3A_241, %swap3A_242], %swap3A_245 {strides = array<i32>} : memref<1x1x2048x2048xf32, #tpu.memory_space<vmem>>, vector<1x1x8x2048xf32>,
    %slice3A_246 = vector.extract_strided_slice %get3A_149 {offsets = [0, 24], sizes = [8, 2048], strides = [1, 1]} : vector<8x2176xf32> to vector<8x2048xf32>
    %swap3A_247 = arith.constant 0 : index
    %swap3A_248 = arith.constant 0 : index
    %swap3A_249 = arith.constant 224 : index
    %swap3A_250 = arith.constant 0 : index
    %swap3A_251 = vector.load %arg3[%swap3A_247, %swap3A_248, %swap3A_249, %swap3A_250] : memref<1x1x2048x2048xf32, #tpu.memory_space<vmem>>, vector<1x1x8x2048xf32>
    %swap3A_252 = vector.shape_cast %swap3A_251 : vector<1x1x8x2048xf32> to vector<8x2048xf32>
    %swap3A_253 = vector.shape_cast %slice3A_246 : vector<8x2048xf32> to vector<1x1x8x2048xf32>
    tpu.vector_store %arg3[%swap3A_247, %swap3A_248, %swap3A_249, %swap3A_250], %swap3A_253 {strides = array<i32>} : memref<1x1x2048x2048xf32, #tpu.memory_space<vmem>>, vector<1x1x8x2048xf32>,
    %slice3A_254 = vector.extract_strided_slice %get3A_149 {offsets = [0, 16], sizes = [8, 2048], strides = [1, 1]} : vector<8x2176xf32> to vector<8x2048xf32>
    %swap3A_255 = arith.constant 0 : index
    %swap3A_256 = arith.constant 0 : index
    %swap3A_257 = arith.constant 232 : index
    %swap3A_258 = arith.constant 0 : index
    %swap3A_259 = vector.load %arg3[%swap3A_255, %swap3A_256, %swap3A_257, %swap3A_258] : memref<1x1x2048x2048xf32, #tpu.memory_space<vmem>>, vector<1x1x8x2048xf32>
    %swap3A_260 = vector.shape_cast %swap3A_259 : vector<1x1x8x2048xf32> to vector<8x2048xf32>
    %swap3A_261 = vector.shape_cast %slice3A_254 : vector<8x2048xf32> to vector<1x1x8x2048xf32>
    tpu.vector_store %arg3[%swap3A_255, %swap3A_256, %swap3A_257, %swap3A_258], %swap3A_261 {strides = array<i32>} : memref<1x1x2048x2048xf32, #tpu.memory_space<vmem>>, vector<1x1x8x2048xf32>,
    %slice3A_262 = vector.extract_strided_slice %get3A_149 {offsets = [0, 8], sizes = [8, 2048], strides = [1, 1]} : vector<8x2176xf32> to vector<8x2048xf32>
    %swap3A_263 = arith.constant 0 : index
    %swap3A_264 = arith.constant 0 : index
    %swap3A_265 = arith.constant 240 : index
    %swap3A_266 = arith.constant 0 : index
    %swap3A_267 = vector.load %arg3[%swap3A_263, %swap3A_264, %swap3A_265, %swap3A_266] : memref<1x1x2048x2048xf32, #tpu.memory_space<vmem>>, vector<1x1x8x2048xf32>
    %swap3A_268 = vector.shape_cast %swap3A_267 : vector<1x1x8x2048xf32> to vector<8x2048xf32>
    %swap3A_269 = vector.shape_cast %slice3A_262 : vector<8x2048xf32> to vector<1x1x8x2048xf32>
    tpu.vector_store %arg3[%swap3A_263, %swap3A_264, %swap3A_265, %swap3A_266], %swap3A_269 {strides = array<i32>} : memref<1x1x2048x2048xf32, #tpu.memory_space<vmem>>, vector<1x1x8x2048xf32>,
    %slice3A_270 = vector.extract_strided_slice %get3A_149 {offsets = [0, 0], sizes = [8, 2048], strides = [1, 1]} : vector<8x2176xf32> to vector<8x2048xf32>
    %swap3A_271 = arith.constant 0 : index
    %swap3A_272 = arith.constant 0 : index
    %swap3A_273 = arith.constant 248 : index
    %swap3A_274 = arith.constant 0 : index
    %swap3A_275 = vector.load %arg3[%swap3A_271, %swap3A_272, %swap3A_273, %swap3A_274] : memref<1x1x2048x2048xf32, #tpu.memory_space<vmem>>, vector<1x1x8x2048xf32>
    %swap3A_276 = vector.shape_cast %swap3A_275 : vector<1x1x8x2048xf32> to vector<8x2048xf32>
    %swap3A_277 = vector.shape_cast %slice3A_270 : vector<8x2048xf32> to vector<1x1x8x2048xf32>
    tpu.vector_store %arg3[%swap3A_271, %swap3A_272, %swap3A_273, %swap3A_274], %swap3A_277 {strides = array<i32>} : memref<1x1x2048x2048xf32, #tpu.memory_space<vmem>>, vector<1x1x8x2048xf32>,
    %mul3A_278 = arith.constant 16 : i32
    %mul3A_279 = arith.muli %mul3A_278, %arg1 : i32
    %sub3A_280 = arith.constant 15 : i32
    %sub3A_281 = arith.subi %sub3A_280, %mul3A_279 : i32
    %sub3A_282 = arith.constant 2 : i32
    %sub3A_283 = arith.subi %sub3A_281, %sub3A_282 : i32
    %mul3A_284 = arith.constant 128 : i32
    %mul3A_285 = arith.muli %mul3A_284, %sub3A_283 : i32
    %multiple_of3A_286 = tpu.assume_multiple %mul3A_285, 128 : i32
    %get3A_287 = arith.constant 0 : index
    %get3A_288 = arith.constant 0 : index
    %get3A_289 = arith.index_cast %multiple_of3A_286 : i32 to index
    %get3A_290 = vector.load %arg2[%get3A_287, %get3A_288, %get3A_289] : memref<1x8x4224xf32, #tpu.memory_space<vmem>>, vector<1x8x2176xf32>
    %get3A_291 = vector.shape_cast %get3A_290 : vector<1x8x2176xf32> to vector<8x2176xf32>
    %slice3A_292 = vector.extract_strided_slice %get3A_291 {offsets = [0, 120], sizes = [8, 2048], strides = [1, 1]} : vector<8x2176xf32> to vector<8x2048xf32>
    %swap3A_293 = arith.constant 0 : index
    %swap3A_294 = arith.constant 0 : index
    %swap3A_295 = arith.constant 256 : index
    %swap3A_296 = arith.constant 0 : index
    %swap3A_297 = vector.load %arg3[%swap3A_293, %swap3A_294, %swap3A_295, %swap3A_296] : memref<1x1x2048x2048xf32, #tpu.memory_space<vmem>>, vector<1x1x8x2048xf32>
    %swap3A_298 = vector.shape_cast %swap3A_297 : vector<1x1x8x2048xf32> to vector<8x2048xf32>
    %swap3A_299 = vector.shape_cast %slice3A_292 : vector<8x2048xf32> to vector<1x1x8x2048xf32>
    tpu.vector_store %arg3[%swap3A_293, %swap3A_294, %swap3A_295, %swap3A_296], %swap3A_299 {strides = array<i32>} : memref<1x1x2048x2048xf32, #tpu.memory_space<vmem>>, vector<1x1x8x2048xf32>,
    %slice3A_300 = vector.extract_strided_slice %get3A_291 {offsets = [0, 112], sizes = [8, 2048], strides = [1, 1]} : vector<8x2176xf32> to vector<8x2048xf32>
    %swap3A_301 = arith.constant 0 : index
    %swap3A_302 = arith.constant 0 : index
    %swap3A_303 = arith.constant 264 : index
    %swap3A_304 = arith.constant 0 : index
    %swap3A_305 = vector.load %arg3[%swap3A_301, %swap3A_302, %swap3A_303, %swap3A_304] : memref<1x1x2048x2048xf32, #tpu.memory_space<vmem>>, vector<1x1x8x2048xf32>
    %swap3A_306 = vector.shape_cast %swap3A_305 : vector<1x1x8x2048xf32> to vector<8x2048xf32>
    %swap3A_307 = vector.shape_cast %slice3A_300 : vector<8x2048xf32> to vector<1x1x8x2048xf32>
    tpu.vector_store %arg3[%swap3A_301, %swap3A_302, %swap3A_303, %swap3A_304], %swap3A_307 {strides = array<i32>} : memref<1x1x2048x2048xf32, #tpu.memory_space<vmem>>, vector<1x1x8x2048xf32>,
    %slice3A_308 = vector.extract_strided_slice %get3A_291 {offsets = [0, 104], sizes = [8, 2048], strides = [1, 1]} : vector<8x2176xf32> to vector<8x2048xf32>
    %swap3A_309 = arith.constant 0 : index
    %swap3A_310 = arith.constant 0 : index
    %swap3A_311 = arith.constant 272 : index
    %swap3A_312 = arith.constant 0 : index
    %swap3A_313 = vector.load %arg3[%swap3A_309, %swap3A_310, %swap3A_311, %swap3A_312] : memref<1x1x2048x2048xf32, #tpu.memory_space<vmem>>, vector<1x1x8x2048xf32>
    %swap3A_314 = vector.shape_cast %swap3A_313 : vector<1x1x8x2048xf32> to vector<8x2048xf32>
    %swap3A_315 = vector.shape_cast %slice3A_308 : vector<8x2048xf32> to vector<1x1x8x2048xf32>
    tpu.vector_store %arg3[%swap3A_309, %swap3A_310, %swap3A_311, %swap3A_312], %swap3A_315 {strides = array<i32>} : memref<1x1x2048x2048xf32, #tpu.memory_space<vmem>>, vector<1x1x8x2048xf32>,
    %slice3A_316 = vector.extract_strided_slice %get3A_291 {offsets = [0, 96], sizes = [8, 2048], strides = [1, 1]} : vector<8x2176xf32> to vector<8x2048xf32>
    %swap3A_317 = arith.constant 0 : index
    %swap3A_318 = arith.constant 0 : index
    %swap3A_319 = arith.constant 280 : index
    %swap3A_320 = arith.constant 0 : index
    %swap3A_321 = vector.load %arg3[%swap3A_317, %swap3A_318, %swap3A_319, %swap3A_320] : memref<1x1x2048x2048xf32, #tpu.memory_space<vmem>>, vector<1x1x8x2048xf32>
    %swap3A_322 = vector.shape_cast %swap3A_321 : vector<1x1x8x2048xf32> to vector<8x2048xf32>
    %swap3A_323 = vector.shape_cast %slice3A_316 : vector<8x2048xf32> to vector<1x1x8x2048xf32>
    tpu.vector_store %arg3[%swap3A_317, %swap3A_318, %swap3A_319, %swap3A_320], %swap3A_323 {strides = array<i32>} : memref<1x1x2048x2048xf32, #tpu.memory_space<vmem>>, vector<1x1x8x2048xf32>,
    %slice3A_324 = vector.extract_strided_slice %get3A_291 {offsets = [0, 88], sizes = [8, 2048], strides = [1, 1]} : vector<8x2176xf32> to vector<8x2048xf32>
    %swap3A_325 = arith.constant 0 : index
    %swap3A_326 = arith.constant 0 : index
    %swap3A_327 = arith.constant 288 : index
    %swap3A_328 = arith.constant 0 : index
    %swap3A_329 = vector.load %arg3[%swap3A_325, %swap3A_326, %swap3A_327, %swap3A_328] : memref<1x1x2048x2048xf32, #tpu.memory_space<vmem>>, vector<1x1x8x2048xf32>
    %swap3A_330 = vector.shape_cast %swap3A_329 : vector<1x1x8x2048xf32> to vector<8x2048xf32>
    %swap3A_331 = vector.shape_cast %slice3A_324 : vector<8x2048xf32> to vector<1x1x8x2048xf32>
    tpu.vector_store %arg3[%swap3A_325, %swap3A_326, %swap3A_327, %swap3A_328], %swap3A_331 {strides = array<i32>} : memref<1x1x2048x2048xf32, #tpu.memory_space<vmem>>, vector<1x1x8x2048xf32>,
    %slice3A_332 = vector.extract_strided_slice %get3A_291 {offsets = [0, 80], sizes = [8, 2048], strides = [1, 1]} : vector<8x2176xf32> to vector<8x2048xf32>
    %swap3A_333 = arith.constant 0 : index
    %swap3A_334 = arith.constant 0 : index
    %swap3A_335 = arith.constant 296 : index
    %swap3A_336 = arith.constant 0 : index
    %swap3A_337 = vector.load %arg3[%swap3A_333, %swap3A_334, %swap3A_335, %swap3A_336] : memref<1x1x2048x2048xf32, #tpu.memory_space<vmem>>, vector<1x1x8x2048xf32>
    %swap3A_338 = vector.shape_cast %swap3A_337 : vector<1x1x8x2048xf32> to vector<8x2048xf32>
    %swap3A_339 = vector.shape_cast %slice3A_332 : vector<8x2048xf32> to vector<1x1x8x2048xf32>
    tpu.vector_store %arg3[%swap3A_333, %swap3A_334, %swap3A_335, %swap3A_336], %swap3A_339 {strides = array<i32>} : memref<1x1x2048x2048xf32, #tpu.memory_space<vmem>>, vector<1x1x8x2048xf32>,
    %slice3A_340 = vector.extract_strided_slice %get3A_291 {offsets = [0, 72], sizes = [8, 2048], strides = [1, 1]} : vector<8x2176xf32> to vector<8x2048xf32>
    %swap3A_341 = arith.constant 0 : index
    %swap3A_342 = arith.constant 0 : index
    %swap3A_343 = arith.constant 304 : index
    %swap3A_344 = arith.constant 0 : index
    %swap3A_345 = vector.load %arg3[%swap3A_341, %swap3A_342, %swap3A_343, %swap3A_344] : memref<1x1x2048x2048xf32, #tpu.memory_space<vmem>>, vector<1x1x8x2048xf32>
    %swap3A_346 = vector.shape_cast %swap3A_345 : vector<1x1x8x2048xf32> to vector<8x2048xf32>
    %swap3A_347 = vector.shape_cast %slice3A_340 : vector<8x2048xf32> to vector<1x1x8x2048xf32>
    tpu.vector_store %arg3[%swap3A_341, %swap3A_342, %swap3A_343, %swap3A_344], %swap3A_347 {strides = array<i32>} : memref<1x1x2048x2048xf32, #tpu.memory_space<vmem>>, vector<1x1x8x2048xf32>,
    %slice3A_348 = vector.extract_strided_slice %get3A_291 {offsets = [0, 64], sizes = [8, 2048], strides = [1, 1]} : vector<8x2176xf32> to vector<8x2048xf32>
    %swap3A_349 = arith.constant 0 : index
    %swap3A_350 = arith.constant 0 : index
    %swap3A_351 = arith.constant 312 : index
    %swap3A_352 = arith.constant 0 : index
    %swap3A_353 = vector.load %arg3[%swap3A_349, %swap3A_350, %swap3A_351, %swap3A_352] : memref<1x1x2048x2048xf32, #tpu.memory_space<vmem>>, vector<1x1x8x2048xf32>
    %swap3A_354 = vector.shape_cast %swap3A_353 : vector<1x1x8x2048xf32> to vector<8x2048xf32>
    %swap3A_355 = vector.shape_cast %slice3A_348 : vector<8x2048xf32> to vector<1x1x8x2048xf32>
    tpu.vector_store %arg3[%swap3A_349, %swap3A_350, %swap3A_351, %swap3A_352], %swap3A_355 {strides = array<i32>} : memref<1x1x2048x2048xf32, #tpu.memory_space<vmem>>, vector<1x1x8x2048xf32>,
    %slice3A_356 = vector.extract_strided_slice %get3A_291 {offsets = [0, 56], sizes = [8, 2048], strides = [1, 1]} : vector<8x2176xf32> to vector<8x2048xf32>
    %swap3A_357 = arith.constant 0 : index
    %swap3A_358 = arith.constant 0 : index
    %swap3A_359 = arith.constant 320 : index
    %swap3A_360 = arith.constant 0 : index
    %swap3A_361 = vector.load %arg3[%swap3A_357, %swap3A_358, %swap3A_359, %swap3A_360] : memref<1x1x2048x2048xf32, #tpu.memory_space<vmem>>, vector<1x1x8x2048xf32>
    %swap3A_362 = vector.shape_cast %swap3A_361 : vector<1x1x8x2048xf32> to vector<8x2048xf32>
    %swap3A_363 = vector.shape_cast %slice3A_356 : vector<8x2048xf32> to vector<1x1x8x2048xf32>
    tpu.vector_store %arg3[%swap3A_357, %swap3A_358, %swap3A_359, %swap3A_360], %swap3A_363 {strides = array<i32>} : memref<1x1x2048x2048xf32, #tpu.memory_space<vmem>>, vector<1x1x8x2048xf32>,
    %slice3A_364 = vector.extract_strided_slice %get3A_291 {offsets = [0, 48], sizes = [8, 2048], strides = [1, 1]} : vector<8x2176xf32> to vector<8x2048xf32>
    %swap3A_365 = arith.constant 0 : index
    %swap3A_366 = arith.constant 0 : index
    %swap3A_367 = arith.constant 328 : index
    %swap3A_368 = arith.constant 0 : index
    %swap3A_369 = vector.load %arg3[%swap3A_365, %swap3A_366, %swap3A_367, %swap3A_368] : memref<1x1x2048x2048xf32, #tpu.memory_space<vmem>>, vector<1x1x8x2048xf32>
    %swap3A_370 = vector.shape_cast %swap3A_369 : vector<1x1x8x2048xf32> to vector<8x2048xf32>
    %swap3A_371 = vector.shape_cast %slice3A_364 : vector<8x2048xf32> to vector<1x1x8x2048xf32>
    tpu.vector_store %arg3[%swap3A_365, %swap3A_366, %swap3A_367, %swap3A_368], %swap3A_371 {strides = array<i32>} : memref<1x1x2048x2048xf32, #tpu.memory_space<vmem>>, vector<1x1x8x2048xf32>,
    %slice3A_372 = vector.extract_strided_slice %get3A_291 {offsets = [0, 40], sizes = [8, 2048], strides = [1, 1]} : vector<8x2176xf32> to vector<8x2048xf32>
    %swap3A_373 = arith.constant 0 : index
    %swap3A_374 = arith.constant 0 : index
    %swap3A_375 = arith.constant 336 : index
    %swap3A_376 = arith.constant 0 : index
    %swap3A_377 = vector.load %arg3[%swap3A_373, %swap3A_374, %swap3A_375, %swap3A_376] : memref<1x1x2048x2048xf32, #tpu.memory_space<vmem>>, vector<1x1x8x2048xf32>
    %swap3A_378 = vector.shape_cast %swap3A_377 : vector<1x1x8x2048xf32> to vector<8x2048xf32>
    %swap3A_379 = vector.shape_cast %slice3A_372 : vector<8x2048xf32> to vector<1x1x8x2048xf32>
    tpu.vector_store %arg3[%swap3A_373, %swap3A_374, %swap3A_375, %swap3A_376], %swap3A_379 {strides = array<i32>} : memref<1x1x2048x2048xf32, #tpu.memory_space<vmem>>, vector<1x1x8x2048xf32>,
    %slice3A_380 = vector.extract_strided_slice %get3A_291 {offsets = [0, 32], sizes = [8, 2048], strides = [1, 1]} : vector<8x2176xf32> to vector<8x2048xf32>
    %swap3A_381 = arith.constant 0 : index
    %swap3A_382 = arith.constant 0 : index
    %swap3A_383 = arith.constant 344 : index
    %swap3A_384 = arith.constant 0 : index
    %swap3A_385 = vector.load %arg3[%swap3A_381, %swap3A_382, %swap3A_383, %swap3A_384] : memref<1x1x2048x2048xf32, #tpu.memory_space<vmem>>, vector<1x1x8x2048xf32>
    %swap3A_386 = vector.shape_cast %swap3A_385 : vector<1x1x8x2048xf32> to vector<8x2048xf32>
    %swap3A_387 = vector.shape_cast %slice3A_380 : vector<8x2048xf32> to vector<1x1x8x2048xf32>
    tpu.vector_store %arg3[%swap3A_381, %swap3A_382, %swap3A_383, %swap3A_384], %swap3A_387 {strides = array<i32>} : memref<1x1x2048x2048xf32, #tpu.memory_space<vmem>>, vector<1x1x8x2048xf32>,
    %slice3A_388 = vector.extract_strided_slice %get3A_291 {offsets = [0, 24], sizes = [8, 2048], strides = [1, 1]} : vector<8x2176xf32> to vector<8x2048xf32>
    %swap3A_389 = arith.constant 0 : index
    %swap3A_390 = arith.constant 0 : index
    %swap3A_391 = arith.constant 352 : index
    %swap3A_392 = arith.constant 0 : index
    %swap3A_393 = vector.load %arg3[%swap3A_389, %swap3A_390, %swap3A_391, %swap3A_392] : memref<1x1x2048x2048xf32, #tpu.memory_space<vmem>>, vector<1x1x8x2048xf32>
    %swap3A_394 = vector.shape_cast %swap3A_393 : vector<1x1x8x2048xf32> to vector<8x2048xf32>
    %swap3A_395 = vector.shape_cast %slice3A_388 : vector<8x2048xf32> to vector<1x1x8x2048xf32>
    tpu.vector_store %arg3[%swap3A_389, %swap3A_390, %swap3A_391, %swap3A_392], %swap3A_395 {strides = array<i32>} : memref<1x1x2048x2048xf32, #tpu.memory_space<vmem>>, vector<1x1x8x2048xf32>,
    %slice3A_396 = vector.extract_strided_slice %get3A_291 {offsets = [0, 16], sizes = [8, 2048], strides = [1, 1]} : vector<8x2176xf32> to vector<8x2048xf32>
    %swap3A_397 = arith.constant 0 : index
    %swap3A_398 = arith.constant 0 : index
    %swap3A_399 = arith.constant 360 : index
    %swap3A_400 = arith.constant 0 : index
    %swap3A_401 = vector.load %arg3[%swap3A_397, %swap3A_398, %swap3A_399, %swap3A_400] : memref<1x1x2048x2048xf32, #tpu.memory_space<vmem>>, vector<1x1x8x2048xf32>
    %swap3A_402 = vector.shape_cast %swap3A_401 : vector<1x1x8x2048xf32> to vector<8x2048xf32>
    %swap3A_403 = vector.shape_cast %slice3A_396 : vector<8x2048xf32> to vector<1x1x8x2048xf32>
    tpu.vector_store %arg3[%swap3A_397, %swap3A_398, %swap3A_399, %swap3A_400], %swap3A_403 {strides = array<i32>} : memref<1x1x2048x2048xf32, #tpu.memory_space<vmem>>, vector<1x1x8x2048xf32>,
    %slice3A_404 = vector.extract_strided_slice %get3A_291 {offsets = [0, 8], sizes = [8, 2048], strides = [1, 1]} : vector<8x2176xf32> to vector<8x2048xf32>
    %swap3A_405 = arith.constant 0 : index
    %swap3A_406 = arith.constant 0 : index
    %swap3A_407 = arith.constant 368 : index
    %swap3A_408 = arith.constant 0 : index
    %swap3A_409 = vector.load %arg3[%swap3A_405, %swap3A_406, %swap3A_407, %swap3A_408] : memref<1x1x2048x2048xf32, #tpu.memory_space<vmem>>, vector<1x1x8x2048xf32>
    %swap3A_410 = vector.shape_cast %swap3A_409 : vector<1x1x8x2048xf32> to vector<8x2048xf32>
    %swap3A_411 = vector.shape_cast %slice3A_404 : vector<8x2048xf32> to vector<1x1x8x2048xf32>
    tpu.vector_store %arg3[%swap3A_405, %swap3A_406, %swap3A_407, %swap3A_408], %swap3A_411 {strides = array<i32>} : memref<1x1x2048x2048xf32, #tpu.memory_space<vmem>>, vector<1x1x8x2048xf32>,
    %slice3A_412 = vector.extract_strided_slice %get3A_291 {offsets = [0, 0], sizes = [8, 2048], strides = [1, 1]} : vector<8x2176xf32> to vector<8x2048xf32>
    %swap3A_413 = arith.constant 0 : index
    %swap3A_414 = arith.constant 0 : index
    %swap3A_415 = arith.constant 376 : index
    %swap3A_416 = arith.constant 0 : index
    %swap3A_417 = vector.load %arg3[%swap3A_413, %swap3A_414, %swap3A_415, %swap3A_416] : memref<1x1x2048x2048xf32, #tpu.memory_space<vmem>>, vector<1x1x8x2048xf32>
    %swap3A_418 = vector.shape_cast %swap3A_417 : vector<1x1x8x2048xf32> to vector<8x2048xf32>
    %swap3A_419 = vector.shape_cast %slice3A_412 : vector<8x2048xf32> to vector<1x1x8x2048xf32>
    tpu.vector_store %arg3[%swap3A_413, %swap3A_414, %swap3A_415, %swap3A_416], %swap3A_419 {strides = array<i32>} : memref<1x1x2048x2048xf32, #tpu.memory_space<vmem>>, vector<1x1x8x2048xf32>,
    %mul3A_420 = arith.constant 16 : i32
    %mul3A_421 = arith.muli %mul3A_420, %arg1 : i32
    %sub3A_422 = arith.constant 15 : i32
    %sub3A_423 = arith.subi %sub3A_422, %mul3A_421 : i32
    %sub3A_424 = arith.constant 3 : i32
    %sub3A_425 = arith.subi %sub3A_423, %sub3A_424 : i32
    %mul3A_426 = arith.constant 128 : i32
    %mul3A_427 = arith.muli %mul3A_426, %sub3A_425 : i32
    %multiple_of3A_428 = tpu.assume_multiple %mul3A_427, 128 : i32
    %get3A_429 = arith.constant 0 : index
    %get3A_430 = arith.constant 0 : index
    %get3A_431 = arith.index_cast %multiple_of3A_428 : i32 to index
    %get3A_432 = vector.load %arg2[%get3A_429, %get3A_430, %get3A_431] : memref<1x8x4224xf32, #tpu.memory_space<vmem>>, vector<1x8x2176xf32>
    %get3A_433 = vector.shape_cast %get3A_432 : vector<1x8x2176xf32> to vector<8x2176xf32>
    %slice3A_434 = vector.extract_strided_slice %get3A_433 {offsets = [0, 120], sizes = [8, 2048], strides = [1, 1]} : vector<8x2176xf32> to vector<8x2048xf32>
    %swap3A_435 = arith.constant 0 : index
    %swap3A_436 = arith.constant 0 : index
    %swap3A_437 = arith.constant 384 : index
    %swap3A_438 = arith.constant 0 : index
    %swap3A_439 = vector.load %arg3[%swap3A_435, %swap3A_436, %swap3A_437, %swap3A_438] : memref<1x1x2048x2048xf32, #tpu.memory_space<vmem>>, vector<1x1x8x2048xf32>
    %swap3A_440 = vector.shape_cast %swap3A_439 : vector<1x1x8x2048xf32> to vector<8x2048xf32>
    %swap3A_441 = vector.shape_cast %slice3A_434 : vector<8x2048xf32> to vector<1x1x8x2048xf32>
    tpu.vector_store %arg3[%swap3A_435, %swap3A_436, %swap3A_437, %swap3A_438], %swap3A_441 {strides = array<i32>} : memref<1x1x2048x2048xf32, #tpu.memory_space<vmem>>, vector<1x1x8x2048xf32>,
    %slice3A_442 = vector.extract_strided_slice %get3A_433 {offsets = [0, 112], sizes = [8, 2048], strides = [1, 1]} : vector<8x2176xf32> to vector<8x2048xf32>
    %swap3A_443 = arith.constant 0 : index
    %swap3A_444 = arith.constant 0 : index
    %swap3A_445 = arith.constant 392 : index
    %swap3A_446 = arith.constant 0 : index
    %swap3A_447 = vector.load %arg3[%swap3A_443, %swap3A_444, %swap3A_445, %swap3A_446] : memref<1x1x2048x2048xf32, #tpu.memory_space<vmem>>, vector<1x1x8x2048xf32>
    %swap3A_448 = vector.shape_cast %swap3A_447 : vector<1x1x8x2048xf32> to vector<8x2048xf32>
    %swap3A_449 = vector.shape_cast %slice3A_442 : vector<8x2048xf32> to vector<1x1x8x2048xf32>
    tpu.vector_store %arg3[%swap3A_443, %swap3A_444, %swap3A_445, %swap3A_446], %swap3A_449 {strides = array<i32>} : memref<1x1x2048x2048xf32, #tpu.memory_space<vmem>>, vector<1x1x8x2048xf32>,
    %slice3A_450 = vector.extract_strided_slice %get3A_433 {offsets = [0, 104], sizes = [8, 2048], strides = [1, 1]} : vector<8x2176xf32> to vector<8x2048xf32>
    %swap3A_451 = arith.constant 0 : index
    %swap3A_452 = arith.constant 0 : index
    %swap3A_453 = arith.constant 400 : index
    %swap3A_454 = arith.constant 0 : index
    %swap3A_455 = vector.load %arg3[%swap3A_451, %swap3A_452, %swap3A_453, %swap3A_454] : memref<1x1x2048x2048xf32, #tpu.memory_space<vmem>>, vector<1x1x8x2048xf32>
    %swap3A_456 = vector.shape_cast %swap3A_455 : vector<1x1x8x2048xf32> to vector<8x2048xf32>
    %swap3A_457 = vector.shape_cast %slice3A_450 : vector<8x2048xf32> to vector<1x1x8x2048xf32>
    tpu.vector_store %arg3[%swap3A_451, %swap3A_452, %swap3A_453, %swap3A_454], %swap3A_457 {strides = array<i32>} : memref<1x1x2048x2048xf32, #tpu.memory_space<vmem>>, vector<1x1x8x2048xf32>,
    %slice3A_458 = vector.extract_strided_slice %get3A_433 {offsets = [0, 96], sizes = [8, 2048], strides = [1, 1]} : vector<8x2176xf32> to vector<8x2048xf32>
    %swap3A_459 = arith.constant 0 : index
    %swap3A_460 = arith.constant 0 : index
    %swap3A_461 = arith.constant 408 : index
    %swap3A_462 = arith.constant 0 : index
    %swap3A_463 = vector.load %arg3[%swap3A_459, %swap3A_460, %swap3A_461, %swap3A_462] : memref<1x1x2048x2048xf32, #tpu.memory_space<vmem>>, vector<1x1x8x2048xf32>
    %swap3A_464 = vector.shape_cast %swap3A_463 : vector<1x1x8x2048xf32> to vector<8x2048xf32>
    %swap3A_465 = vector.shape_cast %slice3A_458 : vector<8x2048xf32> to vector<1x1x8x2048xf32>
    tpu.vector_store %arg3[%swap3A_459, %swap3A_460, %swap3A_461, %swap3A_462], %swap3A_465 {strides = array<i32>} : memref<1x1x2048x2048xf32, #tpu.memory_space<vmem>>, vector<1x1x8x2048xf32>,
    %slice3A_466 = vector.extract_strided_slice %get3A_433 {offsets = [0, 88], sizes = [8, 2048], strides = [1, 1]} : vector<8x2176xf32> to vector<8x2048xf32>
    %swap3A_467 = arith.constant 0 : index
    %swap3A_468 = arith.constant 0 : index
    %swap3A_469 = arith.constant 416 : index
    %swap3A_470 = arith.constant 0 : index
    %swap3A_471 = vector.load %arg3[%swap3A_467, %swap3A_468, %swap3A_469, %swap3A_470] : memref<1x1x2048x2048xf32, #tpu.memory_space<vmem>>, vector<1x1x8x2048xf32>
    %swap3A_472 = vector.shape_cast %swap3A_471 : vector<1x1x8x2048xf32> to vector<8x2048xf32>
    %swap3A_473 = vector.shape_cast %slice3A_466 : vector<8x2048xf32> to vector<1x1x8x2048xf32>
    tpu.vector_store %arg3[%swap3A_467, %swap3A_468, %swap3A_469, %swap3A_470], %swap3A_473 {strides = array<i32>} : memref<1x1x2048x2048xf32, #tpu.memory_space<vmem>>, vector<1x1x8x2048xf32>,
    %slice3A_474 = vector.extract_strided_slice %get3A_433 {offsets = [0, 80], sizes = [8, 2048], strides = [1, 1]} : vector<8x2176xf32> to vector<8x2048xf32>
    %swap3A_475 = arith.constant 0 : index
    %swap3A_476 = arith.constant 0 : index
    %swap3A_477 = arith.constant 424 : index
    %swap3A_478 = arith.constant 0 : index
    %swap3A_479 = vector.load %arg3[%swap3A_475, %swap3A_476, %swap3A_477, %swap3A_478] : memref<1x1x2048x2048xf32, #tpu.memory_space<vmem>>, vector<1x1x8x2048xf32>
    %swap3A_480 = vector.shape_cast %swap3A_479 : vector<1x1x8x2048xf32> to vector<8x2048xf32>
    %swap3A_481 = vector.shape_cast %slice3A_474 : vector<8x2048xf32> to vector<1x1x8x2048xf32>
    tpu.vector_store %arg3[%swap3A_475, %swap3A_476, %swap3A_477, %swap3A_478], %swap3A_481 {strides = array<i32>} : memref<1x1x2048x2048xf32, #tpu.memory_space<vmem>>, vector<1x1x8x2048xf32>,
    %slice3A_482 = vector.extract_strided_slice %get3A_433 {offsets = [0, 72], sizes = [8, 2048], strides = [1, 1]} : vector<8x2176xf32> to vector<8x2048xf32>
    %swap3A_483 = arith.constant 0 : index
    %swap3A_484 = arith.constant 0 : index
    %swap3A_485 = arith.constant 432 : index
    %swap3A_486 = arith.constant 0 : index
    %swap3A_487 = vector.load %arg3[%swap3A_483, %swap3A_484, %swap3A_485, %swap3A_486] : memref<1x1x2048x2048xf32, #tpu.memory_space<vmem>>, vector<1x1x8x2048xf32>
    %swap3A_488 = vector.shape_cast %swap3A_487 : vector<1x1x8x2048xf32> to vector<8x2048xf32>
    %swap3A_489 = vector.shape_cast %slice3A_482 : vector<8x2048xf32> to vector<1x1x8x2048xf32>
    tpu.vector_store %arg3[%swap3A_483, %swap3A_484, %swap3A_485, %swap3A_486], %swap3A_489 {strides = array<i32>} : memref<1x1x2048x2048xf32, #tpu.memory_space<vmem>>, vector<1x1x8x2048xf32>,
    %slice3A_490 = vector.extract_strided_slice %get3A_433 {offsets = [0, 64], sizes = [8, 2048], strides = [1, 1]} : vector<8x2176xf32> to vector<8x2048xf32>
    %swap3A_491 = arith.constant 0 : index
    %swap3A_492 = arith.constant 0 : index
    %swap3A_493 = arith.constant 440 : index
    %swap3A_494 = arith.constant 0 : index
    %swap3A_495 = vector.load %arg3[%swap3A_491, %swap3A_492, %swap3A_493, %swap3A_494] : memref<1x1x2048x2048xf32, #tpu.memory_space<vmem>>, vector<1x1x8x2048xf32>
    %swap3A_496 = vector.shape_cast %swap3A_495 : vector<1x1x8x2048xf32> to vector<8x2048xf32>
    %swap3A_497 = vector.shape_cast %slice3A_490 : vector<8x2048xf32> to vector<1x1x8x2048xf32>
    tpu.vector_store %arg3[%swap3A_491, %swap3A_492, %swap3A_493, %swap3A_494], %swap3A_497 {strides = array<i32>} : memref<1x1x2048x2048xf32, #tpu.memory_space<vmem>>, vector<1x1x8x2048xf32>,
    %slice3A_498 = vector.extract_strided_slice %get3A_433 {offsets = [0, 56], sizes = [8, 2048], strides = [1, 1]} : vector<8x2176xf32> to vector<8x2048xf32>
    %swap3A_499 = arith.constant 0 : index
    %swap3A_500 = arith.constant 0 : index
    %swap3A_501 = arith.constant 448 : index
    %swap3A_502 = arith.constant 0 : index
    %swap3A_503 = vector.load %arg3[%swap3A_499, %swap3A_500, %swap3A_501, %swap3A_502] : memref<1x1x2048x2048xf32, #tpu.memory_space<vmem>>, vector<1x1x8x2048xf32>
    %swap3A_504 = vector.shape_cast %swap3A_503 : vector<1x1x8x2048xf32> to vector<8x2048xf32>
    %swap3A_505 = vector.shape_cast %slice3A_498 : vector<8x2048xf32> to vector<1x1x8x2048xf32>
    tpu.vector_store %arg3[%swap3A_499, %swap3A_500, %swap3A_501, %swap3A_502], %swap3A_505 {strides = array<i32>} : memref<1x1x2048x2048xf32, #tpu.memory_space<vmem>>, vector<1x1x8x2048xf32>,
    %slice3A_506 = vector.extract_strided_slice %get3A_433 {offsets = [0, 48], sizes = [8, 2048], strides = [1, 1]} : vector<8x2176xf32> to vector<8x2048xf32>
    %swap3A_507 = arith.constant 0 : index
    %swap3A_508 = arith.constant 0 : index
    %swap3A_509 = arith.constant 456 : index
    %swap3A_510 = arith.constant 0 : index
    %swap3A_511 = vector.load %arg3[%swap3A_507, %swap3A_508, %swap3A_509, %swap3A_510] : memref<1x1x2048x2048xf32, #tpu.memory_space<vmem>>, vector<1x1x8x2048xf32>
    %swap3A_512 = vector.shape_cast %swap3A_511 : vector<1x1x8x2048xf32> to vector<8x2048xf32>
    %swap3A_513 = vector.shape_cast %slice3A_506 : vector<8x2048xf32> to vector<1x1x8x2048xf32>
    tpu.vector_store %arg3[%swap3A_507, %swap3A_508, %swap3A_509, %swap3A_510], %swap3A_513 {strides = array<i32>} : memref<1x1x2048x2048xf32, #tpu.memory_space<vmem>>, vector<1x1x8x2048xf32>,
    %slice3A_514 = vector.extract_strided_slice %get3A_433 {offsets = [0, 40], sizes = [8, 2048], strides = [1, 1]} : vector<8x2176xf32> to vector<8x2048xf32>
    %swap3A_515 = arith.constant 0 : index
    %swap3A_516 = arith.constant 0 : index
    %swap3A_517 = arith.constant 464 : index
    %swap3A_518 = arith.constant 0 : index
    %swap3A_519 = vector.load %arg3[%swap3A_515, %swap3A_516, %swap3A_517, %swap3A_518] : memref<1x1x2048x2048xf32, #tpu.memory_space<vmem>>, vector<1x1x8x2048xf32>
    %swap3A_520 = vector.shape_cast %swap3A_519 : vector<1x1x8x2048xf32> to vector<8x2048xf32>
    %swap3A_521 = vector.shape_cast %slice3A_514 : vector<8x2048xf32> to vector<1x1x8x2048xf32>
    tpu.vector_store %arg3[%swap3A_515, %swap3A_516, %swap3A_517, %swap3A_518], %swap3A_521 {strides = array<i32>} : memref<1x1x2048x2048xf32, #tpu.memory_space<vmem>>, vector<1x1x8x2048xf32>,
    %slice3A_522 = vector.extract_strided_slice %get3A_433 {offsets = [0, 32], sizes = [8, 2048], strides = [1, 1]} : vector<8x2176xf32> to vector<8x2048xf32>
    %swap3A_523 = arith.constant 0 : index
    %swap3A_524 = arith.constant 0 : index
    %swap3A_525 = arith.constant 472 : index
    %swap3A_526 = arith.constant 0 : index
    %swap3A_527 = vector.load %arg3[%swap3A_523, %swap3A_524, %swap3A_525, %swap3A_526] : memref<1x1x2048x2048xf32, #tpu.memory_space<vmem>>, vector<1x1x8x2048xf32>
    %swap3A_528 = vector.shape_cast %swap3A_527 : vector<1x1x8x2048xf32> to vector<8x2048xf32>
    %swap3A_529 = vector.shape_cast %slice3A_522 : vector<8x2048xf32> to vector<1x1x8x2048xf32>
    tpu.vector_store %arg3[%swap3A_523, %swap3A_524, %swap3A_525, %swap3A_526], %swap3A_529 {strides = array<i32>} : memref<1x1x2048x2048xf32, #tpu.memory_space<vmem>>, vector<1x1x8x2048xf32>,
    %slice3A_530 = vector.extract_strided_slice %get3A_433 {offsets = [0, 24], sizes = [8, 2048], strides = [1, 1]} : vector<8x2176xf32> to vector<8x2048xf32>
    %swap3A_531 = arith.constant 0 : index
    %swap3A_532 = arith.constant 0 : index
    %swap3A_533 = arith.constant 480 : index
    %swap3A_534 = arith.constant 0 : index
    %swap3A_535 = vector.load %arg3[%swap3A_531, %swap3A_532, %swap3A_533, %swap3A_534] : memref<1x1x2048x2048xf32, #tpu.memory_space<vmem>>, vector<1x1x8x2048xf32>
    %swap3A_536 = vector.shape_cast %swap3A_535 : vector<1x1x8x2048xf32> to vector<8x2048xf32>
    %swap3A_537 = vector.shape_cast %slice3A_530 : vector<8x2048xf32> to vector<1x1x8x2048xf32>
    tpu.vector_store %arg3[%swap3A_531, %swap3A_532, %swap3A_533, %swap3A_534], %swap3A_537 {strides = array<i32>} : memref<1x1x2048x2048xf32, #tpu.memory_space<vmem>>, vector<1x1x8x2048xf32>,
    %slice3A_538 = vector.extract_strided_slice %get3A_433 {offsets = [0, 16], sizes = [8, 2048], strides = [1, 1]} : vector<8x2176xf32> to vector<8x2048xf32>
    %swap3A_539 = arith.constant 0 : index
    %swap3A_540 = arith.constant 0 : index
    %swap3A_541 = arith.constant 488 : index
    %swap3A_542 = arith.constant 0 : index
    %swap3A_543 = vector.load %arg3[%swap3A_539, %swap3A_540, %swap3A_541, %swap3A_542] : memref<1x1x2048x2048xf32, #tpu.memory_space<vmem>>, vector<1x1x8x2048xf32>
    %swap3A_544 = vector.shape_cast %swap3A_543 : vector<1x1x8x2048xf32> to vector<8x2048xf32>
    %swap3A_545 = vector.shape_cast %slice3A_538 : vector<8x2048xf32> to vector<1x1x8x2048xf32>
    tpu.vector_store %arg3[%swap3A_539, %swap3A_540, %swap3A_541, %swap3A_542], %swap3A_545 {strides = array<i32>} : memref<1x1x2048x2048xf32, #tpu.memory_space<vmem>>, vector<1x1x8x2048xf32>,
    %slice3A_546 = vector.extract_strided_slice %get3A_433 {offsets = [0, 8], sizes = [8, 2048], strides = [1, 1]} : vector<8x2176xf32> to vector<8x2048xf32>
    %swap3A_547 = arith.constant 0 : index
    %swap3A_548 = arith.constant 0 : index
    %swap3A_549 = arith.constant 496 : index
    %swap3A_550 = arith.constant 0 : index
    %swap3A_551 = vector.load %arg3[%swap3A_547, %swap3A_548, %swap3A_549, %swap3A_550] : memref<1x1x2048x2048xf32, #tpu.memory_space<vmem>>, vector<1x1x8x2048xf32>
    %swap3A_552 = vector.shape_cast %swap3A_551 : vector<1x1x8x2048xf32> to vector<8x2048xf32>
    %swap3A_553 = vector.shape_cast %slice3A_546 : vector<8x2048xf32> to vector<1x1x8x2048xf32>
    tpu.vector_store %arg3[%swap3A_547, %swap3A_548, %swap3A_549, %swap3A_550], %swap3A_553 {strides = array<i32>} : memref<1x1x2048x2048xf32, #tpu.memory_space<vmem>>, vector<1x1x8x2048xf32>,
    %slice3A_554 = vector.extract_strided_slice %get3A_433 {offsets = [0, 0], sizes = [8, 2048], strides = [1, 1]} : vector<8x2176xf32> to vector<8x2048xf32>
    %swap3A_555 = arith.constant 0 : index
    %swap3A_556 = arith.constant 0 : index
    %swap3A_557 = arith.constant 504 : index
    %swap3A_558 = arith.constant 0 : index
    %swap3A_559 = vector.load %arg3[%swap3A_555, %swap3A_556, %swap3A_557, %swap3A_558] : memref<1x1x2048x2048xf32, #tpu.memory_space<vmem>>, vector<1x1x8x2048xf32>
    %swap3A_560 = vector.shape_cast %swap3A_559 : vector<1x1x8x2048xf32> to vector<8x2048xf32>
    %swap3A_561 = vector.shape_cast %slice3A_554 : vector<8x2048xf32> to vector<1x1x8x2048xf32>
    tpu.vector_store %arg3[%swap3A_555, %swap3A_556, %swap3A_557, %swap3A_558], %swap3A_561 {strides = array<i32>} : memref<1x1x2048x2048xf32, #tpu.memory_space<vmem>>, vector<1x1x8x2048xf32>,
    %mul3A_562 = arith.constant 16 : i32
    %mul3A_563 = arith.muli %mul3A_562, %arg1 : i32
    %sub3A_564 = arith.constant 15 : i32
    %sub3A_565 = arith.subi %sub3A_564, %mul3A_563 : i32
    %sub3A_566 = arith.constant 4 : i32
    %sub3A_567 = arith.subi %sub3A_565, %sub3A_566 : i32
    %mul3A_568 = arith.constant 128 : i32
    %mul3A_569 = arith.muli %mul3A_568, %sub3A_567 : i32
    %multiple_of3A_570 = tpu.assume_multiple %mul3A_569, 128 : i32
    %get3A_571 = arith.constant 0 : index
    %get3A_572 = arith.constant 0 : index
    %get3A_573 = arith.index_cast %multiple_of3A_570 : i32 to index
    %get3A_574 = vector.load %arg2[%get3A_571, %get3A_572, %get3A_573] : memref<1x8x4224xf32, #tpu.memory_space<vmem>>, vector<1x8x2176xf32>
    %get3A_575 = vector.shape_cast %get3A_574 : vector<1x8x2176xf32> to vector<8x2176xf32>
    %slice3A_576 = vector.extract_strided_slice %get3A_575 {offsets = [0, 120], sizes = [8, 2048], strides = [1, 1]} : vector<8x2176xf32> to vector<8x2048xf32>
    %swap3A_577 = arith.constant 0 : index
    %swap3A_578 = arith.constant 0 : index
    %swap3A_579 = arith.constant 512 : index
    %swap3A_580 = arith.constant 0 : index
    %swap3A_581 = vector.load %arg3[%swap3A_577, %swap3A_578, %swap3A_579, %swap3A_580] : memref<1x1x2048x2048xf32, #tpu.memory_space<vmem>>, vector<1x1x8x2048xf32>
    %swap3A_582 = vector.shape_cast %swap3A_581 : vector<1x1x8x2048xf32> to vector<8x2048xf32>
    %swap3A_583 = vector.shape_cast %slice3A_576 : vector<8x2048xf32> to vector<1x1x8x2048xf32>
    tpu.vector_store %arg3[%swap3A_577, %swap3A_578, %swap3A_579, %swap3A_580], %swap3A_583 {strides = array<i32>} : memref<1x1x2048x2048xf32, #tpu.memory_space<vmem>>, vector<1x1x8x2048xf32>,
    %slice3A_584 = vector.extract_strided_slice %get3A_575 {offsets = [0, 112], sizes = [8, 2048], strides = [1, 1]} : vector<8x2176xf32> to vector<8x2048xf32>
    %swap3A_585 = arith.constant 0 : index
    %swap3A_586 = arith.constant 0 : index
    %swap3A_587 = arith.constant 520 : index
    %swap3A_588 = arith.constant 0 : index
    %swap3A_589 = vector.load %arg3[%swap3A_585, %swap3A_586, %swap3A_587, %swap3A_588] : memref<1x1x2048x2048xf32, #tpu.memory_space<vmem>>, vector<1x1x8x2048xf32>
    %swap3A_590 = vector.shape_cast %swap3A_589 : vector<1x1x8x2048xf32> to vector<8x2048xf32>
    %swap3A_591 = vector.shape_cast %slice3A_584 : vector<8x2048xf32> to vector<1x1x8x2048xf32>
    tpu.vector_store %arg3[%swap3A_585, %swap3A_586, %swap3A_587, %swap3A_588], %swap3A_591 {strides = array<i32>} : memref<1x1x2048x2048xf32, #tpu.memory_space<vmem>>, vector<1x1x8x2048xf32>,
    %slice3A_592 = vector.extract_strided_slice %get3A_575 {offsets = [0, 104], sizes = [8, 2048], strides = [1, 1]} : vector<8x2176xf32> to vector<8x2048xf32>
    %swap3A_593 = arith.constant 0 : index
    %swap3A_594 = arith.constant 0 : index
    %swap3A_595 = arith.constant 528 : index
    %swap3A_596 = arith.constant 0 : index
    %swap3A_597 = vector.load %arg3[%swap3A_593, %swap3A_594, %swap3A_595, %swap3A_596] : memref<1x1x2048x2048xf32, #tpu.memory_space<vmem>>, vector<1x1x8x2048xf32>
    %swap3A_598 = vector.shape_cast %swap3A_597 : vector<1x1x8x2048xf32> to vector<8x2048xf32>
    %swap3A_599 = vector.shape_cast %slice3A_592 : vector<8x2048xf32> to vector<1x1x8x2048xf32>
    tpu.vector_store %arg3[%swap3A_593, %swap3A_594, %swap3A_595, %swap3A_596], %swap3A_599 {strides = array<i32>} : memref<1x1x2048x2048xf32, #tpu.memory_space<vmem>>, vector<1x1x8x2048xf32>,
    %slice3A_600 = vector.extract_strided_slice %get3A_575 {offsets = [0, 96], sizes = [8, 2048], strides = [1, 1]} : vector<8x2176xf32> to vector<8x2048xf32>
    %swap3A_601 = arith.constant 0 : index
    %swap3A_602 = arith.constant 0 : index
    %swap3A_603 = arith.constant 536 : index
    %swap3A_604 = arith.constant 0 : index
    %swap3A_605 = vector.load %arg3[%swap3A_601, %swap3A_602, %swap3A_603, %swap3A_604] : memref<1x1x2048x2048xf32, #tpu.memory_space<vmem>>, vector<1x1x8x2048xf32>
    %swap3A_606 = vector.shape_cast %swap3A_605 : vector<1x1x8x2048xf32> to vector<8x2048xf32>
    %swap3A_607 = vector.shape_cast %slice3A_600 : vector<8x2048xf32> to vector<1x1x8x2048xf32>
    tpu.vector_store %arg3[%swap3A_601, %swap3A_602, %swap3A_603, %swap3A_604], %swap3A_607 {strides = array<i32>} : memref<1x1x2048x2048xf32, #tpu.memory_space<vmem>>, vector<1x1x8x2048xf32>,
    %slice3A_608 = vector.extract_strided_slice %get3A_575 {offsets = [0, 88], sizes = [8, 2048], strides = [1, 1]} : vector<8x2176xf32> to vector<8x2048xf32>
    %swap3A_609 = arith.constant 0 : index
    %swap3A_610 = arith.constant 0 : index
    %swap3A_611 = arith.constant 544 : index
    %swap3A_612 = arith.constant 0 : index
    %swap3A_613 = vector.load %arg3[%swap3A_609, %swap3A_610, %swap3A_611, %swap3A_612] : memref<1x1x2048x2048xf32, #tpu.memory_space<vmem>>, vector<1x1x8x2048xf32>
    %swap3A_614 = vector.shape_cast %swap3A_613 : vector<1x1x8x2048xf32> to vector<8x2048xf32>
    %swap3A_615 = vector.shape_cast %slice3A_608 : vector<8x2048xf32> to vector<1x1x8x2048xf32>
    tpu.vector_store %arg3[%swap3A_609, %swap3A_610, %swap3A_611, %swap3A_612], %swap3A_615 {strides = array<i32>} : memref<1x1x2048x2048xf32, #tpu.memory_space<vmem>>, vector<1x1x8x2048xf32>,
    %slice3A_616 = vector.extract_strided_slice %get3A_575 {offsets = [0, 80], sizes = [8, 2048], strides = [1, 1]} : vector<8x2176xf32> to vector<8x2048xf32>
    %swap3A_617 = arith.constant 0 : index
    %swap3A_618 = arith.constant 0 : index
    %swap3A_619 = arith.constant 552 : index
    %swap3A_620 = arith.constant 0 : index
    %swap3A_621 = vector.load %arg3[%swap3A_617, %swap3A_618, %swap3A_619, %swap3A_620] : memref<1x1x2048x2048xf32, #tpu.memory_space<vmem>>, vector<1x1x8x2048xf32>
    %swap3A_622 = vector.shape_cast %swap3A_621 : vector<1x1x8x2048xf32> to vector<8x2048xf32>
    %swap3A_623 = vector.shape_cast %slice3A_616 : vector<8x2048xf32> to vector<1x1x8x2048xf32>
    tpu.vector_store %arg3[%swap3A_617, %swap3A_618, %swap3A_619, %swap3A_620], %swap3A_623 {strides = array<i32>} : memref<1x1x2048x2048xf32, #tpu.memory_space<vmem>>, vector<1x1x8x2048xf32>,
    %slice3A_624 = vector.extract_strided_slice %get3A_575 {offsets = [0, 72], sizes = [8, 2048], strides = [1, 1]} : vector<8x2176xf32> to vector<8x2048xf32>
    %swap3A_625 = arith.constant 0 : index
    %swap3A_626 = arith.constant 0 : index
    %swap3A_627 = arith.constant 560 : index
    %swap3A_628 = arith.constant 0 : index
    %swap3A_629 = vector.load %arg3[%swap3A_625, %swap3A_626, %swap3A_627, %swap3A_628] : memref<1x1x2048x2048xf32, #tpu.memory_space<vmem>>, vector<1x1x8x2048xf32>
    %swap3A_630 = vector.shape_cast %swap3A_629 : vector<1x1x8x2048xf32> to vector<8x2048xf32>
    %swap3A_631 = vector.shape_cast %slice3A_624 : vector<8x2048xf32> to vector<1x1x8x2048xf32>
    tpu.vector_store %arg3[%swap3A_625, %swap3A_626, %swap3A_627, %swap3A_628], %swap3A_631 {strides = array<i32>} : memref<1x1x2048x2048xf32, #tpu.memory_space<vmem>>, vector<1x1x8x2048xf32>,
    %slice3A_632 = vector.extract_strided_slice %get3A_575 {offsets = [0, 64], sizes = [8, 2048], strides = [1, 1]} : vector<8x2176xf32> to vector<8x2048xf32>
    %swap3A_633 = arith.constant 0 : index
    %swap3A_634 = arith.constant 0 : index
    %swap3A_635 = arith.constant 568 : index
    %swap3A_636 = arith.constant 0 : index
    %swap3A_637 = vector.load %arg3[%swap3A_633, %swap3A_634, %swap3A_635, %swap3A_636] : memref<1x1x2048x2048xf32, #tpu.memory_space<vmem>>, vector<1x1x8x2048xf32>
    %swap3A_638 = vector.shape_cast %swap3A_637 : vector<1x1x8x2048xf32> to vector<8x2048xf32>
    %swap3A_639 = vector.shape_cast %slice3A_632 : vector<8x2048xf32> to vector<1x1x8x2048xf32>
    tpu.vector_store %arg3[%swap3A_633, %swap3A_634, %swap3A_635, %swap3A_636], %swap3A_639 {strides = array<i32>} : memref<1x1x2048x2048xf32, #tpu.memory_space<vmem>>, vector<1x1x8x2048xf32>,
    %slice3A_640 = vector.extract_strided_slice %get3A_575 {offsets = [0, 56], sizes = [8, 2048], strides = [1, 1]} : vector<8x2176xf32> to vector<8x2048xf32>
    %swap3A_641 = arith.constant 0 : index
    %swap3A_642 = arith.constant 0 : index
    %swap3A_643 = arith.constant 576 : index
    %swap3A_644 = arith.constant 0 : index
    %swap3A_645 = vector.load %arg3[%swap3A_641, %swap3A_642, %swap3A_643, %swap3A_644] : memref<1x1x2048x2048xf32, #tpu.memory_space<vmem>>, vector<1x1x8x2048xf32>
    %swap3A_646 = vector.shape_cast %swap3A_645 : vector<1x1x8x2048xf32> to vector<8x2048xf32>
    %swap3A_647 = vector.shape_cast %slice3A_640 : vector<8x2048xf32> to vector<1x1x8x2048xf32>
    tpu.vector_store %arg3[%swap3A_641, %swap3A_642, %swap3A_643, %swap3A_644], %swap3A_647 {strides = array<i32>} : memref<1x1x2048x2048xf32, #tpu.memory_space<vmem>>, vector<1x1x8x2048xf32>,
    %slice3A_648 = vector.extract_strided_slice %get3A_575 {offsets = [0, 48], sizes = [8, 2048], strides = [1, 1]} : vector<8x2176xf32> to vector<8x2048xf32>
    %swap3A_649 = arith.constant 0 : index
    %swap3A_650 = arith.constant 0 : index
    %swap3A_651 = arith.constant 584 : index
    %swap3A_652 = arith.constant 0 : index
    %swap3A_653 = vector.load %arg3[%swap3A_649, %swap3A_650, %swap3A_651, %swap3A_652] : memref<1x1x2048x2048xf32, #tpu.memory_space<vmem>>, vector<1x1x8x2048xf32>
    %swap3A_654 = vector.shape_cast %swap3A_653 : vector<1x1x8x2048xf32> to vector<8x2048xf32>
    %swap3A_655 = vector.shape_cast %slice3A_648 : vector<8x2048xf32> to vector<1x1x8x2048xf32>
    tpu.vector_store %arg3[%swap3A_649, %swap3A_650, %swap3A_651, %swap3A_652], %swap3A_655 {strides = array<i32>} : memref<1x1x2048x2048xf32, #tpu.memory_space<vmem>>, vector<1x1x8x2048xf32>,
    %slice3A_656 = vector.extract_strided_slice %get3A_575 {offsets = [0, 40], sizes = [8, 2048], strides = [1, 1]} : vector<8x2176xf32> to vector<8x2048xf32>
    %swap3A_657 = arith.constant 0 : index
    %swap3A_658 = arith.constant 0 : index
    %swap3A_659 = arith.constant 592 : index
    %swap3A_660 = arith.constant 0 : index
    %swap3A_661 = vector.load %arg3[%swap3A_657, %swap3A_658, %swap3A_659, %swap3A_660] : memref<1x1x2048x2048xf32, #tpu.memory_space<vmem>>, vector<1x1x8x2048xf32>
    %swap3A_662 = vector.shape_cast %swap3A_661 : vector<1x1x8x2048xf32> to vector<8x2048xf32>
    %swap3A_663 = vector.shape_cast %slice3A_656 : vector<8x2048xf32> to vector<1x1x8x2048xf32>
    tpu.vector_store %arg3[%swap3A_657, %swap3A_658, %swap3A_659, %swap3A_660], %swap3A_663 {strides = array<i32>} : memref<1x1x2048x2048xf32, #tpu.memory_space<vmem>>, vector<1x1x8x2048xf32>,
    %slice3A_664 = vector.extract_strided_slice %get3A_575 {offsets = [0, 32], sizes = [8, 2048], strides = [1, 1]} : vector<8x2176xf32> to vector<8x2048xf32>
    %swap3A_665 = arith.constant 0 : index
    %swap3A_666 = arith.constant 0 : index
    %swap3A_667 = arith.constant 600 : index
    %swap3A_668 = arith.constant 0 : index
    %swap3A_669 = vector.load %arg3[%swap3A_665, %swap3A_666, %swap3A_667, %swap3A_668] : memref<1x1x2048x2048xf32, #tpu.memory_space<vmem>>, vector<1x1x8x2048xf32>
    %swap3A_670 = vector.shape_cast %swap3A_669 : vector<1x1x8x2048xf32> to vector<8x2048xf32>
    %swap3A_671 = vector.shape_cast %slice3A_664 : vector<8x2048xf32> to vector<1x1x8x2048xf32>
    tpu.vector_store %arg3[%swap3A_665, %swap3A_666, %swap3A_667, %swap3A_668], %swap3A_671 {strides = array<i32>} : memref<1x1x2048x2048xf32, #tpu.memory_space<vmem>>, vector<1x1x8x2048xf32>,
    %slice3A_672 = vector.extract_strided_slice %get3A_575 {offsets = [0, 24], sizes = [8, 2048], strides = [1, 1]} : vector<8x2176xf32> to vector<8x2048xf32>
    %swap3A_673 = arith.constant 0 : index
    %swap3A_674 = arith.constant 0 : index
    %swap3A_675 = arith.constant 608 : index
    %swap3A_676 = arith.constant 0 : index
    %swap3A_677 = vector.load %arg3[%swap3A_673, %swap3A_674, %swap3A_675, %swap3A_676] : memref<1x1x2048x2048xf32, #tpu.memory_space<vmem>>, vector<1x1x8x2048xf32>
    %swap3A_678 = vector.shape_cast %swap3A_677 : vector<1x1x8x2048xf32> to vector<8x2048xf32>
    %swap3A_679 = vector.shape_cast %slice3A_672 : vector<8x2048xf32> to vector<1x1x8x2048xf32>
    tpu.vector_store %arg3[%swap3A_673, %swap3A_674, %swap3A_675, %swap3A_676], %swap3A_679 {strides = array<i32>} : memref<1x1x2048x2048xf32, #tpu.memory_space<vmem>>, vector<1x1x8x2048xf32>,
    %slice3A_680 = vector.extract_strided_slice %get3A_575 {offsets = [0, 16], sizes = [8, 2048], strides = [1, 1]} : vector<8x2176xf32> to vector<8x2048xf32>
    %swap3A_681 = arith.constant 0 : index
    %swap3A_682 = arith.constant 0 : index
    %swap3A_683 = arith.constant 616 : index
    %swap3A_684 = arith.constant 0 : index
    %swap3A_685 = vector.load %arg3[%swap3A_681, %swap3A_682, %swap3A_683, %swap3A_684] : memref<1x1x2048x2048xf32, #tpu.memory_space<vmem>>, vector<1x1x8x2048xf32>
    %swap3A_686 = vector.shape_cast %swap3A_685 : vector<1x1x8x2048xf32> to vector<8x2048xf32>
    %swap3A_687 = vector.shape_cast %slice3A_680 : vector<8x2048xf32> to vector<1x1x8x2048xf32>
    tpu.vector_store %arg3[%swap3A_681, %swap3A_682, %swap3A_683, %swap3A_684], %swap3A_687 {strides = array<i32>} : memref<1x1x2048x2048xf32, #tpu.memory_space<vmem>>, vector<1x1x8x2048xf32>,
    %slice3A_688 = vector.extract_strided_slice %get3A_575 {offsets = [0, 8], sizes = [8, 2048], strides = [1, 1]} : vector<8x2176xf32> to vector<8x2048xf32>
    %swap3A_689 = arith.constant 0 : index
    %swap3A_690 = arith.constant 0 : index
    %swap3A_691 = arith.constant 624 : index
    %swap3A_692 = arith.constant 0 : index
    %swap3A_693 = vector.load %arg3[%swap3A_689, %swap3A_690, %swap3A_691, %swap3A_692] : memref<1x1x2048x2048xf32, #tpu.memory_space<vmem>>, vector<1x1x8x2048xf32>
    %swap3A_694 = vector.shape_cast %swap3A_693 : vector<1x1x8x2048xf32> to vector<8x2048xf32>
    %swap3A_695 = vector.shape_cast %slice3A_688 : vector<8x2048xf32> to vector<1x1x8x2048xf32>
    tpu.vector_store %arg3[%swap3A_689, %swap3A_690, %swap3A_691, %swap3A_692], %swap3A_695 {strides = array<i32>} : memref<1x1x2048x2048xf32, #tpu.memory_space<vmem>>, vector<1x1x8x2048xf32>,
    %slice3A_696 = vector.extract_strided_slice %get3A_575 {offsets = [0, 0], sizes = [8, 2048], strides = [1, 1]} : vector<8x2176xf32> to vector<8x2048xf32>
    %swap3A_697 = arith.constant 0 : index
    %swap3A_698 = arith.constant 0 : index
    %swap3A_699 = arith.constant 632 : index
    %swap3A_700 = arith.constant 0 : index
    %swap3A_701 = vector.load %arg3[%swap3A_697, %swap3A_698, %swap3A_699, %swap3A_700] : memref<1x1x2048x2048xf32, #tpu.memory_space<vmem>>, vector<1x1x8x2048xf32>
    %swap3A_702 = vector.shape_cast %swap3A_701 : vector<1x1x8x2048xf32> to vector<8x2048xf32>
    %swap3A_703 = vector.shape_cast %slice3A_696 : vector<8x2048xf32> to vector<1x1x8x2048xf32>
    tpu.vector_store %arg3[%swap3A_697, %swap3A_698, %swap3A_699, %swap3A_700], %swap3A_703 {strides = array<i32>} : memref<1x1x2048x2048xf32, #tpu.memory_space<vmem>>, vector<1x1x8x2048xf32>,
    %mul3A_704 = arith.constant 16 : i32
    %mul3A_705 = arith.muli %mul3A_704, %arg1 : i32
    %sub3A_706 = arith.constant 15 : i32
    %sub3A_707 = arith.subi %sub3A_706, %mul3A_705 : i32
    %sub3A_708 = arith.constant 5 : i32
    %sub3A_709 = arith.subi %sub3A_707, %sub3A_708 : i32
    %mul3A_710 = arith.constant 128 : i32
    %mul3A_711 = arith.muli %mul3A_710, %sub3A_709 : i32
    %multiple_of3A_712 = tpu.assume_multiple %mul3A_711, 128 : i32
    %get3A_713 = arith.constant 0 : index
    %get3A_714 = arith.constant 0 : index
    %get3A_715 = arith.index_cast %multiple_of3A_712 : i32 to index
    %get3A_716 = vector.load %arg2[%get3A_713, %get3A_714, %get3A_715] : memref<1x8x4224xf32, #tpu.memory_space<vmem>>, vector<1x8x2176xf32>
    %get3A_717 = vector.shape_cast %get3A_716 : vector<1x8x2176xf32> to vector<8x2176xf32>
    %slice3A_718 = vector.extract_strided_slice %get3A_717 {offsets = [0, 120], sizes = [8, 2048], strides = [1, 1]} : vector<8x2176xf32> to vector<8x2048xf32>
    %swap3A_719 = arith.constant 0 : index
    %swap3A_720 = arith.constant 0 : index
    %swap3A_721 = arith.constant 640 : index
    %swap3A_722 = arith.constant 0 : index
    %swap3A_723 = vector.load %arg3[%swap3A_719, %swap3A_720, %swap3A_721, %swap3A_722] : memref<1x1x2048x2048xf32, #tpu.memory_space<vmem>>, vector<1x1x8x2048xf32>
    %swap3A_724 = vector.shape_cast %swap3A_723 : vector<1x1x8x2048xf32> to vector<8x2048xf32>
    %swap3A_725 = vector.shape_cast %slice3A_718 : vector<8x2048xf32> to vector<1x1x8x2048xf32>
    tpu.vector_store %arg3[%swap3A_719, %swap3A_720, %swap3A_721, %swap3A_722], %swap3A_725 {strides = array<i32>} : memref<1x1x2048x2048xf32, #tpu.memory_space<vmem>>, vector<1x1x8x2048xf32>,
    %slice3A_726 = vector.extract_strided_slice %get3A_717 {offsets = [0, 112], sizes = [8, 2048], strides = [1, 1]} : vector<8x2176xf32> to vector<8x2048xf32>
    %swap3A_727 = arith.constant 0 : index
    %swap3A_728 = arith.constant 0 : index
    %swap3A_729 = arith.constant 648 : index
    %swap3A_730 = arith.constant 0 : index
    %swap3A_731 = vector.load %arg3[%swap3A_727, %swap3A_728, %swap3A_729, %swap3A_730] : memref<1x1x2048x2048xf32, #tpu.memory_space<vmem>>, vector<1x1x8x2048xf32>
    %swap3A_732 = vector.shape_cast %swap3A_731 : vector<1x1x8x2048xf32> to vector<8x2048xf32>
    %swap3A_733 = vector.shape_cast %slice3A_726 : vector<8x2048xf32> to vector<1x1x8x2048xf32>
    tpu.vector_store %arg3[%swap3A_727, %swap3A_728, %swap3A_729, %swap3A_730], %swap3A_733 {strides = array<i32>} : memref<1x1x2048x2048xf32, #tpu.memory_space<vmem>>, vector<1x1x8x2048xf32>,
    %slice3A_734 = vector.extract_strided_slice %get3A_717 {offsets = [0, 104], sizes = [8, 2048], strides = [1, 1]} : vector<8x2176xf32> to vector<8x2048xf32>
    %swap3A_735 = arith.constant 0 : index
    %swap3A_736 = arith.constant 0 : index
    %swap3A_737 = arith.constant 656 : index
    %swap3A_738 = arith.constant 0 : index
    %swap3A_739 = vector.load %arg3[%swap3A_735, %swap3A_736, %swap3A_737, %swap3A_738] : memref<1x1x2048x2048xf32, #tpu.memory_space<vmem>>, vector<1x1x8x2048xf32>
    %swap3A_740 = vector.shape_cast %swap3A_739 : vector<1x1x8x2048xf32> to vector<8x2048xf32>
    %swap3A_741 = vector.shape_cast %slice3A_734 : vector<8x2048xf32> to vector<1x1x8x2048xf32>
    tpu.vector_store %arg3[%swap3A_735, %swap3A_736, %swap3A_737, %swap3A_738], %swap3A_741 {strides = array<i32>} : memref<1x1x2048x2048xf32, #tpu.memory_space<vmem>>, vector<1x1x8x2048xf32>,
    %slice3A_742 = vector.extract_strided_slice %get3A_717 {offsets = [0, 96], sizes = [8, 2048], strides = [1, 1]} : vector<8x2176xf32> to vector<8x2048xf32>
    %swap3A_743 = arith.constant 0 : index
    %swap3A_744 = arith.constant 0 : index
    %swap3A_745 = arith.constant 664 : index
    %swap3A_746 = arith.constant 0 : index
    %swap3A_747 = vector.load %arg3[%swap3A_743, %swap3A_744, %swap3A_745, %swap3A_746] : memref<1x1x2048x2048xf32, #tpu.memory_space<vmem>>, vector<1x1x8x2048xf32>
    %swap3A_748 = vector.shape_cast %swap3A_747 : vector<1x1x8x2048xf32> to vector<8x2048xf32>
    %swap3A_749 = vector.shape_cast %slice3A_742 : vector<8x2048xf32> to vector<1x1x8x2048xf32>
    tpu.vector_store %arg3[%swap3A_743, %swap3A_744, %swap3A_745, %swap3A_746], %swap3A_749 {strides = array<i32>} : memref<1x1x2048x2048xf32, #tpu.memory_space<vmem>>, vector<1x1x8x2048xf32>,
    %slice3A_750 = vector.extract_strided_slice %get3A_717 {offsets = [0, 88], sizes = [8, 2048], strides = [1, 1]} : vector<8x2176xf32> to vector<8x2048xf32>
    %swap3A_751 = arith.constant 0 : index
    %swap3A_752 = arith.constant 0 : index
    %swap3A_753 = arith.constant 672 : index
    %swap3A_754 = arith.constant 0 : index
    %swap3A_755 = vector.load %arg3[%swap3A_751, %swap3A_752, %swap3A_753, %swap3A_754] : memref<1x1x2048x2048xf32, #tpu.memory_space<vmem>>, vector<1x1x8x2048xf32>
    %swap3A_756 = vector.shape_cast %swap3A_755 : vector<1x1x8x2048xf32> to vector<8x2048xf32>
    %swap3A_757 = vector.shape_cast %slice3A_750 : vector<8x2048xf32> to vector<1x1x8x2048xf32>
    tpu.vector_store %arg3[%swap3A_751, %swap3A_752, %swap3A_753, %swap3A_754], %swap3A_757 {strides = array<i32>} : memref<1x1x2048x2048xf32, #tpu.memory_space<vmem>>, vector<1x1x8x2048xf32>,
    %slice3A_758 = vector.extract_strided_slice %get3A_717 {offsets = [0, 80], sizes = [8, 2048], strides = [1, 1]} : vector<8x2176xf32> to vector<8x2048xf32>
    %swap3A_759 = arith.constant 0 : index
    %swap3A_760 = arith.constant 0 : index
    %swap3A_761 = arith.constant 680 : index
    %swap3A_762 = arith.constant 0 : index
    %swap3A_763 = vector.load %arg3[%swap3A_759, %swap3A_760, %swap3A_761, %swap3A_762] : memref<1x1x2048x2048xf32, #tpu.memory_space<vmem>>, vector<1x1x8x2048xf32>
    %swap3A_764 = vector.shape_cast %swap3A_763 : vector<1x1x8x2048xf32> to vector<8x2048xf32>
    %swap3A_765 = vector.shape_cast %slice3A_758 : vector<8x2048xf32> to vector<1x1x8x2048xf32>
    tpu.vector_store %arg3[%swap3A_759, %swap3A_760, %swap3A_761, %swap3A_762], %swap3A_765 {strides = array<i32>} : memref<1x1x2048x2048xf32, #tpu.memory_space<vmem>>, vector<1x1x8x2048xf32>,
    %slice3A_766 = vector.extract_strided_slice %get3A_717 {offsets = [0, 72], sizes = [8, 2048], strides = [1, 1]} : vector<8x2176xf32> to vector<8x2048xf32>
    %swap3A_767 = arith.constant 0 : index
    %swap3A_768 = arith.constant 0 : index
    %swap3A_769 = arith.constant 688 : index
    %swap3A_770 = arith.constant 0 : index
    %swap3A_771 = vector.load %arg3[%swap3A_767, %swap3A_768, %swap3A_769, %swap3A_770] : memref<1x1x2048x2048xf32, #tpu.memory_space<vmem>>, vector<1x1x8x2048xf32>
    %swap3A_772 = vector.shape_cast %swap3A_771 : vector<1x1x8x2048xf32> to vector<8x2048xf32>
    %swap3A_773 = vector.shape_cast %slice3A_766 : vector<8x2048xf32> to vector<1x1x8x2048xf32>
    tpu.vector_store %arg3[%swap3A_767, %swap3A_768, %swap3A_769, %swap3A_770], %swap3A_773 {strides = array<i32>} : memref<1x1x2048x2048xf32, #tpu.memory_space<vmem>>, vector<1x1x8x2048xf32>,
    %slice3A_774 = vector.extract_strided_slice %get3A_717 {offsets = [0, 64], sizes = [8, 2048], strides = [1, 1]} : vector<8x2176xf32> to vector<8x2048xf32>
    %swap3A_775 = arith.constant 0 : index
    %swap3A_776 = arith.constant 0 : index
    %swap3A_777 = arith.constant 696 : index
    %swap3A_778 = arith.constant 0 : index
    %swap3A_779 = vector.load %arg3[%swap3A_775, %swap3A_776, %swap3A_777, %swap3A_778] : memref<1x1x2048x2048xf32, #tpu.memory_space<vmem>>, vector<1x1x8x2048xf32>
    %swap3A_780 = vector.shape_cast %swap3A_779 : vector<1x1x8x2048xf32> to vector<8x2048xf32>
    %swap3A_781 = vector.shape_cast %slice3A_774 : vector<8x2048xf32> to vector<1x1x8x2048xf32>
    tpu.vector_store %arg3[%swap3A_775, %swap3A_776, %swap3A_777, %swap3A_778], %swap3A_781 {strides = array<i32>} : memref<1x1x2048x2048xf32, #tpu.memory_space<vmem>>, vector<1x1x8x2048xf32>,
    %slice3A_782 = vector.extract_strided_slice %get3A_717 {offsets = [0, 56], sizes = [8, 2048], strides = [1, 1]} : vector<8x2176xf32> to vector<8x2048xf32>
    %swap3A_783 = arith.constant 0 : index
    %swap3A_784 = arith.constant 0 : index
    %swap3A_785 = arith.constant 704 : index
    %swap3A_786 = arith.constant 0 : index
    %swap3A_787 = vector.load %arg3[%swap3A_783, %swap3A_784, %swap3A_785, %swap3A_786] : memref<1x1x2048x2048xf32, #tpu.memory_space<vmem>>, vector<1x1x8x2048xf32>
    %swap3A_788 = vector.shape_cast %swap3A_787 : vector<1x1x8x2048xf32> to vector<8x2048xf32>
    %swap3A_789 = vector.shape_cast %slice3A_782 : vector<8x2048xf32> to vector<1x1x8x2048xf32>
    tpu.vector_store %arg3[%swap3A_783, %swap3A_784, %swap3A_785, %swap3A_786], %swap3A_789 {strides = array<i32>} : memref<1x1x2048x2048xf32, #tpu.memory_space<vmem>>, vector<1x1x8x2048xf32>,
    %slice3A_790 = vector.extract_strided_slice %get3A_717 {offsets = [0, 48], sizes = [8, 2048], strides = [1, 1]} : vector<8x2176xf32> to vector<8x2048xf32>
    %swap3A_791 = arith.constant 0 : index
    %swap3A_792 = arith.constant 0 : index
    %swap3A_793 = arith.constant 712 : index
    %swap3A_794 = arith.constant 0 : index
    %swap3A_795 = vector.load %arg3[%swap3A_791, %swap3A_792, %swap3A_793, %swap3A_794] : memref<1x1x2048x2048xf32, #tpu.memory_space<vmem>>, vector<1x1x8x2048xf32>
    %swap3A_796 = vector.shape_cast %swap3A_795 : vector<1x1x8x2048xf32> to vector<8x2048xf32>
    %swap3A_797 = vector.shape_cast %slice3A_790 : vector<8x2048xf32> to vector<1x1x8x2048xf32>
    tpu.vector_store %arg3[%swap3A_791, %swap3A_792, %swap3A_793, %swap3A_794], %swap3A_797 {strides = array<i32>} : memref<1x1x2048x2048xf32, #tpu.memory_space<vmem>>, vector<1x1x8x2048xf32>,
    %slice3A_798 = vector.extract_strided_slice %get3A_717 {offsets = [0, 40], sizes = [8, 2048], strides = [1, 1]} : vector<8x2176xf32> to vector<8x2048xf32>
    %swap3A_799 = arith.constant 0 : index
    %swap3A_800 = arith.constant 0 : index
    %swap3A_801 = arith.constant 720 : index
    %swap3A_802 = arith.constant 0 : index
    %swap3A_803 = vector.load %arg3[%swap3A_799, %swap3A_800, %swap3A_801, %swap3A_802] : memref<1x1x2048x2048xf32, #tpu.memory_space<vmem>>, vector<1x1x8x2048xf32>
    %swap3A_804 = vector.shape_cast %swap3A_803 : vector<1x1x8x2048xf32> to vector<8x2048xf32>
    %swap3A_805 = vector.shape_cast %slice3A_798 : vector<8x2048xf32> to vector<1x1x8x2048xf32>
    tpu.vector_store %arg3[%swap3A_799, %swap3A_800, %swap3A_801, %swap3A_802], %swap3A_805 {strides = array<i32>} : memref<1x1x2048x2048xf32, #tpu.memory_space<vmem>>, vector<1x1x8x2048xf32>,
    %slice3A_806 = vector.extract_strided_slice %get3A_717 {offsets = [0, 32], sizes = [8, 2048], strides = [1, 1]} : vector<8x2176xf32> to vector<8x2048xf32>
    %swap3A_807 = arith.constant 0 : index
    %swap3A_808 = arith.constant 0 : index
    %swap3A_809 = arith.constant 728 : index
    %swap3A_810 = arith.constant 0 : index
    %swap3A_811 = vector.load %arg3[%swap3A_807, %swap3A_808, %swap3A_809, %swap3A_810] : memref<1x1x2048x2048xf32, #tpu.memory_space<vmem>>, vector<1x1x8x2048xf32>
    %swap3A_812 = vector.shape_cast %swap3A_811 : vector<1x1x8x2048xf32> to vector<8x2048xf32>
    %swap3A_813 = vector.shape_cast %slice3A_806 : vector<8x2048xf32> to vector<1x1x8x2048xf32>
    tpu.vector_store %arg3[%swap3A_807, %swap3A_808, %swap3A_809, %swap3A_810], %swap3A_813 {strides = array<i32>} : memref<1x1x2048x2048xf32, #tpu.memory_space<vmem>>, vector<1x1x8x2048xf32>,
    %slice3A_814 = vector.extract_strided_slice %get3A_717 {offsets = [0, 24], sizes = [8, 2048], strides = [1, 1]} : vector<8x2176xf32> to vector<8x2048xf32>
    %swap3A_815 = arith.constant 0 : index
    %swap3A_816 = arith.constant 0 : index
    %swap3A_817 = arith.constant 736 : index
    %swap3A_818 = arith.constant 0 : index
    %swap3A_819 = vector.load %arg3[%swap3A_815, %swap3A_816, %swap3A_817, %swap3A_818] : memref<1x1x2048x2048xf32, #tpu.memory_space<vmem>>, vector<1x1x8x2048xf32>
    %swap3A_820 = vector.shape_cast %swap3A_819 : vector<1x1x8x2048xf32> to vector<8x2048xf32>
    %swap3A_821 = vector.shape_cast %slice3A_814 : vector<8x2048xf32> to vector<1x1x8x2048xf32>
    tpu.vector_store %arg3[%swap3A_815, %swap3A_816, %swap3A_817, %swap3A_818], %swap3A_821 {strides = array<i32>} : memref<1x1x2048x2048xf32, #tpu.memory_space<vmem>>, vector<1x1x8x2048xf32>,
    %slice3A_822 = vector.extract_strided_slice %get3A_717 {offsets = [0, 16], sizes = [8, 2048], strides = [1, 1]} : vector<8x2176xf32> to vector<8x2048xf32>
    %swap3A_823 = arith.constant 0 : index
    %swap3A_824 = arith.constant 0 : index
    %swap3A_825 = arith.constant 744 : index
    %swap3A_826 = arith.constant 0 : index
    %swap3A_827 = vector.load %arg3[%swap3A_823, %swap3A_824, %swap3A_825, %swap3A_826] : memref<1x1x2048x2048xf32, #tpu.memory_space<vmem>>, vector<1x1x8x2048xf32>
    %swap3A_828 = vector.shape_cast %swap3A_827 : vector<1x1x8x2048xf32> to vector<8x2048xf32>
    %swap3A_829 = vector.shape_cast %slice3A_822 : vector<8x2048xf32> to vector<1x1x8x2048xf32>
    tpu.vector_store %arg3[%swap3A_823, %swap3A_824, %swap3A_825, %swap3A_826], %swap3A_829 {strides = array<i32>} : memref<1x1x2048x2048xf32, #tpu.memory_space<vmem>>, vector<1x1x8x2048xf32>,
    %slice3A_830 = vector.extract_strided_slice %get3A_717 {offsets = [0, 8], sizes = [8, 2048], strides = [1, 1]} : vector<8x2176xf32> to vector<8x2048xf32>
    %swap3A_831 = arith.constant 0 : index
    %swap3A_832 = arith.constant 0 : index
    %swap3A_833 = arith.constant 752 : index
    %swap3A_834 = arith.constant 0 : index
    %swap3A_835 = vector.load %arg3[%swap3A_831, %swap3A_832, %swap3A_833, %swap3A_834] : memref<1x1x2048x2048xf32, #tpu.memory_space<vmem>>, vector<1x1x8x2048xf32>
    %swap3A_836 = vector.shape_cast %swap3A_835 : vector<1x1x8x2048xf32> to vector<8x2048xf32>
    %swap3A_837 = vector.shape_cast %slice3A_830 : vector<8x2048xf32> to vector<1x1x8x2048xf32>
    tpu.vector_store %arg3[%swap3A_831, %swap3A_832, %swap3A_833, %swap3A_834], %swap3A_837 {strides = array<i32>} : memref<1x1x2048x2048xf32, #tpu.memory_space<vmem>>, vector<1x1x8x2048xf32>,
    %slice3A_838 = vector.extract_strided_slice %get3A_717 {offsets = [0, 0], sizes = [8, 2048], strides = [1, 1]} : vector<8x2176xf32> to vector<8x2048xf32>
    %swap3A_839 = arith.constant 0 : index
    %swap3A_840 = arith.constant 0 : index
    %swap3A_841 = arith.constant 760 : index
    %swap3A_842 = arith.constant 0 : index
    %swap3A_843 = vector.load %arg3[%swap3A_839, %swap3A_840, %swap3A_841, %swap3A_842] : memref<1x1x2048x2048xf32, #tpu.memory_space<vmem>>, vector<1x1x8x2048xf32>
    %swap3A_844 = vector.shape_cast %swap3A_843 : vector<1x1x8x2048xf32> to vector<8x2048xf32>
    %swap3A_845 = vector.shape_cast %slice3A_838 : vector<8x2048xf32> to vector<1x1x8x2048xf32>
    tpu.vector_store %arg3[%swap3A_839, %swap3A_840, %swap3A_841, %swap3A_842], %swap3A_845 {strides = array<i32>} : memref<1x1x2048x2048xf32, #tpu.memory_space<vmem>>, vector<1x1x8x2048xf32>,
    %mul3A_846 = arith.constant 16 : i32
    %mul3A_847 = arith.muli %mul3A_846, %arg1 : i32
    %sub3A_848 = arith.constant 15 : i32
    %sub3A_849 = arith.subi %sub3A_848, %mul3A_847 : i32
    %sub3A_850 = arith.constant 6 : i32
    %sub3A_851 = arith.subi %sub3A_849, %sub3A_850 : i32
    %mul3A_852 = arith.constant 128 : i32
    %mul3A_853 = arith.muli %mul3A_852, %sub3A_851 : i32
    %multiple_of3A_854 = tpu.assume_multiple %mul3A_853, 128 : i32
    %get3A_855 = arith.constant 0 : index
    %get3A_856 = arith.constant 0 : index
    %get3A_857 = arith.index_cast %multiple_of3A_854 : i32 to index
    %get3A_858 = vector.load %arg2[%get3A_855, %get3A_856, %get3A_857] : memref<1x8x4224xf32, #tpu.memory_space<vmem>>, vector<1x8x2176xf32>
    %get3A_859 = vector.shape_cast %get3A_858 : vector<1x8x2176xf32> to vector<8x2176xf32>
    %slice3A_860 = vector.extract_strided_slice %get3A_859 {offsets = [0, 120], sizes = [8, 2048], strides = [1, 1]} : vector<8x2176xf32> to vector<8x2048xf32>
    %swap3A_861 = arith.constant 0 : index
    %swap3A_862 = arith.constant 0 : index
    %swap3A_863 = arith.constant 768 : index
    %swap3A_864 = arith.constant 0 : index
    %swap3A_865 = vector.load %arg3[%swap3A_861, %swap3A_862, %swap3A_863, %swap3A_864] : memref<1x1x2048x2048xf32, #tpu.memory_space<vmem>>, vector<1x1x8x2048xf32>
    %swap3A_866 = vector.shape_cast %swap3A_865 : vector<1x1x8x2048xf32> to vector<8x2048xf32>
    %swap3A_867 = vector.shape_cast %slice3A_860 : vector<8x2048xf32> to vector<1x1x8x2048xf32>
    tpu.vector_store %arg3[%swap3A_861, %swap3A_862, %swap3A_863, %swap3A_864], %swap3A_867 {strides = array<i32>} : memref<1x1x2048x2048xf32, #tpu.memory_space<vmem>>, vector<1x1x8x2048xf32>,
    %slice3A_868 = vector.extract_strided_slice %get3A_859 {offsets = [0, 112], sizes = [8, 2048], strides = [1, 1]} : vector<8x2176xf32> to vector<8x2048xf32>
    %swap3A_869 = arith.constant 0 : index
    %swap3A_870 = arith.constant 0 : index
    %swap3A_871 = arith.constant 776 : index
    %swap3A_872 = arith.constant 0 : index
    %swap3A_873 = vector.load %arg3[%swap3A_869, %swap3A_870, %swap3A_871, %swap3A_872] : memref<1x1x2048x2048xf32, #tpu.memory_space<vmem>>, vector<1x1x8x2048xf32>
    %swap3A_874 = vector.shape_cast %swap3A_873 : vector<1x1x8x2048xf32> to vector<8x2048xf32>
    %swap3A_875 = vector.shape_cast %slice3A_868 : vector<8x2048xf32> to vector<1x1x8x2048xf32>
    tpu.vector_store %arg3[%swap3A_869, %swap3A_870, %swap3A_871, %swap3A_872], %swap3A_875 {strides = array<i32>} : memref<1x1x2048x2048xf32, #tpu.memory_space<vmem>>, vector<1x1x8x2048xf32>,
    %slice3A_876 = vector.extract_strided_slice %get3A_859 {offsets = [0, 104], sizes = [8, 2048], strides = [1, 1]} : vector<8x2176xf32> to vector<8x2048xf32>
    %swap3A_877 = arith.constant 0 : index
    %swap3A_878 = arith.constant 0 : index
    %swap3A_879 = arith.constant 784 : index
    %swap3A_880 = arith.constant 0 : index
    %swap3A_881 = vector.load %arg3[%swap3A_877, %swap3A_878, %swap3A_879, %swap3A_880] : memref<1x1x2048x2048xf32, #tpu.memory_space<vmem>>, vector<1x1x8x2048xf32>
    %swap3A_882 = vector.shape_cast %swap3A_881 : vector<1x1x8x2048xf32> to vector<8x2048xf32>
    %swap3A_883 = vector.shape_cast %slice3A_876 : vector<8x2048xf32> to vector<1x1x8x2048xf32>
    tpu.vector_store %arg3[%swap3A_877, %swap3A_878, %swap3A_879, %swap3A_880], %swap3A_883 {strides = array<i32>} : memref<1x1x2048x2048xf32, #tpu.memory_space<vmem>>, vector<1x1x8x2048xf32>,
    %slice3A_884 = vector.extract_strided_slice %get3A_859 {offsets = [0, 96], sizes = [8, 2048], strides = [1, 1]} : vector<8x2176xf32> to vector<8x2048xf32>
    %swap3A_885 = arith.constant 0 : index
    %swap3A_886 = arith.constant 0 : index
    %swap3A_887 = arith.constant 792 : index
    %swap3A_888 = arith.constant 0 : index
    %swap3A_889 = vector.load %arg3[%swap3A_885, %swap3A_886, %swap3A_887, %swap3A_888] : memref<1x1x2048x2048xf32, #tpu.memory_space<vmem>>, vector<1x1x8x2048xf32>
    %swap3A_890 = vector.shape_cast %swap3A_889 : vector<1x1x8x2048xf32> to vector<8x2048xf32>
    %swap3A_891 = vector.shape_cast %slice3A_884 : vector<8x2048xf32> to vector<1x1x8x2048xf32>
    tpu.vector_store %arg3[%swap3A_885, %swap3A_886, %swap3A_887, %swap3A_888], %swap3A_891 {strides = array<i32>} : memref<1x1x2048x2048xf32, #tpu.memory_space<vmem>>, vector<1x1x8x2048xf32>,
    %slice3A_892 = vector.extract_strided_slice %get3A_859 {offsets = [0, 88], sizes = [8, 2048], strides = [1, 1]} : vector<8x2176xf32> to vector<8x2048xf32>
    %swap3A_893 = arith.constant 0 : index
    %swap3A_894 = arith.constant 0 : index
    %swap3A_895 = arith.constant 800 : index
    %swap3A_896 = arith.constant 0 : index
    %swap3A_897 = vector.load %arg3[%swap3A_893, %swap3A_894, %swap3A_895, %swap3A_896] : memref<1x1x2048x2048xf32, #tpu.memory_space<vmem>>, vector<1x1x8x2048xf32>
    %swap3A_898 = vector.shape_cast %swap3A_897 : vector<1x1x8x2048xf32> to vector<8x2048xf32>
    %swap3A_899 = vector.shape_cast %slice3A_892 : vector<8x2048xf32> to vector<1x1x8x2048xf32>
    tpu.vector_store %arg3[%swap3A_893, %swap3A_894, %swap3A_895, %swap3A_896], %swap3A_899 {strides = array<i32>} : memref<1x1x2048x2048xf32, #tpu.memory_space<vmem>>, vector<1x1x8x2048xf32>,
    %slice3A_900 = vector.extract_strided_slice %get3A_859 {offsets = [0, 80], sizes = [8, 2048], strides = [1, 1]} : vector<8x2176xf32> to vector<8x2048xf32>
    %swap3A_901 = arith.constant 0 : index
    %swap3A_902 = arith.constant 0 : index
    %swap3A_903 = arith.constant 808 : index
    %swap3A_904 = arith.constant 0 : index
    %swap3A_905 = vector.load %arg3[%swap3A_901, %swap3A_902, %swap3A_903, %swap3A_904] : memref<1x1x2048x2048xf32, #tpu.memory_space<vmem>>, vector<1x1x8x2048xf32>
    %swap3A_906 = vector.shape_cast %swap3A_905 : vector<1x1x8x2048xf32> to vector<8x2048xf32>
    %swap3A_907 = vector.shape_cast %slice3A_900 : vector<8x2048xf32> to vector<1x1x8x2048xf32>
    tpu.vector_store %arg3[%swap3A_901, %swap3A_902, %swap3A_903, %swap3A_904], %swap3A_907 {strides = array<i32>} : memref<1x1x2048x2048xf32, #tpu.memory_space<vmem>>, vector<1x1x8x2048xf32>,
    %slice3A_908 = vector.extract_strided_slice %get3A_859 {offsets = [0, 72], sizes = [8, 2048], strides = [1, 1]} : vector<8x2176xf32> to vector<8x2048xf32>
    %swap3A_909 = arith.constant 0 : index
    %swap3A_910 = arith.constant 0 : index
    %swap3A_911 = arith.constant 816 : index
    %swap3A_912 = arith.constant 0 : index
    %swap3A_913 = vector.load %arg3[%swap3A_909, %swap3A_910, %swap3A_911, %swap3A_912] : memref<1x1x2048x2048xf32, #tpu.memory_space<vmem>>, vector<1x1x8x2048xf32>
    %swap3A_914 = vector.shape_cast %swap3A_913 : vector<1x1x8x2048xf32> to vector<8x2048xf32>
    %swap3A_915 = vector.shape_cast %slice3A_908 : vector<8x2048xf32> to vector<1x1x8x2048xf32>
    tpu.vector_store %arg3[%swap3A_909, %swap3A_910, %swap3A_911, %swap3A_912], %swap3A_915 {strides = array<i32>} : memref<1x1x2048x2048xf32, #tpu.memory_space<vmem>>, vector<1x1x8x2048xf32>,
    %slice3A_916 = vector.extract_strided_slice %get3A_859 {offsets = [0, 64], sizes = [8, 2048], strides = [1, 1]} : vector<8x2176xf32> to vector<8x2048xf32>
    %swap3A_917 = arith.constant 0 : index
    %swap3A_918 = arith.constant 0 : index
    %swap3A_919 = arith.constant 824 : index
    %swap3A_920 = arith.constant 0 : index
    %swap3A_921 = vector.load %arg3[%swap3A_917, %swap3A_918, %swap3A_919, %swap3A_920] : memref<1x1x2048x2048xf32, #tpu.memory_space<vmem>>, vector<1x1x8x2048xf32>
    %swap3A_922 = vector.shape_cast %swap3A_921 : vector<1x1x8x2048xf32> to vector<8x2048xf32>
    %swap3A_923 = vector.shape_cast %slice3A_916 : vector<8x2048xf32> to vector<1x1x8x2048xf32>
    tpu.vector_store %arg3[%swap3A_917, %swap3A_918, %swap3A_919, %swap3A_920], %swap3A_923 {strides = array<i32>} : memref<1x1x2048x2048xf32, #tpu.memory_space<vmem>>, vector<1x1x8x2048xf32>,
    %slice3A_924 = vector.extract_strided_slice %get3A_859 {offsets = [0, 56], sizes = [8, 2048], strides = [1, 1]} : vector<8x2176xf32> to vector<8x2048xf32>
    %swap3A_925 = arith.constant 0 : index
    %swap3A_926 = arith.constant 0 : index
    %swap3A_927 = arith.constant 832 : index
    %swap3A_928 = arith.constant 0 : index
    %swap3A_929 = vector.load %arg3[%swap3A_925, %swap3A_926, %swap3A_927, %swap3A_928] : memref<1x1x2048x2048xf32, #tpu.memory_space<vmem>>, vector<1x1x8x2048xf32>
    %swap3A_930 = vector.shape_cast %swap3A_929 : vector<1x1x8x2048xf32> to vector<8x2048xf32>
    %swap3A_931 = vector.shape_cast %slice3A_924 : vector<8x2048xf32> to vector<1x1x8x2048xf32>
    tpu.vector_store %arg3[%swap3A_925, %swap3A_926, %swap3A_927, %swap3A_928], %swap3A_931 {strides = array<i32>} : memref<1x1x2048x2048xf32, #tpu.memory_space<vmem>>, vector<1x1x8x2048xf32>,
    %slice3A_932 = vector.extract_strided_slice %get3A_859 {offsets = [0, 48], sizes = [8, 2048], strides = [1, 1]} : vector<8x2176xf32> to vector<8x2048xf32>
    %swap3A_933 = arith.constant 0 : index
    %swap3A_934 = arith.constant 0 : index
    %swap3A_935 = arith.constant 840 : index
    %swap3A_936 = arith.constant 0 : index
    %swap3A_937 = vector.load %arg3[%swap3A_933, %swap3A_934, %swap3A_935, %swap3A_936] : memref<1x1x2048x2048xf32, #tpu.memory_space<vmem>>, vector<1x1x8x2048xf32>
    %swap3A_938 = vector.shape_cast %swap3A_937 : vector<1x1x8x2048xf32> to vector<8x2048xf32>
    %swap3A_939 = vector.shape_cast %slice3A_932 : vector<8x2048xf32> to vector<1x1x8x2048xf32>
    tpu.vector_store %arg3[%swap3A_933, %swap3A_934, %swap3A_935, %swap3A_936], %swap3A_939 {strides = array<i32>} : memref<1x1x2048x2048xf32, #tpu.memory_space<vmem>>, vector<1x1x8x2048xf32>,
    %slice3A_940 = vector.extract_strided_slice %get3A_859 {offsets = [0, 40], sizes = [8, 2048], strides = [1, 1]} : vector<8x2176xf32> to vector<8x2048xf32>
    %swap3A_941 = arith.constant 0 : index
    %swap3A_942 = arith.constant 0 : index
    %swap3A_943 = arith.constant 848 : index
    %swap3A_944 = arith.constant 0 : index
    %swap3A_945 = vector.load %arg3[%swap3A_941, %swap3A_942, %swap3A_943, %swap3A_944] : memref<1x1x2048x2048xf32, #tpu.memory_space<vmem>>, vector<1x1x8x2048xf32>
    %swap3A_946 = vector.shape_cast %swap3A_945 : vector<1x1x8x2048xf32> to vector<8x2048xf32>
    %swap3A_947 = vector.shape_cast %slice3A_940 : vector<8x2048xf32> to vector<1x1x8x2048xf32>
    tpu.vector_store %arg3[%swap3A_941, %swap3A_942, %swap3A_943, %swap3A_944], %swap3A_947 {strides = array<i32>} : memref<1x1x2048x2048xf32, #tpu.memory_space<vmem>>, vector<1x1x8x2048xf32>,
    %slice3A_948 = vector.extract_strided_slice %get3A_859 {offsets = [0, 32], sizes = [8, 2048], strides = [1, 1]} : vector<8x2176xf32> to vector<8x2048xf32>
    %swap3A_949 = arith.constant 0 : index
    %swap3A_950 = arith.constant 0 : index
    %swap3A_951 = arith.constant 856 : index
    %swap3A_952 = arith.constant 0 : index
    %swap3A_953 = vector.load %arg3[%swap3A_949, %swap3A_950, %swap3A_951, %swap3A_952] : memref<1x1x2048x2048xf32, #tpu.memory_space<vmem>>, vector<1x1x8x2048xf32>
    %swap3A_954 = vector.shape_cast %swap3A_953 : vector<1x1x8x2048xf32> to vector<8x2048xf32>
    %swap3A_955 = vector.shape_cast %slice3A_948 : vector<8x2048xf32> to vector<1x1x8x2048xf32>
    tpu.vector_store %arg3[%swap3A_949, %swap3A_950, %swap3A_951, %swap3A_952], %swap3A_955 {strides = array<i32>} : memref<1x1x2048x2048xf32, #tpu.memory_space<vmem>>, vector<1x1x8x2048xf32>,
    %slice3A_956 = vector.extract_strided_slice %get3A_859 {offsets = [0, 24], sizes = [8, 2048], strides = [1, 1]} : vector<8x2176xf32> to vector<8x2048xf32>
    %swap3A_957 = arith.constant 0 : index
    %swap3A_958 = arith.constant 0 : index
    %swap3A_959 = arith.constant 864 : index
    %swap3A_960 = arith.constant 0 : index
    %swap3A_961 = vector.load %arg3[%swap3A_957, %swap3A_958, %swap3A_959, %swap3A_960] : memref<1x1x2048x2048xf32, #tpu.memory_space<vmem>>, vector<1x1x8x2048xf32>
    %swap3A_962 = vector.shape_cast %swap3A_961 : vector<1x1x8x2048xf32> to vector<8x2048xf32>
    %swap3A_963 = vector.shape_cast %slice3A_956 : vector<8x2048xf32> to vector<1x1x8x2048xf32>
    tpu.vector_store %arg3[%swap3A_957, %swap3A_958, %swap3A_959, %swap3A_960], %swap3A_963 {strides = array<i32>} : memref<1x1x2048x2048xf32, #tpu.memory_space<vmem>>, vector<1x1x8x2048xf32>,
    %slice3A_964 = vector.extract_strided_slice %get3A_859 {offsets = [0, 16], sizes = [8, 2048], strides = [1, 1]} : vector<8x2176xf32> to vector<8x2048xf32>
    %swap3A_965 = arith.constant 0 : index
    %swap3A_966 = arith.constant 0 : index
    %swap3A_967 = arith.constant 872 : index
    %swap3A_968 = arith.constant 0 : index
    %swap3A_969 = vector.load %arg3[%swap3A_965, %swap3A_966, %swap3A_967, %swap3A_968] : memref<1x1x2048x2048xf32, #tpu.memory_space<vmem>>, vector<1x1x8x2048xf32>
    %swap3A_970 = vector.shape_cast %swap3A_969 : vector<1x1x8x2048xf32> to vector<8x2048xf32>
    %swap3A_971 = vector.shape_cast %slice3A_964 : vector<8x2048xf32> to vector<1x1x8x2048xf32>
    tpu.vector_store %arg3[%swap3A_965, %swap3A_966, %swap3A_967, %swap3A_968], %swap3A_971 {strides = array<i32>} : memref<1x1x2048x2048xf32, #tpu.memory_space<vmem>>, vector<1x1x8x2048xf32>,
    %slice3A_972 = vector.extract_strided_slice %get3A_859 {offsets = [0, 8], sizes = [8, 2048], strides = [1, 1]} : vector<8x2176xf32> to vector<8x2048xf32>
    %swap3A_973 = arith.constant 0 : index
    %swap3A_974 = arith.constant 0 : index
    %swap3A_975 = arith.constant 880 : index
    %swap3A_976 = arith.constant 0 : index
    %swap3A_977 = vector.load %arg3[%swap3A_973, %swap3A_974, %swap3A_975, %swap3A_976] : memref<1x1x2048x2048xf32, #tpu.memory_space<vmem>>, vector<1x1x8x2048xf32>
    %swap3A_978 = vector.shape_cast %swap3A_977 : vector<1x1x8x2048xf32> to vector<8x2048xf32>
    %swap3A_979 = vector.shape_cast %slice3A_972 : vector<8x2048xf32> to vector<1x1x8x2048xf32>
    tpu.vector_store %arg3[%swap3A_973, %swap3A_974, %swap3A_975, %swap3A_976], %swap3A_979 {strides = array<i32>} : memref<1x1x2048x2048xf32, #tpu.memory_space<vmem>>, vector<1x1x8x2048xf32>,
    %slice3A_980 = vector.extract_strided_slice %get3A_859 {offsets = [0, 0], sizes = [8, 2048], strides = [1, 1]} : vector<8x2176xf32> to vector<8x2048xf32>
    %swap3A_981 = arith.constant 0 : index
    %swap3A_982 = arith.constant 0 : index
    %swap3A_983 = arith.constant 888 : index
    %swap3A_984 = arith.constant 0 : index
    %swap3A_985 = vector.load %arg3[%swap3A_981, %swap3A_982, %swap3A_983, %swap3A_984] : memref<1x1x2048x2048xf32, #tpu.memory_space<vmem>>, vector<1x1x8x2048xf32>
    %swap3A_986 = vector.shape_cast %swap3A_985 : vector<1x1x8x2048xf32> to vector<8x2048xf32>
    %swap3A_987 = vector.shape_cast %slice3A_980 : vector<8x2048xf32> to vector<1x1x8x2048xf32>
    tpu.vector_store %arg3[%swap3A_981, %swap3A_982, %swap3A_983, %swap3A_984], %swap3A_987 {strides = array<i32>} : memref<1x1x2048x2048xf32, #tpu.memory_space<vmem>>, vector<1x1x8x2048xf32>,
    %mul3A_988 = arith.constant 16 : i32
    %mul3A_989 = arith.muli %mul3A_988, %arg1 : i32
    %sub3A_990 = arith.constant 15 : i32
    %sub3A_991 = arith.subi %sub3A_990, %mul3A_989 : i32
    %sub3A_992 = arith.constant 7 : i32
    %sub3A_993 = arith.subi %sub3A_991, %sub3A_992 : i32
    %mul3A_994 = arith.constant 128 : i32
    %mul3A_995 = arith.muli %mul3A_994, %sub3A_993 : i32
    %multiple_of3A_996 = tpu.assume_multiple %mul3A_995, 128 : i32
    %get3A_997 = arith.constant 0 : index
    %get3A_998 = arith.constant 0 : index
    %get3A_999 = arith.index_cast %multiple_of3A_996 : i32 to index
    %get3A_1000 = vector.load %arg2[%get3A_997, %get3A_998, %get3A_999] : memref<1x8x4224xf32, #tpu.memory_space<vmem>>, vector<1x8x2176xf32>
    %get3A_1001 = vector.shape_cast %get3A_1000 : vector<1x8x2176xf32> to vector<8x2176xf32>
    %slice3A_1002 = vector.extract_strided_slice %get3A_1001 {offsets = [0, 120], sizes = [8, 2048], strides = [1, 1]} : vector<8x2176xf32> to vector<8x2048xf32>
    %swap3A_1003 = arith.constant 0 : index
    %swap3A_1004 = arith.constant 0 : index
    %swap3A_1005 = arith.constant 896 : index
    %swap3A_1006 = arith.constant 0 : index
    %swap3A_1007 = vector.load %arg3[%swap3A_1003, %swap3A_1004, %swap3A_1005, %swap3A_1006] : memref<1x1x2048x2048xf32, #tpu.memory_space<vmem>>, vector<1x1x8x2048xf32>
    %swap3A_1008 = vector.shape_cast %swap3A_1007 : vector<1x1x8x2048xf32> to vector<8x2048xf32>
    %swap3A_1009 = vector.shape_cast %slice3A_1002 : vector<8x2048xf32> to vector<1x1x8x2048xf32>
    tpu.vector_store %arg3[%swap3A_1003, %swap3A_1004, %swap3A_1005, %swap3A_1006], %swap3A_1009 {strides = array<i32>} : memref<1x1x2048x2048xf32, #tpu.memory_space<vmem>>, vector<1x1x8x2048xf32>,
    %slice3A_1010 = vector.extract_strided_slice %get3A_1001 {offsets = [0, 112], sizes = [8, 2048], strides = [1, 1]} : vector<8x2176xf32> to vector<8x2048xf32>
    %swap3A_1011 = arith.constant 0 : index
    %swap3A_1012 = arith.constant 0 : index
    %swap3A_1013 = arith.constant 904 : index
    %swap3A_1014 = arith.constant 0 : index
    %swap3A_1015 = vector.load %arg3[%swap3A_1011, %swap3A_1012, %swap3A_1013, %swap3A_1014] : memref<1x1x2048x2048xf32, #tpu.memory_space<vmem>>, vector<1x1x8x2048xf32>
    %swap3A_1016 = vector.shape_cast %swap3A_1015 : vector<1x1x8x2048xf32> to vector<8x2048xf32>
    %swap3A_1017 = vector.shape_cast %slice3A_1010 : vector<8x2048xf32> to vector<1x1x8x2048xf32>
    tpu.vector_store %arg3[%swap3A_1011, %swap3A_1012, %swap3A_1013, %swap3A_1014], %swap3A_1017 {strides = array<i32>} : memref<1x1x2048x2048xf32, #tpu.memory_space<vmem>>, vector<1x1x8x2048xf32>,
    %slice3A_1018 = vector.extract_strided_slice %get3A_1001 {offsets = [0, 104], sizes = [8, 2048], strides = [1, 1]} : vector<8x2176xf32> to vector<8x2048xf32>
    %swap3A_1019 = arith.constant 0 : index
    %swap3A_1020 = arith.constant 0 : index
    %swap3A_1021 = arith.constant 912 : index
    %swap3A_1022 = arith.constant 0 : index
    %swap3A_1023 = vector.load %arg3[%swap3A_1019, %swap3A_1020, %swap3A_1021, %swap3A_1022] : memref<1x1x2048x2048xf32, #tpu.memory_space<vmem>>, vector<1x1x8x2048xf32>
    %swap3A_1024 = vector.shape_cast %swap3A_1023 : vector<1x1x8x2048xf32> to vector<8x2048xf32>
    %swap3A_1025 = vector.shape_cast %slice3A_1018 : vector<8x2048xf32> to vector<1x1x8x2048xf32>
    tpu.vector_store %arg3[%swap3A_1019, %swap3A_1020, %swap3A_1021, %swap3A_1022], %swap3A_1025 {strides = array<i32>} : memref<1x1x2048x2048xf32, #tpu.memory_space<vmem>>, vector<1x1x8x2048xf32>,
    %slice3A_1026 = vector.extract_strided_slice %get3A_1001 {offsets = [0, 96], sizes = [8, 2048], strides = [1, 1]} : vector<8x2176xf32> to vector<8x2048xf32>
    %swap3A_1027 = arith.constant 0 : index
    %swap3A_1028 = arith.constant 0 : index
    %swap3A_1029 = arith.constant 920 : index
    %swap3A_1030 = arith.constant 0 : index
    %swap3A_1031 = vector.load %arg3[%swap3A_1027, %swap3A_1028, %swap3A_1029, %swap3A_1030] : memref<1x1x2048x2048xf32, #tpu.memory_space<vmem>>, vector<1x1x8x2048xf32>
    %swap3A_1032 = vector.shape_cast %swap3A_1031 : vector<1x1x8x2048xf32> to vector<8x2048xf32>
    %swap3A_1033 = vector.shape_cast %slice3A_1026 : vector<8x2048xf32> to vector<1x1x8x2048xf32>
    tpu.vector_store %arg3[%swap3A_1027, %swap3A_1028, %swap3A_1029, %swap3A_1030], %swap3A_1033 {strides = array<i32>} : memref<1x1x2048x2048xf32, #tpu.memory_space<vmem>>, vector<1x1x8x2048xf32>,
    %slice3A_1034 = vector.extract_strided_slice %get3A_1001 {offsets = [0, 88], sizes = [8, 2048], strides = [1, 1]} : vector<8x2176xf32> to vector<8x2048xf32>
    %swap3A_1035 = arith.constant 0 : index
    %swap3A_1036 = arith.constant 0 : index
    %swap3A_1037 = arith.constant 928 : index
    %swap3A_1038 = arith.constant 0 : index
    %swap3A_1039 = vector.load %arg3[%swap3A_1035, %swap3A_1036, %swap3A_1037, %swap3A_1038] : memref<1x1x2048x2048xf32, #tpu.memory_space<vmem>>, vector<1x1x8x2048xf32>
    %swap3A_1040 = vector.shape_cast %swap3A_1039 : vector<1x1x8x2048xf32> to vector<8x2048xf32>
    %swap3A_1041 = vector.shape_cast %slice3A_1034 : vector<8x2048xf32> to vector<1x1x8x2048xf32>
    tpu.vector_store %arg3[%swap3A_1035, %swap3A_1036, %swap3A_1037, %swap3A_1038], %swap3A_1041 {strides = array<i32>} : memref<1x1x2048x2048xf32, #tpu.memory_space<vmem>>, vector<1x1x8x2048xf32>,
    %slice3A_1042 = vector.extract_strided_slice %get3A_1001 {offsets = [0, 80], sizes = [8, 2048], strides = [1, 1]} : vector<8x2176xf32> to vector<8x2048xf32>
    %swap3A_1043 = arith.constant 0 : index
    %swap3A_1044 = arith.constant 0 : index
    %swap3A_1045 = arith.constant 936 : index
    %swap3A_1046 = arith.constant 0 : index
    %swap3A_1047 = vector.load %arg3[%swap3A_1043, %swap3A_1044, %swap3A_1045, %swap3A_1046] : memref<1x1x2048x2048xf32, #tpu.memory_space<vmem>>, vector<1x1x8x2048xf32>
    %swap3A_1048 = vector.shape_cast %swap3A_1047 : vector<1x1x8x2048xf32> to vector<8x2048xf32>
    %swap3A_1049 = vector.shape_cast %slice3A_1042 : vector<8x2048xf32> to vector<1x1x8x2048xf32>
    tpu.vector_store %arg3[%swap3A_1043, %swap3A_1044, %swap3A_1045, %swap3A_1046], %swap3A_1049 {strides = array<i32>} : memref<1x1x2048x2048xf32, #tpu.memory_space<vmem>>, vector<1x1x8x2048xf32>,
    %slice3A_1050 = vector.extract_strided_slice %get3A_1001 {offsets = [0, 72], sizes = [8, 2048], strides = [1, 1]} : vector<8x2176xf32> to vector<8x2048xf32>
    %swap3A_1051 = arith.constant 0 : index
    %swap3A_1052 = arith.constant 0 : index
    %swap3A_1053 = arith.constant 944 : index
    %swap3A_1054 = arith.constant 0 : index
    %swap3A_1055 = vector.load %arg3[%swap3A_1051, %swap3A_1052, %swap3A_1053, %swap3A_1054] : memref<1x1x2048x2048xf32, #tpu.memory_space<vmem>>, vector<1x1x8x2048xf32>
    %swap3A_1056 = vector.shape_cast %swap3A_1055 : vector<1x1x8x2048xf32> to vector<8x2048xf32>
    %swap3A_1057 = vector.shape_cast %slice3A_1050 : vector<8x2048xf32> to vector<1x1x8x2048xf32>
    tpu.vector_store %arg3[%swap3A_1051, %swap3A_1052, %swap3A_1053, %swap3A_1054], %swap3A_1057 {strides = array<i32>} : memref<1x1x2048x2048xf32, #tpu.memory_space<vmem>>, vector<1x1x8x2048xf32>,
    %slice3A_1058 = vector.extract_strided_slice %get3A_1001 {offsets = [0, 64], sizes = [8, 2048], strides = [1, 1]} : vector<8x2176xf32> to vector<8x2048xf32>
    %swap3A_1059 = arith.constant 0 : index
    %swap3A_1060 = arith.constant 0 : index
    %swap3A_1061 = arith.constant 952 : index
    %swap3A_1062 = arith.constant 0 : index
    %swap3A_1063 = vector.load %arg3[%swap3A_1059, %swap3A_1060, %swap3A_1061, %swap3A_1062] : memref<1x1x2048x2048xf32, #tpu.memory_space<vmem>>, vector<1x1x8x2048xf32>
    %swap3A_1064 = vector.shape_cast %swap3A_1063 : vector<1x1x8x2048xf32> to vector<8x2048xf32>
    %swap3A_1065 = vector.shape_cast %slice3A_1058 : vector<8x2048xf32> to vector<1x1x8x2048xf32>
    tpu.vector_store %arg3[%swap3A_1059, %swap3A_1060, %swap3A_1061, %swap3A_1062], %swap3A_1065 {strides = array<i32>} : memref<1x1x2048x2048xf32, #tpu.memory_space<vmem>>, vector<1x1x8x2048xf32>,
    %slice3A_1066 = vector.extract_strided_slice %get3A_1001 {offsets = [0, 56], sizes = [8, 2048], strides = [1, 1]} : vector<8x2176xf32> to vector<8x2048xf32>
    %swap3A_1067 = arith.constant 0 : index
    %swap3A_1068 = arith.constant 0 : index
    %swap3A_1069 = arith.constant 960 : index
    %swap3A_1070 = arith.constant 0 : index
    %swap3A_1071 = vector.load %arg3[%swap3A_1067, %swap3A_1068, %swap3A_1069, %swap3A_1070] : memref<1x1x2048x2048xf32, #tpu.memory_space<vmem>>, vector<1x1x8x2048xf32>
    %swap3A_1072 = vector.shape_cast %swap3A_1071 : vector<1x1x8x2048xf32> to vector<8x2048xf32>
    %swap3A_1073 = vector.shape_cast %slice3A_1066 : vector<8x2048xf32> to vector<1x1x8x2048xf32>
    tpu.vector_store %arg3[%swap3A_1067, %swap3A_1068, %swap3A_1069, %swap3A_1070], %swap3A_1073 {strides = array<i32>} : memref<1x1x2048x2048xf32, #tpu.memory_space<vmem>>, vector<1x1x8x2048xf32>,
    %slice3A_1074 = vector.extract_strided_slice %get3A_1001 {offsets = [0, 48], sizes = [8, 2048], strides = [1, 1]} : vector<8x2176xf32> to vector<8x2048xf32>
    %swap3A_1075 = arith.constant 0 : index
    %swap3A_1076 = arith.constant 0 : index
    %swap3A_1077 = arith.constant 968 : index
    %swap3A_1078 = arith.constant 0 : index
    %swap3A_1079 = vector.load %arg3[%swap3A_1075, %swap3A_1076, %swap3A_1077, %swap3A_1078] : memref<1x1x2048x2048xf32, #tpu.memory_space<vmem>>, vector<1x1x8x2048xf32>
    %swap3A_1080 = vector.shape_cast %swap3A_1079 : vector<1x1x8x2048xf32> to vector<8x2048xf32>
    %swap3A_1081 = vector.shape_cast %slice3A_1074 : vector<8x2048xf32> to vector<1x1x8x2048xf32>
    tpu.vector_store %arg3[%swap3A_1075, %swap3A_1076, %swap3A_1077, %swap3A_1078], %swap3A_1081 {strides = array<i32>} : memref<1x1x2048x2048xf32, #tpu.memory_space<vmem>>, vector<1x1x8x2048xf32>,
    %slice3A_1082 = vector.extract_strided_slice %get3A_1001 {offsets = [0, 40], sizes = [8, 2048], strides = [1, 1]} : vector<8x2176xf32> to vector<8x2048xf32>
    %swap3A_1083 = arith.constant 0 : index
    %swap3A_1084 = arith.constant 0 : index
    %swap3A_1085 = arith.constant 976 : index
    %swap3A_1086 = arith.constant 0 : index
    %swap3A_1087 = vector.load %arg3[%swap3A_1083, %swap3A_1084, %swap3A_1085, %swap3A_1086] : memref<1x1x2048x2048xf32, #tpu.memory_space<vmem>>, vector<1x1x8x2048xf32>
    %swap3A_1088 = vector.shape_cast %swap3A_1087 : vector<1x1x8x2048xf32> to vector<8x2048xf32>
    %swap3A_1089 = vector.shape_cast %slice3A_1082 : vector<8x2048xf32> to vector<1x1x8x2048xf32>
    tpu.vector_store %arg3[%swap3A_1083, %swap3A_1084, %swap3A_1085, %swap3A_1086], %swap3A_1089 {strides = array<i32>} : memref<1x1x2048x2048xf32, #tpu.memory_space<vmem>>, vector<1x1x8x2048xf32>,
    %slice3A_1090 = vector.extract_strided_slice %get3A_1001 {offsets = [0, 32], sizes = [8, 2048], strides = [1, 1]} : vector<8x2176xf32> to vector<8x2048xf32>
    %swap3A_1091 = arith.constant 0 : index
    %swap3A_1092 = arith.constant 0 : index
    %swap3A_1093 = arith.constant 984 : index
    %swap3A_1094 = arith.constant 0 : index
    %swap3A_1095 = vector.load %arg3[%swap3A_1091, %swap3A_1092, %swap3A_1093, %swap3A_1094] : memref<1x1x2048x2048xf32, #tpu.memory_space<vmem>>, vector<1x1x8x2048xf32>
    %swap3A_1096 = vector.shape_cast %swap3A_1095 : vector<1x1x8x2048xf32> to vector<8x2048xf32>
    %swap3A_1097 = vector.shape_cast %slice3A_1090 : vector<8x2048xf32> to vector<1x1x8x2048xf32>
    tpu.vector_store %arg3[%swap3A_1091, %swap3A_1092, %swap3A_1093, %swap3A_1094], %swap3A_1097 {strides = array<i32>} : memref<1x1x2048x2048xf32, #tpu.memory_space<vmem>>, vector<1x1x8x2048xf32>,
    %slice3A_1098 = vector.extract_strided_slice %get3A_1001 {offsets = [0, 24], sizes = [8, 2048], strides = [1, 1]} : vector<8x2176xf32> to vector<8x2048xf32>
    %swap3A_1099 = arith.constant 0 : index
    %swap3A_1100 = arith.constant 0 : index
    %swap3A_1101 = arith.constant 992 : index
    %swap3A_1102 = arith.constant 0 : index
    %swap3A_1103 = vector.load %arg3[%swap3A_1099, %swap3A_1100, %swap3A_1101, %swap3A_1102] : memref<1x1x2048x2048xf32, #tpu.memory_space<vmem>>, vector<1x1x8x2048xf32>
    %swap3A_1104 = vector.shape_cast %swap3A_1103 : vector<1x1x8x2048xf32> to vector<8x2048xf32>
    %swap3A_1105 = vector.shape_cast %slice3A_1098 : vector<8x2048xf32> to vector<1x1x8x2048xf32>
    tpu.vector_store %arg3[%swap3A_1099, %swap3A_1100, %swap3A_1101, %swap3A_1102], %swap3A_1105 {strides = array<i32>} : memref<1x1x2048x2048xf32, #tpu.memory_space<vmem>>, vector<1x1x8x2048xf32>,
    %slice3A_1106 = vector.extract_strided_slice %get3A_1001 {offsets = [0, 16], sizes = [8, 2048], strides = [1, 1]} : vector<8x2176xf32> to vector<8x2048xf32>
    %swap3A_1107 = arith.constant 0 : index
    %swap3A_1108 = arith.constant 0 : index
    %swap3A_1109 = arith.constant 1000 : index
    %swap3A_1110 = arith.constant 0 : index
    %swap3A_1111 = vector.load %arg3[%swap3A_1107, %swap3A_1108, %swap3A_1109, %swap3A_1110] : memref<1x1x2048x2048xf32, #tpu.memory_space<vmem>>, vector<1x1x8x2048xf32>
    %swap3A_1112 = vector.shape_cast %swap3A_1111 : vector<1x1x8x2048xf32> to vector<8x2048xf32>
    %swap3A_1113 = vector.shape_cast %slice3A_1106 : vector<8x2048xf32> to vector<1x1x8x2048xf32>
    tpu.vector_store %arg3[%swap3A_1107, %swap3A_1108, %swap3A_1109, %swap3A_1110], %swap3A_1113 {strides = array<i32>} : memref<1x1x2048x2048xf32, #tpu.memory_space<vmem>>, vector<1x1x8x2048xf32>,
    %slice3A_1114 = vector.extract_strided_slice %get3A_1001 {offsets = [0, 8], sizes = [8, 2048], strides = [1, 1]} : vector<8x2176xf32> to vector<8x2048xf32>
    %swap3A_1115 = arith.constant 0 : index
    %swap3A_1116 = arith.constant 0 : index
    %swap3A_1117 = arith.constant 1008 : index
    %swap3A_1118 = arith.constant 0 : index
    %swap3A_1119 = vector.load %arg3[%swap3A_1115, %swap3A_1116, %swap3A_1117, %swap3A_1118] : memref<1x1x2048x2048xf32, #tpu.memory_space<vmem>>, vector<1x1x8x2048xf32>
    %swap3A_1120 = vector.shape_cast %swap3A_1119 : vector<1x1x8x2048xf32> to vector<8x2048xf32>
    %swap3A_1121 = vector.shape_cast %slice3A_1114 : vector<8x2048xf32> to vector<1x1x8x2048xf32>
    tpu.vector_store %arg3[%swap3A_1115, %swap3A_1116, %swap3A_1117, %swap3A_1118], %swap3A_1121 {strides = array<i32>} : memref<1x1x2048x2048xf32, #tpu.memory_space<vmem>>, vector<1x1x8x2048xf32>,
    %slice3A_1122 = vector.extract_strided_slice %get3A_1001 {offsets = [0, 0], sizes = [8, 2048], strides = [1, 1]} : vector<8x2176xf32> to vector<8x2048xf32>
    %swap3A_1123 = arith.constant 0 : index
    %swap3A_1124 = arith.constant 0 : index
    %swap3A_1125 = arith.constant 1016 : index
    %swap3A_1126 = arith.constant 0 : index
    %swap3A_1127 = vector.load %arg3[%swap3A_1123, %swap3A_1124, %swap3A_1125, %swap3A_1126] : memref<1x1x2048x2048xf32, #tpu.memory_space<vmem>>, vector<1x1x8x2048xf32>
    %swap3A_1128 = vector.shape_cast %swap3A_1127 : vector<1x1x8x2048xf32> to vector<8x2048xf32>
    %swap3A_1129 = vector.shape_cast %slice3A_1122 : vector<8x2048xf32> to vector<1x1x8x2048xf32>
    tpu.vector_store %arg3[%swap3A_1123, %swap3A_1124, %swap3A_1125, %swap3A_1126], %swap3A_1129 {strides = array<i32>} : memref<1x1x2048x2048xf32, #tpu.memory_space<vmem>>, vector<1x1x8x2048xf32>,
    %mul3A_1130 = arith.constant 16 : i32
    %mul3A_1131 = arith.muli %mul3A_1130, %arg1 : i32
    %sub3A_1132 = arith.constant 15 : i32
    %sub3A_1133 = arith.subi %sub3A_1132, %mul3A_1131 : i32
    %sub3A_1134 = arith.constant 8 : i32
    %sub3A_1135 = arith.subi %sub3A_1133, %sub3A_1134 : i32
    %mul3A_1136 = arith.constant 128 : i32
    %mul3A_1137 = arith.muli %mul3A_1136, %sub3A_1135 : i32
    %multiple_of3A_1138 = tpu.assume_multiple %mul3A_1137, 128 : i32
    %get3A_1139 = arith.constant 0 : index
    %get3A_1140 = arith.constant 0 : index
    %get3A_1141 = arith.index_cast %multiple_of3A_1138 : i32 to index
    %get3A_1142 = vector.load %arg2[%get3A_1139, %get3A_1140, %get3A_1141] : memref<1x8x4224xf32, #tpu.memory_space<vmem>>, vector<1x8x2176xf32>
    %get3A_1143 = vector.shape_cast %get3A_1142 : vector<1x8x2176xf32> to vector<8x2176xf32>
    %slice3A_1144 = vector.extract_strided_slice %get3A_1143 {offsets = [0, 120], sizes = [8, 2048], strides = [1, 1]} : vector<8x2176xf32> to vector<8x2048xf32>
    %swap3A_1145 = arith.constant 0 : index
    %swap3A_1146 = arith.constant 0 : index
    %swap3A_1147 = arith.constant 1024 : index
    %swap3A_1148 = arith.constant 0 : index
    %swap3A_1149 = vector.load %arg3[%swap3A_1145, %swap3A_1146, %swap3A_1147, %swap3A_1148] : memref<1x1x2048x2048xf32, #tpu.memory_space<vmem>>, vector<1x1x8x2048xf32>
    %swap3A_1150 = vector.shape_cast %swap3A_1149 : vector<1x1x8x2048xf32> to vector<8x2048xf32>
    %swap3A_1151 = vector.shape_cast %slice3A_1144 : vector<8x2048xf32> to vector<1x1x8x2048xf32>
    tpu.vector_store %arg3[%swap3A_1145, %swap3A_1146, %swap3A_1147, %swap3A_1148], %swap3A_1151 {strides = array<i32>} : memref<1x1x2048x2048xf32, #tpu.memory_space<vmem>>, vector<1x1x8x2048xf32>,
    %slice3A_1152 = vector.extract_strided_slice %get3A_1143 {offsets = [0, 112], sizes = [8, 2048], strides = [1, 1]} : vector<8x2176xf32> to vector<8x2048xf32>
    %swap3A_1153 = arith.constant 0 : index
    %swap3A_1154 = arith.constant 0 : index
    %swap3A_1155 = arith.constant 1032 : index
    %swap3A_1156 = arith.constant 0 : index
    %swap3A_1157 = vector.load %arg3[%swap3A_1153, %swap3A_1154, %swap3A_1155, %swap3A_1156] : memref<1x1x2048x2048xf32, #tpu.memory_space<vmem>>, vector<1x1x8x2048xf32>
    %swap3A_1158 = vector.shape_cast %swap3A_1157 : vector<1x1x8x2048xf32> to vector<8x2048xf32>
    %swap3A_1159 = vector.shape_cast %slice3A_1152 : vector<8x2048xf32> to vector<1x1x8x2048xf32>
    tpu.vector_store %arg3[%swap3A_1153, %swap3A_1154, %swap3A_1155, %swap3A_1156], %swap3A_1159 {strides = array<i32>} : memref<1x1x2048x2048xf32, #tpu.memory_space<vmem>>, vector<1x1x8x2048xf32>,
    %slice3A_1160 = vector.extract_strided_slice %get3A_1143 {offsets = [0, 104], sizes = [8, 2048], strides = [1, 1]} : vector<8x2176xf32> to vector<8x2048xf32>
    %swap3A_1161 = arith.constant 0 : index
    %swap3A_1162 = arith.constant 0 : index
    %swap3A_1163 = arith.constant 1040 : index
    %swap3A_1164 = arith.constant 0 : index
    %swap3A_1165 = vector.load %arg3[%swap3A_1161, %swap3A_1162, %swap3A_1163, %swap3A_1164] : memref<1x1x2048x2048xf32, #tpu.memory_space<vmem>>, vector<1x1x8x2048xf32>
    %swap3A_1166 = vector.shape_cast %swap3A_1165 : vector<1x1x8x2048xf32> to vector<8x2048xf32>
    %swap3A_1167 = vector.shape_cast %slice3A_1160 : vector<8x2048xf32> to vector<1x1x8x2048xf32>
    tpu.vector_store %arg3[%swap3A_1161, %swap3A_1162, %swap3A_1163, %swap3A_1164], %swap3A_1167 {strides = array<i32>} : memref<1x1x2048x2048xf32, #tpu.memory_space<vmem>>, vector<1x1x8x2048xf32>,
    %slice3A_1168 = vector.extract_strided_slice %get3A_1143 {offsets = [0, 96], sizes = [8, 2048], strides = [1, 1]} : vector<8x2176xf32> to vector<8x2048xf32>
    %swap3A_1169 = arith.constant 0 : index
    %swap3A_1170 = arith.constant 0 : index
    %swap3A_1171 = arith.constant 1048 : index
    %swap3A_1172 = arith.constant 0 : index
    %swap3A_1173 = vector.load %arg3[%swap3A_1169, %swap3A_1170, %swap3A_1171, %swap3A_1172] : memref<1x1x2048x2048xf32, #tpu.memory_space<vmem>>, vector<1x1x8x2048xf32>
    %swap3A_1174 = vector.shape_cast %swap3A_1173 : vector<1x1x8x2048xf32> to vector<8x2048xf32>
    %swap3A_1175 = vector.shape_cast %slice3A_1168 : vector<8x2048xf32> to vector<1x1x8x2048xf32>
    tpu.vector_store %arg3[%swap3A_1169, %swap3A_1170, %swap3A_1171, %swap3A_1172], %swap3A_1175 {strides = array<i32>} : memref<1x1x2048x2048xf32, #tpu.memory_space<vmem>>, vector<1x1x8x2048xf32>,
    %slice3A_1176 = vector.extract_strided_slice %get3A_1143 {offsets = [0, 88], sizes = [8, 2048], strides = [1, 1]} : vector<8x2176xf32> to vector<8x2048xf32>
    %swap3A_1177 = arith.constant 0 : index
    %swap3A_1178 = arith.constant 0 : index
    %swap3A_1179 = arith.constant 1056 : index
    %swap3A_1180 = arith.constant 0 : index
    %swap3A_1181 = vector.load %arg3[%swap3A_1177, %swap3A_1178, %swap3A_1179, %swap3A_1180] : memref<1x1x2048x2048xf32, #tpu.memory_space<vmem>>, vector<1x1x8x2048xf32>
    %swap3A_1182 = vector.shape_cast %swap3A_1181 : vector<1x1x8x2048xf32> to vector<8x2048xf32>
    %swap3A_1183 = vector.shape_cast %slice3A_1176 : vector<8x2048xf32> to vector<1x1x8x2048xf32>
    tpu.vector_store %arg3[%swap3A_1177, %swap3A_1178, %swap3A_1179, %swap3A_1180], %swap3A_1183 {strides = array<i32>} : memref<1x1x2048x2048xf32, #tpu.memory_space<vmem>>, vector<1x1x8x2048xf32>,
    %slice3A_1184 = vector.extract_strided_slice %get3A_1143 {offsets = [0, 80], sizes = [8, 2048], strides = [1, 1]} : vector<8x2176xf32> to vector<8x2048xf32>
    %swap3A_1185 = arith.constant 0 : index
    %swap3A_1186 = arith.constant 0 : index
    %swap3A_1187 = arith.constant 1064 : index
    %swap3A_1188 = arith.constant 0 : index
    %swap3A_1189 = vector.load %arg3[%swap3A_1185, %swap3A_1186, %swap3A_1187, %swap3A_1188] : memref<1x1x2048x2048xf32, #tpu.memory_space<vmem>>, vector<1x1x8x2048xf32>
    %swap3A_1190 = vector.shape_cast %swap3A_1189 : vector<1x1x8x2048xf32> to vector<8x2048xf32>
    %swap3A_1191 = vector.shape_cast %slice3A_1184 : vector<8x2048xf32> to vector<1x1x8x2048xf32>
    tpu.vector_store %arg3[%swap3A_1185, %swap3A_1186, %swap3A_1187, %swap3A_1188], %swap3A_1191 {strides = array<i32>} : memref<1x1x2048x2048xf32, #tpu.memory_space<vmem>>, vector<1x1x8x2048xf32>,
    %slice3A_1192 = vector.extract_strided_slice %get3A_1143 {offsets = [0, 72], sizes = [8, 2048], strides = [1, 1]} : vector<8x2176xf32> to vector<8x2048xf32>
    %swap3A_1193 = arith.constant 0 : index
    %swap3A_1194 = arith.constant 0 : index
    %swap3A_1195 = arith.constant 1072 : index
    %swap3A_1196 = arith.constant 0 : index
    %swap3A_1197 = vector.load %arg3[%swap3A_1193, %swap3A_1194, %swap3A_1195, %swap3A_1196] : memref<1x1x2048x2048xf32, #tpu.memory_space<vmem>>, vector<1x1x8x2048xf32>
    %swap3A_1198 = vector.shape_cast %swap3A_1197 : vector<1x1x8x2048xf32> to vector<8x2048xf32>
    %swap3A_1199 = vector.shape_cast %slice3A_1192 : vector<8x2048xf32> to vector<1x1x8x2048xf32>
    tpu.vector_store %arg3[%swap3A_1193, %swap3A_1194, %swap3A_1195, %swap3A_1196], %swap3A_1199 {strides = array<i32>} : memref<1x1x2048x2048xf32, #tpu.memory_space<vmem>>, vector<1x1x8x2048xf32>,
    %slice3A_1200 = vector.extract_strided_slice %get3A_1143 {offsets = [0, 64], sizes = [8, 2048], strides = [1, 1]} : vector<8x2176xf32> to vector<8x2048xf32>
    %swap3A_1201 = arith.constant 0 : index
    %swap3A_1202 = arith.constant 0 : index
    %swap3A_1203 = arith.constant 1080 : index
    %swap3A_1204 = arith.constant 0 : index
    %swap3A_1205 = vector.load %arg3[%swap3A_1201, %swap3A_1202, %swap3A_1203, %swap3A_1204] : memref<1x1x2048x2048xf32, #tpu.memory_space<vmem>>, vector<1x1x8x2048xf32>
    %swap3A_1206 = vector.shape_cast %swap3A_1205 : vector<1x1x8x2048xf32> to vector<8x2048xf32>
    %swap3A_1207 = vector.shape_cast %slice3A_1200 : vector<8x2048xf32> to vector<1x1x8x2048xf32>
    tpu.vector_store %arg3[%swap3A_1201, %swap3A_1202, %swap3A_1203, %swap3A_1204], %swap3A_1207 {strides = array<i32>} : memref<1x1x2048x2048xf32, #tpu.memory_space<vmem>>, vector<1x1x8x2048xf32>,
    %slice3A_1208 = vector.extract_strided_slice %get3A_1143 {offsets = [0, 56], sizes = [8, 2048], strides = [1, 1]} : vector<8x2176xf32> to vector<8x2048xf32>
    %swap3A_1209 = arith.constant 0 : index
    %swap3A_1210 = arith.constant 0 : index
    %swap3A_1211 = arith.constant 1088 : index
    %swap3A_1212 = arith.constant 0 : index
    %swap3A_1213 = vector.load %arg3[%swap3A_1209, %swap3A_1210, %swap3A_1211, %swap3A_1212] : memref<1x1x2048x2048xf32, #tpu.memory_space<vmem>>, vector<1x1x8x2048xf32>
    %swap3A_1214 = vector.shape_cast %swap3A_1213 : vector<1x1x8x2048xf32> to vector<8x2048xf32>
    %swap3A_1215 = vector.shape_cast %slice3A_1208 : vector<8x2048xf32> to vector<1x1x8x2048xf32>
    tpu.vector_store %arg3[%swap3A_1209, %swap3A_1210, %swap3A_1211, %swap3A_1212], %swap3A_1215 {strides = array<i32>} : memref<1x1x2048x2048xf32, #tpu.memory_space<vmem>>, vector<1x1x8x2048xf32>,
    %slice3A_1216 = vector.extract_strided_slice %get3A_1143 {offsets = [0, 48], sizes = [8, 2048], strides = [1, 1]} : vector<8x2176xf32> to vector<8x2048xf32>
    %swap3A_1217 = arith.constant 0 : index
    %swap3A_1218 = arith.constant 0 : index
    %swap3A_1219 = arith.constant 1096 : index
    %swap3A_1220 = arith.constant 0 : index
    %swap3A_1221 = vector.load %arg3[%swap3A_1217, %swap3A_1218, %swap3A_1219, %swap3A_1220] : memref<1x1x2048x2048xf32, #tpu.memory_space<vmem>>, vector<1x1x8x2048xf32>
    %swap3A_1222 = vector.shape_cast %swap3A_1221 : vector<1x1x8x2048xf32> to vector<8x2048xf32>
    %swap3A_1223 = vector.shape_cast %slice3A_1216 : vector<8x2048xf32> to vector<1x1x8x2048xf32>
    tpu.vector_store %arg3[%swap3A_1217, %swap3A_1218, %swap3A_1219, %swap3A_1220], %swap3A_1223 {strides = array<i32>} : memref<1x1x2048x2048xf32, #tpu.memory_space<vmem>>, vector<1x1x8x2048xf32>,
    %slice3A_1224 = vector.extract_strided_slice %get3A_1143 {offsets = [0, 40], sizes = [8, 2048], strides = [1, 1]} : vector<8x2176xf32> to vector<8x2048xf32>
    %swap3A_1225 = arith.constant 0 : index
    %swap3A_1226 = arith.constant 0 : index
    %swap3A_1227 = arith.constant 1104 : index
    %swap3A_1228 = arith.constant 0 : index
    %swap3A_1229 = vector.load %arg3[%swap3A_1225, %swap3A_1226, %swap3A_1227, %swap3A_1228] : memref<1x1x2048x2048xf32, #tpu.memory_space<vmem>>, vector<1x1x8x2048xf32>
    %swap3A_1230 = vector.shape_cast %swap3A_1229 : vector<1x1x8x2048xf32> to vector<8x2048xf32>
    %swap3A_1231 = vector.shape_cast %slice3A_1224 : vector<8x2048xf32> to vector<1x1x8x2048xf32>
    tpu.vector_store %arg3[%swap3A_1225, %swap3A_1226, %swap3A_1227, %swap3A_1228], %swap3A_1231 {strides = array<i32>} : memref<1x1x2048x2048xf32, #tpu.memory_space<vmem>>, vector<1x1x8x2048xf32>,
    %slice3A_1232 = vector.extract_strided_slice %get3A_1143 {offsets = [0, 32], sizes = [8, 2048], strides = [1, 1]} : vector<8x2176xf32> to vector<8x2048xf32>
    %swap3A_1233 = arith.constant 0 : index
    %swap3A_1234 = arith.constant 0 : index
    %swap3A_1235 = arith.constant 1112 : index
    %swap3A_1236 = arith.constant 0 : index
    %swap3A_1237 = vector.load %arg3[%swap3A_1233, %swap3A_1234, %swap3A_1235, %swap3A_1236] : memref<1x1x2048x2048xf32, #tpu.memory_space<vmem>>, vector<1x1x8x2048xf32>
    %swap3A_1238 = vector.shape_cast %swap3A_1237 : vector<1x1x8x2048xf32> to vector<8x2048xf32>
    %swap3A_1239 = vector.shape_cast %slice3A_1232 : vector<8x2048xf32> to vector<1x1x8x2048xf32>
    tpu.vector_store %arg3[%swap3A_1233, %swap3A_1234, %swap3A_1235, %swap3A_1236], %swap3A_1239 {strides = array<i32>} : memref<1x1x2048x2048xf32, #tpu.memory_space<vmem>>, vector<1x1x8x2048xf32>,
    %slice3A_1240 = vector.extract_strided_slice %get3A_1143 {offsets = [0, 24], sizes = [8, 2048], strides = [1, 1]} : vector<8x2176xf32> to vector<8x2048xf32>
    %swap3A_1241 = arith.constant 0 : index
    %swap3A_1242 = arith.constant 0 : index
    %swap3A_1243 = arith.constant 1120 : index
    %swap3A_1244 = arith.constant 0 : index
    %swap3A_1245 = vector.load %arg3[%swap3A_1241, %swap3A_1242, %swap3A_1243, %swap3A_1244] : memref<1x1x2048x2048xf32, #tpu.memory_space<vmem>>, vector<1x1x8x2048xf32>
    %swap3A_1246 = vector.shape_cast %swap3A_1245 : vector<1x1x8x2048xf32> to vector<8x2048xf32>
    %swap3A_1247 = vector.shape_cast %slice3A_1240 : vector<8x2048xf32> to vector<1x1x8x2048xf32>
    tpu.vector_store %arg3[%swap3A_1241, %swap3A_1242, %swap3A_1243, %swap3A_1244], %swap3A_1247 {strides = array<i32>} : memref<1x1x2048x2048xf32, #tpu.memory_space<vmem>>, vector<1x1x8x2048xf32>,
    %slice3A_1248 = vector.extract_strided_slice %get3A_1143 {offsets = [0, 16], sizes = [8, 2048], strides = [1, 1]} : vector<8x2176xf32> to vector<8x2048xf32>
    %swap3A_1249 = arith.constant 0 : index
    %swap3A_1250 = arith.constant 0 : index
    %swap3A_1251 = arith.constant 1128 : index
    %swap3A_1252 = arith.constant 0 : index
    %swap3A_1253 = vector.load %arg3[%swap3A_1249, %swap3A_1250, %swap3A_1251, %swap3A_1252] : memref<1x1x2048x2048xf32, #tpu.memory_space<vmem>>, vector<1x1x8x2048xf32>
    %swap3A_1254 = vector.shape_cast %swap3A_1253 : vector<1x1x8x2048xf32> to vector<8x2048xf32>
    %swap3A_1255 = vector.shape_cast %slice3A_1248 : vector<8x2048xf32> to vector<1x1x8x2048xf32>
    tpu.vector_store %arg3[%swap3A_1249, %swap3A_1250, %swap3A_1251, %swap3A_1252], %swap3A_1255 {strides = array<i32>} : memref<1x1x2048x2048xf32, #tpu.memory_space<vmem>>, vector<1x1x8x2048xf32>,
    %slice3A_1256 = vector.extract_strided_slice %get3A_1143 {offsets = [0, 8], sizes = [8, 2048], strides = [1, 1]} : vector<8x2176xf32> to vector<8x2048xf32>
    %swap3A_1257 = arith.constant 0 : index
    %swap3A_1258 = arith.constant 0 : index
    %swap3A_1259 = arith.constant 1136 : index
    %swap3A_1260 = arith.constant 0 : index
    %swap3A_1261 = vector.load %arg3[%swap3A_1257, %swap3A_1258, %swap3A_1259, %swap3A_1260] : memref<1x1x2048x2048xf32, #tpu.memory_space<vmem>>, vector<1x1x8x2048xf32>
    %swap3A_1262 = vector.shape_cast %swap3A_1261 : vector<1x1x8x2048xf32> to vector<8x2048xf32>
    %swap3A_1263 = vector.shape_cast %slice3A_1256 : vector<8x2048xf32> to vector<1x1x8x2048xf32>
    tpu.vector_store %arg3[%swap3A_1257, %swap3A_1258, %swap3A_1259, %swap3A_1260], %swap3A_1263 {strides = array<i32>} : memref<1x1x2048x2048xf32, #tpu.memory_space<vmem>>, vector<1x1x8x2048xf32>,
    %slice3A_1264 = vector.extract_strided_slice %get3A_1143 {offsets = [0, 0], sizes = [8, 2048], strides = [1, 1]} : vector<8x2176xf32> to vector<8x2048xf32>
    %swap3A_1265 = arith.constant 0 : index
    %swap3A_1266 = arith.constant 0 : index
    %swap3A_1267 = arith.constant 1144 : index
    %swap3A_1268 = arith.constant 0 : index
    %swap3A_1269 = vector.load %arg3[%swap3A_1265, %swap3A_1266, %swap3A_1267, %swap3A_1268] : memref<1x1x2048x2048xf32, #tpu.memory_space<vmem>>, vector<1x1x8x2048xf32>
    %swap3A_1270 = vector.shape_cast %swap3A_1269 : vector<1x1x8x2048xf32> to vector<8x2048xf32>
    %swap3A_1271 = vector.shape_cast %slice3A_1264 : vector<8x2048xf32> to vector<1x1x8x2048xf32>
    tpu.vector_store %arg3[%swap3A_1265, %swap3A_1266, %swap3A_1267, %swap3A_1268], %swap3A_1271 {strides = array<i32>} : memref<1x1x2048x2048xf32, #tpu.memory_space<vmem>>, vector<1x1x8x2048xf32>,
    %mul3A_1272 = arith.constant 16 : i32
    %mul3A_1273 = arith.muli %mul3A_1272, %arg1 : i32
    %sub3A_1274 = arith.constant 15 : i32
    %sub3A_1275 = arith.subi %sub3A_1274, %mul3A_1273 : i32
    %sub3A_1276 = arith.constant 9 : i32
    %sub3A_1277 = arith.subi %sub3A_1275, %sub3A_1276 : i32
    %mul3A_1278 = arith.constant 128 : i32
    %mul3A_1279 = arith.muli %mul3A_1278, %sub3A_1277 : i32
    %multiple_of3A_1280 = tpu.assume_multiple %mul3A_1279, 128 : i32
    %get3A_1281 = arith.constant 0 : index
    %get3A_1282 = arith.constant 0 : index
    %get3A_1283 = arith.index_cast %multiple_of3A_1280 : i32 to index
    %get3A_1284 = vector.load %arg2[%get3A_1281, %get3A_1282, %get3A_1283] : memref<1x8x4224xf32, #tpu.memory_space<vmem>>, vector<1x8x2176xf32>
    %get3A_1285 = vector.shape_cast %get3A_1284 : vector<1x8x2176xf32> to vector<8x2176xf32>
    %slice3A_1286 = vector.extract_strided_slice %get3A_1285 {offsets = [0, 120], sizes = [8, 2048], strides = [1, 1]} : vector<8x2176xf32> to vector<8x2048xf32>
    %swap3A_1287 = arith.constant 0 : index
    %swap3A_1288 = arith.constant 0 : index
    %swap3A_1289 = arith.constant 1152 : index
    %swap3A_1290 = arith.constant 0 : index
    %swap3A_1291 = vector.load %arg3[%swap3A_1287, %swap3A_1288, %swap3A_1289, %swap3A_1290] : memref<1x1x2048x2048xf32, #tpu.memory_space<vmem>>, vector<1x1x8x2048xf32>
    %swap3A_1292 = vector.shape_cast %swap3A_1291 : vector<1x1x8x2048xf32> to vector<8x2048xf32>
    %swap3A_1293 = vector.shape_cast %slice3A_1286 : vector<8x2048xf32> to vector<1x1x8x2048xf32>
    tpu.vector_store %arg3[%swap3A_1287, %swap3A_1288, %swap3A_1289, %swap3A_1290], %swap3A_1293 {strides = array<i32>} : memref<1x1x2048x2048xf32, #tpu.memory_space<vmem>>, vector<1x1x8x2048xf32>,
    %slice3A_1294 = vector.extract_strided_slice %get3A_1285 {offsets = [0, 112], sizes = [8, 2048], strides = [1, 1]} : vector<8x2176xf32> to vector<8x2048xf32>
    %swap3A_1295 = arith.constant 0 : index
    %swap3A_1296 = arith.constant 0 : index
    %swap3A_1297 = arith.constant 1160 : index
    %swap3A_1298 = arith.constant 0 : index
    %swap3A_1299 = vector.load %arg3[%swap3A_1295, %swap3A_1296, %swap3A_1297, %swap3A_1298] : memref<1x1x2048x2048xf32, #tpu.memory_space<vmem>>, vector<1x1x8x2048xf32>
    %swap3A_1300 = vector.shape_cast %swap3A_1299 : vector<1x1x8x2048xf32> to vector<8x2048xf32>
    %swap3A_1301 = vector.shape_cast %slice3A_1294 : vector<8x2048xf32> to vector<1x1x8x2048xf32>
    tpu.vector_store %arg3[%swap3A_1295, %swap3A_1296, %swap3A_1297, %swap3A_1298], %swap3A_1301 {strides = array<i32>} : memref<1x1x2048x2048xf32, #tpu.memory_space<vmem>>, vector<1x1x8x2048xf32>,
    %slice3A_1302 = vector.extract_strided_slice %get3A_1285 {offsets = [0, 104], sizes = [8, 2048], strides = [1, 1]} : vector<8x2176xf32> to vector<8x2048xf32>
    %swap3A_1303 = arith.constant 0 : index
    %swap3A_1304 = arith.constant 0 : index
    %swap3A_1305 = arith.constant 1168 : index
    %swap3A_1306 = arith.constant 0 : index
    %swap3A_1307 = vector.load %arg3[%swap3A_1303, %swap3A_1304, %swap3A_1305, %swap3A_1306] : memref<1x1x2048x2048xf32, #tpu.memory_space<vmem>>, vector<1x1x8x2048xf32>
    %swap3A_1308 = vector.shape_cast %swap3A_1307 : vector<1x1x8x2048xf32> to vector<8x2048xf32>
    %swap3A_1309 = vector.shape_cast %slice3A_1302 : vector<8x2048xf32> to vector<1x1x8x2048xf32>
    tpu.vector_store %arg3[%swap3A_1303, %swap3A_1304, %swap3A_1305, %swap3A_1306], %swap3A_1309 {strides = array<i32>} : memref<1x1x2048x2048xf32, #tpu.memory_space<vmem>>, vector<1x1x8x2048xf32>,
    %slice3A_1310 = vector.extract_strided_slice %get3A_1285 {offsets = [0, 96], sizes = [8, 2048], strides = [1, 1]} : vector<8x2176xf32> to vector<8x2048xf32>
    %swap3A_1311 = arith.constant 0 : index
    %swap3A_1312 = arith.constant 0 : index
    %swap3A_1313 = arith.constant 1176 : index
    %swap3A_1314 = arith.constant 0 : index
    %swap3A_1315 = vector.load %arg3[%swap3A_1311, %swap3A_1312, %swap3A_1313, %swap3A_1314] : memref<1x1x2048x2048xf32, #tpu.memory_space<vmem>>, vector<1x1x8x2048xf32>
    %swap3A_1316 = vector.shape_cast %swap3A_1315 : vector<1x1x8x2048xf32> to vector<8x2048xf32>
    %swap3A_1317 = vector.shape_cast %slice3A_1310 : vector<8x2048xf32> to vector<1x1x8x2048xf32>
    tpu.vector_store %arg3[%swap3A_1311, %swap3A_1312, %swap3A_1313, %swap3A_1314], %swap3A_1317 {strides = array<i32>} : memref<1x1x2048x2048xf32, #tpu.memory_space<vmem>>, vector<1x1x8x2048xf32>,
    %slice3A_1318 = vector.extract_strided_slice %get3A_1285 {offsets = [0, 88], sizes = [8, 2048], strides = [1, 1]} : vector<8x2176xf32> to vector<8x2048xf32>
    %swap3A_1319 = arith.constant 0 : index
    %swap3A_1320 = arith.constant 0 : index
    %swap3A_1321 = arith.constant 1184 : index
    %swap3A_1322 = arith.constant 0 : index
    %swap3A_1323 = vector.load %arg3[%swap3A_1319, %swap3A_1320, %swap3A_1321, %swap3A_1322] : memref<1x1x2048x2048xf32, #tpu.memory_space<vmem>>, vector<1x1x8x2048xf32>
    %swap3A_1324 = vector.shape_cast %swap3A_1323 : vector<1x1x8x2048xf32> to vector<8x2048xf32>
    %swap3A_1325 = vector.shape_cast %slice3A_1318 : vector<8x2048xf32> to vector<1x1x8x2048xf32>
    tpu.vector_store %arg3[%swap3A_1319, %swap3A_1320, %swap3A_1321, %swap3A_1322], %swap3A_1325 {strides = array<i32>} : memref<1x1x2048x2048xf32, #tpu.memory_space<vmem>>, vector<1x1x8x2048xf32>,
    %slice3A_1326 = vector.extract_strided_slice %get3A_1285 {offsets = [0, 80], sizes = [8, 2048], strides = [1, 1]} : vector<8x2176xf32> to vector<8x2048xf32>
    %swap3A_1327 = arith.constant 0 : index
    %swap3A_1328 = arith.constant 0 : index
    %swap3A_1329 = arith.constant 1192 : index
    %swap3A_1330 = arith.constant 0 : index
    %swap3A_1331 = vector.load %arg3[%swap3A_1327, %swap3A_1328, %swap3A_1329, %swap3A_1330] : memref<1x1x2048x2048xf32, #tpu.memory_space<vmem>>, vector<1x1x8x2048xf32>
    %swap3A_1332 = vector.shape_cast %swap3A_1331 : vector<1x1x8x2048xf32> to vector<8x2048xf32>
    %swap3A_1333 = vector.shape_cast %slice3A_1326 : vector<8x2048xf32> to vector<1x1x8x2048xf32>
    tpu.vector_store %arg3[%swap3A_1327, %swap3A_1328, %swap3A_1329, %swap3A_1330], %swap3A_1333 {strides = array<i32>} : memref<1x1x2048x2048xf32, #tpu.memory_space<vmem>>, vector<1x1x8x2048xf32>,
    %slice3A_1334 = vector.extract_strided_slice %get3A_1285 {offsets = [0, 72], sizes = [8, 2048], strides = [1, 1]} : vector<8x2176xf32> to vector<8x2048xf32>
    %swap3A_1335 = arith.constant 0 : index
    %swap3A_1336 = arith.constant 0 : index
    %swap3A_1337 = arith.constant 1200 : index
    %swap3A_1338 = arith.constant 0 : index
    %swap3A_1339 = vector.load %arg3[%swap3A_1335, %swap3A_1336, %swap3A_1337, %swap3A_1338] : memref<1x1x2048x2048xf32, #tpu.memory_space<vmem>>, vector<1x1x8x2048xf32>
    %swap3A_1340 = vector.shape_cast %swap3A_1339 : vector<1x1x8x2048xf32> to vector<8x2048xf32>
    %swap3A_1341 = vector.shape_cast %slice3A_1334 : vector<8x2048xf32> to vector<1x1x8x2048xf32>
    tpu.vector_store %arg3[%swap3A_1335, %swap3A_1336, %swap3A_1337, %swap3A_1338], %swap3A_1341 {strides = array<i32>} : memref<1x1x2048x2048xf32, #tpu.memory_space<vmem>>, vector<1x1x8x2048xf32>,
    %slice3A_1342 = vector.extract_strided_slice %get3A_1285 {offsets = [0, 64], sizes = [8, 2048], strides = [1, 1]} : vector<8x2176xf32> to vector<8x2048xf32>
    %swap3A_1343 = arith.constant 0 : index
    %swap3A_1344 = arith.constant 0 : index
    %swap3A_1345 = arith.constant 1208 : index
    %swap3A_1346 = arith.constant 0 : index
    %swap3A_1347 = vector.load %arg3[%swap3A_1343, %swap3A_1344, %swap3A_1345, %swap3A_1346] : memref<1x1x2048x2048xf32, #tpu.memory_space<vmem>>, vector<1x1x8x2048xf32>
    %swap3A_1348 = vector.shape_cast %swap3A_1347 : vector<1x1x8x2048xf32> to vector<8x2048xf32>
    %swap3A_1349 = vector.shape_cast %slice3A_1342 : vector<8x2048xf32> to vector<1x1x8x2048xf32>
    tpu.vector_store %arg3[%swap3A_1343, %swap3A_1344, %swap3A_1345, %swap3A_1346], %swap3A_1349 {strides = array<i32>} : memref<1x1x2048x2048xf32, #tpu.memory_space<vmem>>, vector<1x1x8x2048xf32>,
    %slice3A_1350 = vector.extract_strided_slice %get3A_1285 {offsets = [0, 56], sizes = [8, 2048], strides = [1, 1]} : vector<8x2176xf32> to vector<8x2048xf32>
    %swap3A_1351 = arith.constant 0 : index
    %swap3A_1352 = arith.constant 0 : index
    %swap3A_1353 = arith.constant 1216 : index
    %swap3A_1354 = arith.constant 0 : index
    %swap3A_1355 = vector.load %arg3[%swap3A_1351, %swap3A_1352, %swap3A_1353, %swap3A_1354] : memref<1x1x2048x2048xf32, #tpu.memory_space<vmem>>, vector<1x1x8x2048xf32>
    %swap3A_1356 = vector.shape_cast %swap3A_1355 : vector<1x1x8x2048xf32> to vector<8x2048xf32>
    %swap3A_1357 = vector.shape_cast %slice3A_1350 : vector<8x2048xf32> to vector<1x1x8x2048xf32>
    tpu.vector_store %arg3[%swap3A_1351, %swap3A_1352, %swap3A_1353, %swap3A_1354], %swap3A_1357 {strides = array<i32>} : memref<1x1x2048x2048xf32, #tpu.memory_space<vmem>>, vector<1x1x8x2048xf32>,
    %slice3A_1358 = vector.extract_strided_slice %get3A_1285 {offsets = [0, 48], sizes = [8, 2048], strides = [1, 1]} : vector<8x2176xf32> to vector<8x2048xf32>
    %swap3A_1359 = arith.constant 0 : index
    %swap3A_1360 = arith.constant 0 : index
    %swap3A_1361 = arith.constant 1224 : index
    %swap3A_1362 = arith.constant 0 : index
    %swap3A_1363 = vector.load %arg3[%swap3A_1359, %swap3A_1360, %swap3A_1361, %swap3A_1362] : memref<1x1x2048x2048xf32, #tpu.memory_space<vmem>>, vector<1x1x8x2048xf32>
    %swap3A_1364 = vector.shape_cast %swap3A_1363 : vector<1x1x8x2048xf32> to vector<8x2048xf32>
    %swap3A_1365 = vector.shape_cast %slice3A_1358 : vector<8x2048xf32> to vector<1x1x8x2048xf32>
    tpu.vector_store %arg3[%swap3A_1359, %swap3A_1360, %swap3A_1361, %swap3A_1362], %swap3A_1365 {strides = array<i32>} : memref<1x1x2048x2048xf32, #tpu.memory_space<vmem>>, vector<1x1x8x2048xf32>,
    %slice3A_1366 = vector.extract_strided_slice %get3A_1285 {offsets = [0, 40], sizes = [8, 2048], strides = [1, 1]} : vector<8x2176xf32> to vector<8x2048xf32>
    %swap3A_1367 = arith.constant 0 : index
    %swap3A_1368 = arith.constant 0 : index
    %swap3A_1369 = arith.constant 1232 : index
    %swap3A_1370 = arith.constant 0 : index
    %swap3A_1371 = vector.load %arg3[%swap3A_1367, %swap3A_1368, %swap3A_1369, %swap3A_1370] : memref<1x1x2048x2048xf32, #tpu.memory_space<vmem>>, vector<1x1x8x2048xf32>
    %swap3A_1372 = vector.shape_cast %swap3A_1371 : vector<1x1x8x2048xf32> to vector<8x2048xf32>
    %swap3A_1373 = vector.shape_cast %slice3A_1366 : vector<8x2048xf32> to vector<1x1x8x2048xf32>
    tpu.vector_store %arg3[%swap3A_1367, %swap3A_1368, %swap3A_1369, %swap3A_1370], %swap3A_1373 {strides = array<i32>} : memref<1x1x2048x2048xf32, #tpu.memory_space<vmem>>, vector<1x1x8x2048xf32>,
    %slice3A_1374 = vector.extract_strided_slice %get3A_1285 {offsets = [0, 32], sizes = [8, 2048], strides = [1, 1]} : vector<8x2176xf32> to vector<8x2048xf32>
    %swap3A_1375 = arith.constant 0 : index
    %swap3A_1376 = arith.constant 0 : index
    %swap3A_1377 = arith.constant 1240 : index
    %swap3A_1378 = arith.constant 0 : index
    %swap3A_1379 = vector.load %arg3[%swap3A_1375, %swap3A_1376, %swap3A_1377, %swap3A_1378] : memref<1x1x2048x2048xf32, #tpu.memory_space<vmem>>, vector<1x1x8x2048xf32>
    %swap3A_1380 = vector.shape_cast %swap3A_1379 : vector<1x1x8x2048xf32> to vector<8x2048xf32>
    %swap3A_1381 = vector.shape_cast %slice3A_1374 : vector<8x2048xf32> to vector<1x1x8x2048xf32>
    tpu.vector_store %arg3[%swap3A_1375, %swap3A_1376, %swap3A_1377, %swap3A_1378], %swap3A_1381 {strides = array<i32>} : memref<1x1x2048x2048xf32, #tpu.memory_space<vmem>>, vector<1x1x8x2048xf32>,
    %slice3A_1382 = vector.extract_strided_slice %get3A_1285 {offsets = [0, 24], sizes = [8, 2048], strides = [1, 1]} : vector<8x2176xf32> to vector<8x2048xf32>
    %swap3A_1383 = arith.constant 0 : index
    %swap3A_1384 = arith.constant 0 : index
    %swap3A_1385 = arith.constant 1248 : index
    %swap3A_1386 = arith.constant 0 : index
    %swap3A_1387 = vector.load %arg3[%swap3A_1383, %swap3A_1384, %swap3A_1385, %swap3A_1386] : memref<1x1x2048x2048xf32, #tpu.memory_space<vmem>>, vector<1x1x8x2048xf32>
    %swap3A_1388 = vector.shape_cast %swap3A_1387 : vector<1x1x8x2048xf32> to vector<8x2048xf32>
    %swap3A_1389 = vector.shape_cast %slice3A_1382 : vector<8x2048xf32> to vector<1x1x8x2048xf32>
    tpu.vector_store %arg3[%swap3A_1383, %swap3A_1384, %swap3A_1385, %swap3A_1386], %swap3A_1389 {strides = array<i32>} : memref<1x1x2048x2048xf32, #tpu.memory_space<vmem>>, vector<1x1x8x2048xf32>,
    %slice3A_1390 = vector.extract_strided_slice %get3A_1285 {offsets = [0, 16], sizes = [8, 2048], strides = [1, 1]} : vector<8x2176xf32> to vector<8x2048xf32>
    %swap3A_1391 = arith.constant 0 : index
    %swap3A_1392 = arith.constant 0 : index
    %swap3A_1393 = arith.constant 1256 : index
    %swap3A_1394 = arith.constant 0 : index
    %swap3A_1395 = vector.load %arg3[%swap3A_1391, %swap3A_1392, %swap3A_1393, %swap3A_1394] : memref<1x1x2048x2048xf32, #tpu.memory_space<vmem>>, vector<1x1x8x2048xf32>
    %swap3A_1396 = vector.shape_cast %swap3A_1395 : vector<1x1x8x2048xf32> to vector<8x2048xf32>
    %swap3A_1397 = vector.shape_cast %slice3A_1390 : vector<8x2048xf32> to vector<1x1x8x2048xf32>
    tpu.vector_store %arg3[%swap3A_1391, %swap3A_1392, %swap3A_1393, %swap3A_1394], %swap3A_1397 {strides = array<i32>} : memref<1x1x2048x2048xf32, #tpu.memory_space<vmem>>, vector<1x1x8x2048xf32>,
    %slice3A_1398 = vector.extract_strided_slice %get3A_1285 {offsets = [0, 8], sizes = [8, 2048], strides = [1, 1]} : vector<8x2176xf32> to vector<8x2048xf32>
    %swap3A_1399 = arith.constant 0 : index
    %swap3A_1400 = arith.constant 0 : index
    %swap3A_1401 = arith.constant 1264 : index
    %swap3A_1402 = arith.constant 0 : index
    %swap3A_1403 = vector.load %arg3[%swap3A_1399, %swap3A_1400, %swap3A_1401, %swap3A_1402] : memref<1x1x2048x2048xf32, #tpu.memory_space<vmem>>, vector<1x1x8x2048xf32>
    %swap3A_1404 = vector.shape_cast %swap3A_1403 : vector<1x1x8x2048xf32> to vector<8x2048xf32>
    %swap3A_1405 = vector.shape_cast %slice3A_1398 : vector<8x2048xf32> to vector<1x1x8x2048xf32>
    tpu.vector_store %arg3[%swap3A_1399, %swap3A_1400, %swap3A_1401, %swap3A_1402], %swap3A_1405 {strides = array<i32>} : memref<1x1x2048x2048xf32, #tpu.memory_space<vmem>>, vector<1x1x8x2048xf32>,
    %slice3A_1406 = vector.extract_strided_slice %get3A_1285 {offsets = [0, 0], sizes = [8, 2048], strides = [1, 1]} : vector<8x2176xf32> to vector<8x2048xf32>
    %swap3A_1407 = arith.constant 0 : index
    %swap3A_1408 = arith.constant 0 : index
    %swap3A_1409 = arith.constant 1272 : index
    %swap3A_1410 = arith.constant 0 : index
    %swap3A_1411 = vector.load %arg3[%swap3A_1407, %swap3A_1408, %swap3A_1409, %swap3A_1410] : memref<1x1x2048x2048xf32, #tpu.memory_space<vmem>>, vector<1x1x8x2048xf32>
    %swap3A_1412 = vector.shape_cast %swap3A_1411 : vector<1x1x8x2048xf32> to vector<8x2048xf32>
    %swap3A_1413 = vector.shape_cast %slice3A_1406 : vector<8x2048xf32> to vector<1x1x8x2048xf32>
    tpu.vector_store %arg3[%swap3A_1407, %swap3A_1408, %swap3A_1409, %swap3A_1410], %swap3A_1413 {strides = array<i32>} : memref<1x1x2048x2048xf32, #tpu.memory_space<vmem>>, vector<1x1x8x2048xf32>,
    %mul3A_1414 = arith.constant 16 : i32
    %mul3A_1415 = arith.muli %mul3A_1414, %arg1 : i32
    %sub3A_1416 = arith.constant 15 : i32
    %sub3A_1417 = arith.subi %sub3A_1416, %mul3A_1415 : i32
    %sub3A_1418 = arith.constant 10 : i32
    %sub3A_1419 = arith.subi %sub3A_1417, %sub3A_1418 : i32
    %mul3A_1420 = arith.constant 128 : i32
    %mul3A_1421 = arith.muli %mul3A_1420, %sub3A_1419 : i32
    %multiple_of3A_1422 = tpu.assume_multiple %mul3A_1421, 128 : i32
    %get3A_1423 = arith.constant 0 : index
    %get3A_1424 = arith.constant 0 : index
    %get3A_1425 = arith.index_cast %multiple_of3A_1422 : i32 to index
    %get3A_1426 = vector.load %arg2[%get3A_1423, %get3A_1424, %get3A_1425] : memref<1x8x4224xf32, #tpu.memory_space<vmem>>, vector<1x8x2176xf32>
    %get3A_1427 = vector.shape_cast %get3A_1426 : vector<1x8x2176xf32> to vector<8x2176xf32>
    %slice3A_1428 = vector.extract_strided_slice %get3A_1427 {offsets = [0, 120], sizes = [8, 2048], strides = [1, 1]} : vector<8x2176xf32> to vector<8x2048xf32>
    %swap3A_1429 = arith.constant 0 : index
    %swap3A_1430 = arith.constant 0 : index
    %swap3A_1431 = arith.constant 1280 : index
    %swap3A_1432 = arith.constant 0 : index
    %swap3A_1433 = vector.load %arg3[%swap3A_1429, %swap3A_1430, %swap3A_1431, %swap3A_1432] : memref<1x1x2048x2048xf32, #tpu.memory_space<vmem>>, vector<1x1x8x2048xf32>
    %swap3A_1434 = vector.shape_cast %swap3A_1433 : vector<1x1x8x2048xf32> to vector<8x2048xf32>
    %swap3A_1435 = vector.shape_cast %slice3A_1428 : vector<8x2048xf32> to vector<1x1x8x2048xf32>
    tpu.vector_store %arg3[%swap3A_1429, %swap3A_1430, %swap3A_1431, %swap3A_1432], %swap3A_1435 {strides = array<i32>} : memref<1x1x2048x2048xf32, #tpu.memory_space<vmem>>, vector<1x1x8x2048xf32>,
    %slice3A_1436 = vector.extract_strided_slice %get3A_1427 {offsets = [0, 112], sizes = [8, 2048], strides = [1, 1]} : vector<8x2176xf32> to vector<8x2048xf32>
    %swap3A_1437 = arith.constant 0 : index
    %swap3A_1438 = arith.constant 0 : index
    %swap3A_1439 = arith.constant 1288 : index
    %swap3A_1440 = arith.constant 0 : index
    %swap3A_1441 = vector.load %arg3[%swap3A_1437, %swap3A_1438, %swap3A_1439, %swap3A_1440] : memref<1x1x2048x2048xf32, #tpu.memory_space<vmem>>, vector<1x1x8x2048xf32>
    %swap3A_1442 = vector.shape_cast %swap3A_1441 : vector<1x1x8x2048xf32> to vector<8x2048xf32>
    %swap3A_1443 = vector.shape_cast %slice3A_1436 : vector<8x2048xf32> to vector<1x1x8x2048xf32>
    tpu.vector_store %arg3[%swap3A_1437, %swap3A_1438, %swap3A_1439, %swap3A_1440], %swap3A_1443 {strides = array<i32>} : memref<1x1x2048x2048xf32, #tpu.memory_space<vmem>>, vector<1x1x8x2048xf32>,
    %slice3A_1444 = vector.extract_strided_slice %get3A_1427 {offsets = [0, 104], sizes = [8, 2048], strides = [1, 1]} : vector<8x2176xf32> to vector<8x2048xf32>
    %swap3A_1445 = arith.constant 0 : index
    %swap3A_1446 = arith.constant 0 : index
    %swap3A_1447 = arith.constant 1296 : index
    %swap3A_1448 = arith.constant 0 : index
    %swap3A_1449 = vector.load %arg3[%swap3A_1445, %swap3A_1446, %swap3A_1447, %swap3A_1448] : memref<1x1x2048x2048xf32, #tpu.memory_space<vmem>>, vector<1x1x8x2048xf32>
    %swap3A_1450 = vector.shape_cast %swap3A_1449 : vector<1x1x8x2048xf32> to vector<8x2048xf32>
    %swap3A_1451 = vector.shape_cast %slice3A_1444 : vector<8x2048xf32> to vector<1x1x8x2048xf32>
    tpu.vector_store %arg3[%swap3A_1445, %swap3A_1446, %swap3A_1447, %swap3A_1448], %swap3A_1451 {strides = array<i32>} : memref<1x1x2048x2048xf32, #tpu.memory_space<vmem>>, vector<1x1x8x2048xf32>,
    %slice3A_1452 = vector.extract_strided_slice %get3A_1427 {offsets = [0, 96], sizes = [8, 2048], strides = [1, 1]} : vector<8x2176xf32> to vector<8x2048xf32>
    %swap3A_1453 = arith.constant 0 : index
    %swap3A_1454 = arith.constant 0 : index
    %swap3A_1455 = arith.constant 1304 : index
    %swap3A_1456 = arith.constant 0 : index
    %swap3A_1457 = vector.load %arg3[%swap3A_1453, %swap3A_1454, %swap3A_1455, %swap3A_1456] : memref<1x1x2048x2048xf32, #tpu.memory_space<vmem>>, vector<1x1x8x2048xf32>
    %swap3A_1458 = vector.shape_cast %swap3A_1457 : vector<1x1x8x2048xf32> to vector<8x2048xf32>
    %swap3A_1459 = vector.shape_cast %slice3A_1452 : vector<8x2048xf32> to vector<1x1x8x2048xf32>
    tpu.vector_store %arg3[%swap3A_1453, %swap3A_1454, %swap3A_1455, %swap3A_1456], %swap3A_1459 {strides = array<i32>} : memref<1x1x2048x2048xf32, #tpu.memory_space<vmem>>, vector<1x1x8x2048xf32>,
    %slice3A_1460 = vector.extract_strided_slice %get3A_1427 {offsets = [0, 88], sizes = [8, 2048], strides = [1, 1]} : vector<8x2176xf32> to vector<8x2048xf32>
    %swap3A_1461 = arith.constant 0 : index
    %swap3A_1462 = arith.constant 0 : index
    %swap3A_1463 = arith.constant 1312 : index
    %swap3A_1464 = arith.constant 0 : index
    %swap3A_1465 = vector.load %arg3[%swap3A_1461, %swap3A_1462, %swap3A_1463, %swap3A_1464] : memref<1x1x2048x2048xf32, #tpu.memory_space<vmem>>, vector<1x1x8x2048xf32>
    %swap3A_1466 = vector.shape_cast %swap3A_1465 : vector<1x1x8x2048xf32> to vector<8x2048xf32>
    %swap3A_1467 = vector.shape_cast %slice3A_1460 : vector<8x2048xf32> to vector<1x1x8x2048xf32>
    tpu.vector_store %arg3[%swap3A_1461, %swap3A_1462, %swap3A_1463, %swap3A_1464], %swap3A_1467 {strides = array<i32>} : memref<1x1x2048x2048xf32, #tpu.memory_space<vmem>>, vector<1x1x8x2048xf32>,
    %slice3A_1468 = vector.extract_strided_slice %get3A_1427 {offsets = [0, 80], sizes = [8, 2048], strides = [1, 1]} : vector<8x2176xf32> to vector<8x2048xf32>
    %swap3A_1469 = arith.constant 0 : index
    %swap3A_1470 = arith.constant 0 : index
    %swap3A_1471 = arith.constant 1320 : index
    %swap3A_1472 = arith.constant 0 : index
    %swap3A_1473 = vector.load %arg3[%swap3A_1469, %swap3A_1470, %swap3A_1471, %swap3A_1472] : memref<1x1x2048x2048xf32, #tpu.memory_space<vmem>>, vector<1x1x8x2048xf32>
    %swap3A_1474 = vector.shape_cast %swap3A_1473 : vector<1x1x8x2048xf32> to vector<8x2048xf32>
    %swap3A_1475 = vector.shape_cast %slice3A_1468 : vector<8x2048xf32> to vector<1x1x8x2048xf32>
    tpu.vector_store %arg3[%swap3A_1469, %swap3A_1470, %swap3A_1471, %swap3A_1472], %swap3A_1475 {strides = array<i32>} : memref<1x1x2048x2048xf32, #tpu.memory_space<vmem>>, vector<1x1x8x2048xf32>,
    %slice3A_1476 = vector.extract_strided_slice %get3A_1427 {offsets = [0, 72], sizes = [8, 2048], strides = [1, 1]} : vector<8x2176xf32> to vector<8x2048xf32>
    %swap3A_1477 = arith.constant 0 : index
    %swap3A_1478 = arith.constant 0 : index
    %swap3A_1479 = arith.constant 1328 : index
    %swap3A_1480 = arith.constant 0 : index
    %swap3A_1481 = vector.load %arg3[%swap3A_1477, %swap3A_1478, %swap3A_1479, %swap3A_1480] : memref<1x1x2048x2048xf32, #tpu.memory_space<vmem>>, vector<1x1x8x2048xf32>
    %swap3A_1482 = vector.shape_cast %swap3A_1481 : vector<1x1x8x2048xf32> to vector<8x2048xf32>
    %swap3A_1483 = vector.shape_cast %slice3A_1476 : vector<8x2048xf32> to vector<1x1x8x2048xf32>
    tpu.vector_store %arg3[%swap3A_1477, %swap3A_1478, %swap3A_1479, %swap3A_1480], %swap3A_1483 {strides = array<i32>} : memref<1x1x2048x2048xf32, #tpu.memory_space<vmem>>, vector<1x1x8x2048xf32>,
    %slice3A_1484 = vector.extract_strided_slice %get3A_1427 {offsets = [0, 64], sizes = [8, 2048], strides = [1, 1]} : vector<8x2176xf32> to vector<8x2048xf32>
    %swap3A_1485 = arith.constant 0 : index
    %swap3A_1486 = arith.constant 0 : index
    %swap3A_1487 = arith.constant 1336 : index
    %swap3A_1488 = arith.constant 0 : index
    %swap3A_1489 = vector.load %arg3[%swap3A_1485, %swap3A_1486, %swap3A_1487, %swap3A_1488] : memref<1x1x2048x2048xf32, #tpu.memory_space<vmem>>, vector<1x1x8x2048xf32>
    %swap3A_1490 = vector.shape_cast %swap3A_1489 : vector<1x1x8x2048xf32> to vector<8x2048xf32>
    %swap3A_1491 = vector.shape_cast %slice3A_1484 : vector<8x2048xf32> to vector<1x1x8x2048xf32>
    tpu.vector_store %arg3[%swap3A_1485, %swap3A_1486, %swap3A_1487, %swap3A_1488], %swap3A_1491 {strides = array<i32>} : memref<1x1x2048x2048xf32, #tpu.memory_space<vmem>>, vector<1x1x8x2048xf32>,
    %slice3A_1492 = vector.extract_strided_slice %get3A_1427 {offsets = [0, 56], sizes = [8, 2048], strides = [1, 1]} : vector<8x2176xf32> to vector<8x2048xf32>
    %swap3A_1493 = arith.constant 0 : index
    %swap3A_1494 = arith.constant 0 : index
    %swap3A_1495 = arith.constant 1344 : index
    %swap3A_1496 = arith.constant 0 : index
    %swap3A_1497 = vector.load %arg3[%swap3A_1493, %swap3A_1494, %swap3A_1495, %swap3A_1496] : memref<1x1x2048x2048xf32, #tpu.memory_space<vmem>>, vector<1x1x8x2048xf32>
    %swap3A_1498 = vector.shape_cast %swap3A_1497 : vector<1x1x8x2048xf32> to vector<8x2048xf32>
    %swap3A_1499 = vector.shape_cast %slice3A_1492 : vector<8x2048xf32> to vector<1x1x8x2048xf32>
    tpu.vector_store %arg3[%swap3A_1493, %swap3A_1494, %swap3A_1495, %swap3A_1496], %swap3A_1499 {strides = array<i32>} : memref<1x1x2048x2048xf32, #tpu.memory_space<vmem>>, vector<1x1x8x2048xf32>,
    %slice3A_1500 = vector.extract_strided_slice %get3A_1427 {offsets = [0, 48], sizes = [8, 2048], strides = [1, 1]} : vector<8x2176xf32> to vector<8x2048xf32>
    %swap3A_1501 = arith.constant 0 : index
    %swap3A_1502 = arith.constant 0 : index
    %swap3A_1503 = arith.constant 1352 : index
    %swap3A_1504 = arith.constant 0 : index
    %swap3A_1505 = vector.load %arg3[%swap3A_1501, %swap3A_1502, %swap3A_1503, %swap3A_1504] : memref<1x1x2048x2048xf32, #tpu.memory_space<vmem>>, vector<1x1x8x2048xf32>
    %swap3A_1506 = vector.shape_cast %swap3A_1505 : vector<1x1x8x2048xf32> to vector<8x2048xf32>
    %swap3A_1507 = vector.shape_cast %slice3A_1500 : vector<8x2048xf32> to vector<1x1x8x2048xf32>
    tpu.vector_store %arg3[%swap3A_1501, %swap3A_1502, %swap3A_1503, %swap3A_1504], %swap3A_1507 {strides = array<i32>} : memref<1x1x2048x2048xf32, #tpu.memory_space<vmem>>, vector<1x1x8x2048xf32>,
    %slice3A_1508 = vector.extract_strided_slice %get3A_1427 {offsets = [0, 40], sizes = [8, 2048], strides = [1, 1]} : vector<8x2176xf32> to vector<8x2048xf32>
    %swap3A_1509 = arith.constant 0 : index
    %swap3A_1510 = arith.constant 0 : index
    %swap3A_1511 = arith.constant 1360 : index
    %swap3A_1512 = arith.constant 0 : index
    %swap3A_1513 = vector.load %arg3[%swap3A_1509, %swap3A_1510, %swap3A_1511, %swap3A_1512] : memref<1x1x2048x2048xf32, #tpu.memory_space<vmem>>, vector<1x1x8x2048xf32>
    %swap3A_1514 = vector.shape_cast %swap3A_1513 : vector<1x1x8x2048xf32> to vector<8x2048xf32>
    %swap3A_1515 = vector.shape_cast %slice3A_1508 : vector<8x2048xf32> to vector<1x1x8x2048xf32>
    tpu.vector_store %arg3[%swap3A_1509, %swap3A_1510, %swap3A_1511, %swap3A_1512], %swap3A_1515 {strides = array<i32>} : memref<1x1x2048x2048xf32, #tpu.memory_space<vmem>>, vector<1x1x8x2048xf32>,
    %slice3A_1516 = vector.extract_strided_slice %get3A_1427 {offsets = [0, 32], sizes = [8, 2048], strides = [1, 1]} : vector<8x2176xf32> to vector<8x2048xf32>
    %swap3A_1517 = arith.constant 0 : index
    %swap3A_1518 = arith.constant 0 : index
    %swap3A_1519 = arith.constant 1368 : index
    %swap3A_1520 = arith.constant 0 : index
    %swap3A_1521 = vector.load %arg3[%swap3A_1517, %swap3A_1518, %swap3A_1519, %swap3A_1520] : memref<1x1x2048x2048xf32, #tpu.memory_space<vmem>>, vector<1x1x8x2048xf32>
    %swap3A_1522 = vector.shape_cast %swap3A_1521 : vector<1x1x8x2048xf32> to vector<8x2048xf32>
    %swap3A_1523 = vector.shape_cast %slice3A_1516 : vector<8x2048xf32> to vector<1x1x8x2048xf32>
    tpu.vector_store %arg3[%swap3A_1517, %swap3A_1518, %swap3A_1519, %swap3A_1520], %swap3A_1523 {strides = array<i32>} : memref<1x1x2048x2048xf32, #tpu.memory_space<vmem>>, vector<1x1x8x2048xf32>,
    %slice3A_1524 = vector.extract_strided_slice %get3A_1427 {offsets = [0, 24], sizes = [8, 2048], strides = [1, 1]} : vector<8x2176xf32> to vector<8x2048xf32>
    %swap3A_1525 = arith.constant 0 : index
    %swap3A_1526 = arith.constant 0 : index
    %swap3A_1527 = arith.constant 1376 : index
    %swap3A_1528 = arith.constant 0 : index
    %swap3A_1529 = vector.load %arg3[%swap3A_1525, %swap3A_1526, %swap3A_1527, %swap3A_1528] : memref<1x1x2048x2048xf32, #tpu.memory_space<vmem>>, vector<1x1x8x2048xf32>
    %swap3A_1530 = vector.shape_cast %swap3A_1529 : vector<1x1x8x2048xf32> to vector<8x2048xf32>
    %swap3A_1531 = vector.shape_cast %slice3A_1524 : vector<8x2048xf32> to vector<1x1x8x2048xf32>
    tpu.vector_store %arg3[%swap3A_1525, %swap3A_1526, %swap3A_1527, %swap3A_1528], %swap3A_1531 {strides = array<i32>} : memref<1x1x2048x2048xf32, #tpu.memory_space<vmem>>, vector<1x1x8x2048xf32>,
    %slice3A_1532 = vector.extract_strided_slice %get3A_1427 {offsets = [0, 16], sizes = [8, 2048], strides = [1, 1]} : vector<8x2176xf32> to vector<8x2048xf32>
    %swap3A_1533 = arith.constant 0 : index
    %swap3A_1534 = arith.constant 0 : index
    %swap3A_1535 = arith.constant 1384 : index
    %swap3A_1536 = arith.constant 0 : index
    %swap3A_1537 = vector.load %arg3[%swap3A_1533, %swap3A_1534, %swap3A_1535, %swap3A_1536] : memref<1x1x2048x2048xf32, #tpu.memory_space<vmem>>, vector<1x1x8x2048xf32>
    %swap3A_1538 = vector.shape_cast %swap3A_1537 : vector<1x1x8x2048xf32> to vector<8x2048xf32>
    %swap3A_1539 = vector.shape_cast %slice3A_1532 : vector<8x2048xf32> to vector<1x1x8x2048xf32>
    tpu.vector_store %arg3[%swap3A_1533, %swap3A_1534, %swap3A_1535, %swap3A_1536], %swap3A_1539 {strides = array<i32>} : memref<1x1x2048x2048xf32, #tpu.memory_space<vmem>>, vector<1x1x8x2048xf32>,
    %slice3A_1540 = vector.extract_strided_slice %get3A_1427 {offsets = [0, 8], sizes = [8, 2048], strides = [1, 1]} : vector<8x2176xf32> to vector<8x2048xf32>
    %swap3A_1541 = arith.constant 0 : index
    %swap3A_1542 = arith.constant 0 : index
    %swap3A_1543 = arith.constant 1392 : index
    %swap3A_1544 = arith.constant 0 : index
    %swap3A_1545 = vector.load %arg3[%swap3A_1541, %swap3A_1542, %swap3A_1543, %swap3A_1544] : memref<1x1x2048x2048xf32, #tpu.memory_space<vmem>>, vector<1x1x8x2048xf32>
    %swap3A_1546 = vector.shape_cast %swap3A_1545 : vector<1x1x8x2048xf32> to vector<8x2048xf32>
    %swap3A_1547 = vector.shape_cast %slice3A_1540 : vector<8x2048xf32> to vector<1x1x8x2048xf32>
    tpu.vector_store %arg3[%swap3A_1541, %swap3A_1542, %swap3A_1543, %swap3A_1544], %swap3A_1547 {strides = array<i32>} : memref<1x1x2048x2048xf32, #tpu.memory_space<vmem>>, vector<1x1x8x2048xf32>,
    %slice3A_1548 = vector.extract_strided_slice %get3A_1427 {offsets = [0, 0], sizes = [8, 2048], strides = [1, 1]} : vector<8x2176xf32> to vector<8x2048xf32>
    %swap3A_1549 = arith.constant 0 : index
    %swap3A_1550 = arith.constant 0 : index
    %swap3A_1551 = arith.constant 1400 : index
    %swap3A_1552 = arith.constant 0 : index
    %swap3A_1553 = vector.load %arg3[%swap3A_1549, %swap3A_1550, %swap3A_1551, %swap3A_1552] : memref<1x1x2048x2048xf32, #tpu.memory_space<vmem>>, vector<1x1x8x2048xf32>
    %swap3A_1554 = vector.shape_cast %swap3A_1553 : vector<1x1x8x2048xf32> to vector<8x2048xf32>
    %swap3A_1555 = vector.shape_cast %slice3A_1548 : vector<8x2048xf32> to vector<1x1x8x2048xf32>
    tpu.vector_store %arg3[%swap3A_1549, %swap3A_1550, %swap3A_1551, %swap3A_1552], %swap3A_1555 {strides = array<i32>} : memref<1x1x2048x2048xf32, #tpu.memory_space<vmem>>, vector<1x1x8x2048xf32>,
    %mul3A_1556 = arith.constant 16 : i32
    %mul3A_1557 = arith.muli %mul3A_1556, %arg1 : i32
    %sub3A_1558 = arith.constant 15 : i32
    %sub3A_1559 = arith.subi %sub3A_1558, %mul3A_1557 : i32
    %sub3A_1560 = arith.constant 11 : i32
    %sub3A_1561 = arith.subi %sub3A_1559, %sub3A_1560 : i32
    %mul3A_1562 = arith.constant 128 : i32
    %mul3A_1563 = arith.muli %mul3A_1562, %sub3A_1561 : i32
    %multiple_of3A_1564 = tpu.assume_multiple %mul3A_1563, 128 : i32
    %get3A_1565 = arith.constant 0 : index
    %get3A_1566 = arith.constant 0 : index
    %get3A_1567 = arith.index_cast %multiple_of3A_1564 : i32 to index
    %get3A_1568 = vector.load %arg2[%get3A_1565, %get3A_1566, %get3A_1567] : memref<1x8x4224xf32, #tpu.memory_space<vmem>>, vector<1x8x2176xf32>
    %get3A_1569 = vector.shape_cast %get3A_1568 : vector<1x8x2176xf32> to vector<8x2176xf32>
    %slice3A_1570 = vector.extract_strided_slice %get3A_1569 {offsets = [0, 120], sizes = [8, 2048], strides = [1, 1]} : vector<8x2176xf32> to vector<8x2048xf32>
    %swap3A_1571 = arith.constant 0 : index
    %swap3A_1572 = arith.constant 0 : index
    %swap3A_1573 = arith.constant 1408 : index
    %swap3A_1574 = arith.constant 0 : index
    %swap3A_1575 = vector.load %arg3[%swap3A_1571, %swap3A_1572, %swap3A_1573, %swap3A_1574] : memref<1x1x2048x2048xf32, #tpu.memory_space<vmem>>, vector<1x1x8x2048xf32>
    %swap3A_1576 = vector.shape_cast %swap3A_1575 : vector<1x1x8x2048xf32> to vector<8x2048xf32>
    %swap3A_1577 = vector.shape_cast %slice3A_1570 : vector<8x2048xf32> to vector<1x1x8x2048xf32>
    tpu.vector_store %arg3[%swap3A_1571, %swap3A_1572, %swap3A_1573, %swap3A_1574], %swap3A_1577 {strides = array<i32>} : memref<1x1x2048x2048xf32, #tpu.memory_space<vmem>>, vector<1x1x8x2048xf32>,
    %slice3A_1578 = vector.extract_strided_slice %get3A_1569 {offsets = [0, 112], sizes = [8, 2048], strides = [1, 1]} : vector<8x2176xf32> to vector<8x2048xf32>
    %swap3A_1579 = arith.constant 0 : index
    %swap3A_1580 = arith.constant 0 : index
    %swap3A_1581 = arith.constant 1416 : index
    %swap3A_1582 = arith.constant 0 : index
    %swap3A_1583 = vector.load %arg3[%swap3A_1579, %swap3A_1580, %swap3A_1581, %swap3A_1582] : memref<1x1x2048x2048xf32, #tpu.memory_space<vmem>>, vector<1x1x8x2048xf32>
    %swap3A_1584 = vector.shape_cast %swap3A_1583 : vector<1x1x8x2048xf32> to vector<8x2048xf32>
    %swap3A_1585 = vector.shape_cast %slice3A_1578 : vector<8x2048xf32> to vector<1x1x8x2048xf32>
    tpu.vector_store %arg3[%swap3A_1579, %swap3A_1580, %swap3A_1581, %swap3A_1582], %swap3A_1585 {strides = array<i32>} : memref<1x1x2048x2048xf32, #tpu.memory_space<vmem>>, vector<1x1x8x2048xf32>,
    %slice3A_1586 = vector.extract_strided_slice %get3A_1569 {offsets = [0, 104], sizes = [8, 2048], strides = [1, 1]} : vector<8x2176xf32> to vector<8x2048xf32>
    %swap3A_1587 = arith.constant 0 : index
    %swap3A_1588 = arith.constant 0 : index
    %swap3A_1589 = arith.constant 1424 : index
    %swap3A_1590 = arith.constant 0 : index
    %swap3A_1591 = vector.load %arg3[%swap3A_1587, %swap3A_1588, %swap3A_1589, %swap3A_1590] : memref<1x1x2048x2048xf32, #tpu.memory_space<vmem>>, vector<1x1x8x2048xf32>
    %swap3A_1592 = vector.shape_cast %swap3A_1591 : vector<1x1x8x2048xf32> to vector<8x2048xf32>
    %swap3A_1593 = vector.shape_cast %slice3A_1586 : vector<8x2048xf32> to vector<1x1x8x2048xf32>
    tpu.vector_store %arg3[%swap3A_1587, %swap3A_1588, %swap3A_1589, %swap3A_1590], %swap3A_1593 {strides = array<i32>} : memref<1x1x2048x2048xf32, #tpu.memory_space<vmem>>, vector<1x1x8x2048xf32>,
    %slice3A_1594 = vector.extract_strided_slice %get3A_1569 {offsets = [0, 96], sizes = [8, 2048], strides = [1, 1]} : vector<8x2176xf32> to vector<8x2048xf32>
    %swap3A_1595 = arith.constant 0 : index
    %swap3A_1596 = arith.constant 0 : index
    %swap3A_1597 = arith.constant 1432 : index
    %swap3A_1598 = arith.constant 0 : index
    %swap3A_1599 = vector.load %arg3[%swap3A_1595, %swap3A_1596, %swap3A_1597, %swap3A_1598] : memref<1x1x2048x2048xf32, #tpu.memory_space<vmem>>, vector<1x1x8x2048xf32>
    %swap3A_1600 = vector.shape_cast %swap3A_1599 : vector<1x1x8x2048xf32> to vector<8x2048xf32>
    %swap3A_1601 = vector.shape_cast %slice3A_1594 : vector<8x2048xf32> to vector<1x1x8x2048xf32>
    tpu.vector_store %arg3[%swap3A_1595, %swap3A_1596, %swap3A_1597, %swap3A_1598], %swap3A_1601 {strides = array<i32>} : memref<1x1x2048x2048xf32, #tpu.memory_space<vmem>>, vector<1x1x8x2048xf32>,
    %slice3A_1602 = vector.extract_strided_slice %get3A_1569 {offsets = [0, 88], sizes = [8, 2048], strides = [1, 1]} : vector<8x2176xf32> to vector<8x2048xf32>
    %swap3A_1603 = arith.constant 0 : index
    %swap3A_1604 = arith.constant 0 : index
    %swap3A_1605 = arith.constant 1440 : index
    %swap3A_1606 = arith.constant 0 : index
    %swap3A_1607 = vector.load %arg3[%swap3A_1603, %swap3A_1604, %swap3A_1605, %swap3A_1606] : memref<1x1x2048x2048xf32, #tpu.memory_space<vmem>>, vector<1x1x8x2048xf32>
    %swap3A_1608 = vector.shape_cast %swap3A_1607 : vector<1x1x8x2048xf32> to vector<8x2048xf32>
    %swap3A_1609 = vector.shape_cast %slice3A_1602 : vector<8x2048xf32> to vector<1x1x8x2048xf32>
    tpu.vector_store %arg3[%swap3A_1603, %swap3A_1604, %swap3A_1605, %swap3A_1606], %swap3A_1609 {strides = array<i32>} : memref<1x1x2048x2048xf32, #tpu.memory_space<vmem>>, vector<1x1x8x2048xf32>,
    %slice3A_1610 = vector.extract_strided_slice %get3A_1569 {offsets = [0, 80], sizes = [8, 2048], strides = [1, 1]} : vector<8x2176xf32> to vector<8x2048xf32>
    %swap3A_1611 = arith.constant 0 : index
    %swap3A_1612 = arith.constant 0 : index
    %swap3A_1613 = arith.constant 1448 : index
    %swap3A_1614 = arith.constant 0 : index
    %swap3A_1615 = vector.load %arg3[%swap3A_1611, %swap3A_1612, %swap3A_1613, %swap3A_1614] : memref<1x1x2048x2048xf32, #tpu.memory_space<vmem>>, vector<1x1x8x2048xf32>
    %swap3A_1616 = vector.shape_cast %swap3A_1615 : vector<1x1x8x2048xf32> to vector<8x2048xf32>
    %swap3A_1617 = vector.shape_cast %slice3A_1610 : vector<8x2048xf32> to vector<1x1x8x2048xf32>
    tpu.vector_store %arg3[%swap3A_1611, %swap3A_1612, %swap3A_1613, %swap3A_1614], %swap3A_1617 {strides = array<i32>} : memref<1x1x2048x2048xf32, #tpu.memory_space<vmem>>, vector<1x1x8x2048xf32>,
    %slice3A_1618 = vector.extract_strided_slice %get3A_1569 {offsets = [0, 72], sizes = [8, 2048], strides = [1, 1]} : vector<8x2176xf32> to vector<8x2048xf32>
    %swap3A_1619 = arith.constant 0 : index
    %swap3A_1620 = arith.constant 0 : index
    %swap3A_1621 = arith.constant 1456 : index
    %swap3A_1622 = arith.constant 0 : index
    %swap3A_1623 = vector.load %arg3[%swap3A_1619, %swap3A_1620, %swap3A_1621, %swap3A_1622] : memref<1x1x2048x2048xf32, #tpu.memory_space<vmem>>, vector<1x1x8x2048xf32>
    %swap3A_1624 = vector.shape_cast %swap3A_1623 : vector<1x1x8x2048xf32> to vector<8x2048xf32>
    %swap3A_1625 = vector.shape_cast %slice3A_1618 : vector<8x2048xf32> to vector<1x1x8x2048xf32>
    tpu.vector_store %arg3[%swap3A_1619, %swap3A_1620, %swap3A_1621, %swap3A_1622], %swap3A_1625 {strides = array<i32>} : memref<1x1x2048x2048xf32, #tpu.memory_space<vmem>>, vector<1x1x8x2048xf32>,
    %slice3A_1626 = vector.extract_strided_slice %get3A_1569 {offsets = [0, 64], sizes = [8, 2048], strides = [1, 1]} : vector<8x2176xf32> to vector<8x2048xf32>
    %swap3A_1627 = arith.constant 0 : index
    %swap3A_1628 = arith.constant 0 : index
    %swap3A_1629 = arith.constant 1464 : index
    %swap3A_1630 = arith.constant 0 : index
    %swap3A_1631 = vector.load %arg3[%swap3A_1627, %swap3A_1628, %swap3A_1629, %swap3A_1630] : memref<1x1x2048x2048xf32, #tpu.memory_space<vmem>>, vector<1x1x8x2048xf32>
    %swap3A_1632 = vector.shape_cast %swap3A_1631 : vector<1x1x8x2048xf32> to vector<8x2048xf32>
    %swap3A_1633 = vector.shape_cast %slice3A_1626 : vector<8x2048xf32> to vector<1x1x8x2048xf32>
    tpu.vector_store %arg3[%swap3A_1627, %swap3A_1628, %swap3A_1629, %swap3A_1630], %swap3A_1633 {strides = array<i32>} : memref<1x1x2048x2048xf32, #tpu.memory_space<vmem>>, vector<1x1x8x2048xf32>,
    %slice3A_1634 = vector.extract_strided_slice %get3A_1569 {offsets = [0, 56], sizes = [8, 2048], strides = [1, 1]} : vector<8x2176xf32> to vector<8x2048xf32>
    %swap3A_1635 = arith.constant 0 : index
    %swap3A_1636 = arith.constant 0 : index
    %swap3A_1637 = arith.constant 1472 : index
    %swap3A_1638 = arith.constant 0 : index
    %swap3A_1639 = vector.load %arg3[%swap3A_1635, %swap3A_1636, %swap3A_1637, %swap3A_1638] : memref<1x1x2048x2048xf32, #tpu.memory_space<vmem>>, vector<1x1x8x2048xf32>
    %swap3A_1640 = vector.shape_cast %swap3A_1639 : vector<1x1x8x2048xf32> to vector<8x2048xf32>
    %swap3A_1641 = vector.shape_cast %slice3A_1634 : vector<8x2048xf32> to vector<1x1x8x2048xf32>
    tpu.vector_store %arg3[%swap3A_1635, %swap3A_1636, %swap3A_1637, %swap3A_1638], %swap3A_1641 {strides = array<i32>} : memref<1x1x2048x2048xf32, #tpu.memory_space<vmem>>, vector<1x1x8x2048xf32>,
    %slice3A_1642 = vector.extract_strided_slice %get3A_1569 {offsets = [0, 48], sizes = [8, 2048], strides = [1, 1]} : vector<8x2176xf32> to vector<8x2048xf32>
    %swap3A_1643 = arith.constant 0 : index
    %swap3A_1644 = arith.constant 0 : index
    %swap3A_1645 = arith.constant 1480 : index
    %swap3A_1646 = arith.constant 0 : index
    %swap3A_1647 = vector.load %arg3[%swap3A_1643, %swap3A_1644, %swap3A_1645, %swap3A_1646] : memref<1x1x2048x2048xf32, #tpu.memory_space<vmem>>, vector<1x1x8x2048xf32>
    %swap3A_1648 = vector.shape_cast %swap3A_1647 : vector<1x1x8x2048xf32> to vector<8x2048xf32>
    %swap3A_1649 = vector.shape_cast %slice3A_1642 : vector<8x2048xf32> to vector<1x1x8x2048xf32>
    tpu.vector_store %arg3[%swap3A_1643, %swap3A_1644, %swap3A_1645, %swap3A_1646], %swap3A_1649 {strides = array<i32>} : memref<1x1x2048x2048xf32, #tpu.memory_space<vmem>>, vector<1x1x8x2048xf32>,
    %slice3A_1650 = vector.extract_strided_slice %get3A_1569 {offsets = [0, 40], sizes = [8, 2048], strides = [1, 1]} : vector<8x2176xf32> to vector<8x2048xf32>
    %swap3A_1651 = arith.constant 0 : index
    %swap3A_1652 = arith.constant 0 : index
    %swap3A_1653 = arith.constant 1488 : index
    %swap3A_1654 = arith.constant 0 : index
    %swap3A_1655 = vector.load %arg3[%swap3A_1651, %swap3A_1652, %swap3A_1653, %swap3A_1654] : memref<1x1x2048x2048xf32, #tpu.memory_space<vmem>>, vector<1x1x8x2048xf32>
    %swap3A_1656 = vector.shape_cast %swap3A_1655 : vector<1x1x8x2048xf32> to vector<8x2048xf32>
    %swap3A_1657 = vector.shape_cast %slice3A_1650 : vector<8x2048xf32> to vector<1x1x8x2048xf32>
    tpu.vector_store %arg3[%swap3A_1651, %swap3A_1652, %swap3A_1653, %swap3A_1654], %swap3A_1657 {strides = array<i32>} : memref<1x1x2048x2048xf32, #tpu.memory_space<vmem>>, vector<1x1x8x2048xf32>,
    %slice3A_1658 = vector.extract_strided_slice %get3A_1569 {offsets = [0, 32], sizes = [8, 2048], strides = [1, 1]} : vector<8x2176xf32> to vector<8x2048xf32>
    %swap3A_1659 = arith.constant 0 : index
    %swap3A_1660 = arith.constant 0 : index
    %swap3A_1661 = arith.constant 1496 : index
    %swap3A_1662 = arith.constant 0 : index
    %swap3A_1663 = vector.load %arg3[%swap3A_1659, %swap3A_1660, %swap3A_1661, %swap3A_1662] : memref<1x1x2048x2048xf32, #tpu.memory_space<vmem>>, vector<1x1x8x2048xf32>
    %swap3A_1664 = vector.shape_cast %swap3A_1663 : vector<1x1x8x2048xf32> to vector<8x2048xf32>
    %swap3A_1665 = vector.shape_cast %slice3A_1658 : vector<8x2048xf32> to vector<1x1x8x2048xf32>
    tpu.vector_store %arg3[%swap3A_1659, %swap3A_1660, %swap3A_1661, %swap3A_1662], %swap3A_1665 {strides = array<i32>} : memref<1x1x2048x2048xf32, #tpu.memory_space<vmem>>, vector<1x1x8x2048xf32>,
    %slice3A_1666 = vector.extract_strided_slice %get3A_1569 {offsets = [0, 24], sizes = [8, 2048], strides = [1, 1]} : vector<8x2176xf32> to vector<8x2048xf32>
    %swap3A_1667 = arith.constant 0 : index
    %swap3A_1668 = arith.constant 0 : index
    %swap3A_1669 = arith.constant 1504 : index
    %swap3A_1670 = arith.constant 0 : index
    %swap3A_1671 = vector.load %arg3[%swap3A_1667, %swap3A_1668, %swap3A_1669, %swap3A_1670] : memref<1x1x2048x2048xf32, #tpu.memory_space<vmem>>, vector<1x1x8x2048xf32>
    %swap3A_1672 = vector.shape_cast %swap3A_1671 : vector<1x1x8x2048xf32> to vector<8x2048xf32>
    %swap3A_1673 = vector.shape_cast %slice3A_1666 : vector<8x2048xf32> to vector<1x1x8x2048xf32>
    tpu.vector_store %arg3[%swap3A_1667, %swap3A_1668, %swap3A_1669, %swap3A_1670], %swap3A_1673 {strides = array<i32>} : memref<1x1x2048x2048xf32, #tpu.memory_space<vmem>>, vector<1x1x8x2048xf32>,
    %slice3A_1674 = vector.extract_strided_slice %get3A_1569 {offsets = [0, 16], sizes = [8, 2048], strides = [1, 1]} : vector<8x2176xf32> to vector<8x2048xf32>
    %swap3A_1675 = arith.constant 0 : index
    %swap3A_1676 = arith.constant 0 : index
    %swap3A_1677 = arith.constant 1512 : index
    %swap3A_1678 = arith.constant 0 : index
    %swap3A_1679 = vector.load %arg3[%swap3A_1675, %swap3A_1676, %swap3A_1677, %swap3A_1678] : memref<1x1x2048x2048xf32, #tpu.memory_space<vmem>>, vector<1x1x8x2048xf32>
    %swap3A_1680 = vector.shape_cast %swap3A_1679 : vector<1x1x8x2048xf32> to vector<8x2048xf32>
    %swap3A_1681 = vector.shape_cast %slice3A_1674 : vector<8x2048xf32> to vector<1x1x8x2048xf32>
    tpu.vector_store %arg3[%swap3A_1675, %swap3A_1676, %swap3A_1677, %swap3A_1678], %swap3A_1681 {strides = array<i32>} : memref<1x1x2048x2048xf32, #tpu.memory_space<vmem>>, vector<1x1x8x2048xf32>,
    %slice3A_1682 = vector.extract_strided_slice %get3A_1569 {offsets = [0, 8], sizes = [8, 2048], strides = [1, 1]} : vector<8x2176xf32> to vector<8x2048xf32>
    %swap3A_1683 = arith.constant 0 : index
    %swap3A_1684 = arith.constant 0 : index
    %swap3A_1685 = arith.constant 1520 : index
    %swap3A_1686 = arith.constant 0 : index
    %swap3A_1687 = vector.load %arg3[%swap3A_1683, %swap3A_1684, %swap3A_1685, %swap3A_1686] : memref<1x1x2048x2048xf32, #tpu.memory_space<vmem>>, vector<1x1x8x2048xf32>
    %swap3A_1688 = vector.shape_cast %swap3A_1687 : vector<1x1x8x2048xf32> to vector<8x2048xf32>
    %swap3A_1689 = vector.shape_cast %slice3A_1682 : vector<8x2048xf32> to vector<1x1x8x2048xf32>
    tpu.vector_store %arg3[%swap3A_1683, %swap3A_1684, %swap3A_1685, %swap3A_1686], %swap3A_1689 {strides = array<i32>} : memref<1x1x2048x2048xf32, #tpu.memory_space<vmem>>, vector<1x1x8x2048xf32>,
    %slice3A_1690 = vector.extract_strided_slice %get3A_1569 {offsets = [0, 0], sizes = [8, 2048], strides = [1, 1]} : vector<8x2176xf32> to vector<8x2048xf32>
    %swap3A_1691 = arith.constant 0 : index
    %swap3A_1692 = arith.constant 0 : index
    %swap3A_1693 = arith.constant 1528 : index
    %swap3A_1694 = arith.constant 0 : index
    %swap3A_1695 = vector.load %arg3[%swap3A_1691, %swap3A_1692, %swap3A_1693, %swap3A_1694] : memref<1x1x2048x2048xf32, #tpu.memory_space<vmem>>, vector<1x1x8x2048xf32>
    %swap3A_1696 = vector.shape_cast %swap3A_1695 : vector<1x1x8x2048xf32> to vector<8x2048xf32>
    %swap3A_1697 = vector.shape_cast %slice3A_1690 : vector<8x2048xf32> to vector<1x1x8x2048xf32>
    tpu.vector_store %arg3[%swap3A_1691, %swap3A_1692, %swap3A_1693, %swap3A_1694], %swap3A_1697 {strides = array<i32>} : memref<1x1x2048x2048xf32, #tpu.memory_space<vmem>>, vector<1x1x8x2048xf32>,
    %mul3A_1698 = arith.constant 16 : i32
    %mul3A_1699 = arith.muli %mul3A_1698, %arg1 : i32
    %sub3A_1700 = arith.constant 15 : i32
    %sub3A_1701 = arith.subi %sub3A_1700, %mul3A_1699 : i32
    %sub3A_1702 = arith.constant 12 : i32
    %sub3A_1703 = arith.subi %sub3A_1701, %sub3A_1702 : i32
    %mul3A_1704 = arith.constant 128 : i32
    %mul3A_1705 = arith.muli %mul3A_1704, %sub3A_1703 : i32
    %multiple_of3A_1706 = tpu.assume_multiple %mul3A_1705, 128 : i32
    %get3A_1707 = arith.constant 0 : index
    %get3A_1708 = arith.constant 0 : index
    %get3A_1709 = arith.index_cast %multiple_of3A_1706 : i32 to index
    %get3A_1710 = vector.load %arg2[%get3A_1707, %get3A_1708, %get3A_1709] : memref<1x8x4224xf32, #tpu.memory_space<vmem>>, vector<1x8x2176xf32>
    %get3A_1711 = vector.shape_cast %get3A_1710 : vector<1x8x2176xf32> to vector<8x2176xf32>
    %slice3A_1712 = vector.extract_strided_slice %get3A_1711 {offsets = [0, 120], sizes = [8, 2048], strides = [1, 1]} : vector<8x2176xf32> to vector<8x2048xf32>
    %swap3A_1713 = arith.constant 0 : index
    %swap3A_1714 = arith.constant 0 : index
    %swap3A_1715 = arith.constant 1536 : index
    %swap3A_1716 = arith.constant 0 : index
    %swap3A_1717 = vector.load %arg3[%swap3A_1713, %swap3A_1714, %swap3A_1715, %swap3A_1716] : memref<1x1x2048x2048xf32, #tpu.memory_space<vmem>>, vector<1x1x8x2048xf32>
    %swap3A_1718 = vector.shape_cast %swap3A_1717 : vector<1x1x8x2048xf32> to vector<8x2048xf32>
    %swap3A_1719 = vector.shape_cast %slice3A_1712 : vector<8x2048xf32> to vector<1x1x8x2048xf32>
    tpu.vector_store %arg3[%swap3A_1713, %swap3A_1714, %swap3A_1715, %swap3A_1716], %swap3A_1719 {strides = array<i32>} : memref<1x1x2048x2048xf32, #tpu.memory_space<vmem>>, vector<1x1x8x2048xf32>,
    %slice3A_1720 = vector.extract_strided_slice %get3A_1711 {offsets = [0, 112], sizes = [8, 2048], strides = [1, 1]} : vector<8x2176xf32> to vector<8x2048xf32>
    %swap3A_1721 = arith.constant 0 : index
    %swap3A_1722 = arith.constant 0 : index
    %swap3A_1723 = arith.constant 1544 : index
    %swap3A_1724 = arith.constant 0 : index
    %swap3A_1725 = vector.load %arg3[%swap3A_1721, %swap3A_1722, %swap3A_1723, %swap3A_1724] : memref<1x1x2048x2048xf32, #tpu.memory_space<vmem>>, vector<1x1x8x2048xf32>
    %swap3A_1726 = vector.shape_cast %swap3A_1725 : vector<1x1x8x2048xf32> to vector<8x2048xf32>
    %swap3A_1727 = vector.shape_cast %slice3A_1720 : vector<8x2048xf32> to vector<1x1x8x2048xf32>
    tpu.vector_store %arg3[%swap3A_1721, %swap3A_1722, %swap3A_1723, %swap3A_1724], %swap3A_1727 {strides = array<i32>} : memref<1x1x2048x2048xf32, #tpu.memory_space<vmem>>, vector<1x1x8x2048xf32>,
    %slice3A_1728 = vector.extract_strided_slice %get3A_1711 {offsets = [0, 104], sizes = [8, 2048], strides = [1, 1]} : vector<8x2176xf32> to vector<8x2048xf32>
    %swap3A_1729 = arith.constant 0 : index
    %swap3A_1730 = arith.constant 0 : index
    %swap3A_1731 = arith.constant 1552 : index
    %swap3A_1732 = arith.constant 0 : index
    %swap3A_1733 = vector.load %arg3[%swap3A_1729, %swap3A_1730, %swap3A_1731, %swap3A_1732] : memref<1x1x2048x2048xf32, #tpu.memory_space<vmem>>, vector<1x1x8x2048xf32>
    %swap3A_1734 = vector.shape_cast %swap3A_1733 : vector<1x1x8x2048xf32> to vector<8x2048xf32>
    %swap3A_1735 = vector.shape_cast %slice3A_1728 : vector<8x2048xf32> to vector<1x1x8x2048xf32>
    tpu.vector_store %arg3[%swap3A_1729, %swap3A_1730, %swap3A_1731, %swap3A_1732], %swap3A_1735 {strides = array<i32>} : memref<1x1x2048x2048xf32, #tpu.memory_space<vmem>>, vector<1x1x8x2048xf32>,
    %slice3A_1736 = vector.extract_strided_slice %get3A_1711 {offsets = [0, 96], sizes = [8, 2048], strides = [1, 1]} : vector<8x2176xf32> to vector<8x2048xf32>
    %swap3A_1737 = arith.constant 0 : index
    %swap3A_1738 = arith.constant 0 : index
    %swap3A_1739 = arith.constant 1560 : index
    %swap3A_1740 = arith.constant 0 : index
    %swap3A_1741 = vector.load %arg3[%swap3A_1737, %swap3A_1738, %swap3A_1739, %swap3A_1740] : memref<1x1x2048x2048xf32, #tpu.memory_space<vmem>>, vector<1x1x8x2048xf32>
    %swap3A_1742 = vector.shape_cast %swap3A_1741 : vector<1x1x8x2048xf32> to vector<8x2048xf32>
    %swap3A_1743 = vector.shape_cast %slice3A_1736 : vector<8x2048xf32> to vector<1x1x8x2048xf32>
    tpu.vector_store %arg3[%swap3A_1737, %swap3A_1738, %swap3A_1739, %swap3A_1740], %swap3A_1743 {strides = array<i32>} : memref<1x1x2048x2048xf32, #tpu.memory_space<vmem>>, vector<1x1x8x2048xf32>,
    %slice3A_1744 = vector.extract_strided_slice %get3A_1711 {offsets = [0, 88], sizes = [8, 2048], strides = [1, 1]} : vector<8x2176xf32> to vector<8x2048xf32>
    %swap3A_1745 = arith.constant 0 : index
    %swap3A_1746 = arith.constant 0 : index
    %swap3A_1747 = arith.constant 1568 : index
    %swap3A_1748 = arith.constant 0 : index
    %swap3A_1749 = vector.load %arg3[%swap3A_1745, %swap3A_1746, %swap3A_1747, %swap3A_1748] : memref<1x1x2048x2048xf32, #tpu.memory_space<vmem>>, vector<1x1x8x2048xf32>
    %swap3A_1750 = vector.shape_cast %swap3A_1749 : vector<1x1x8x2048xf32> to vector<8x2048xf32>
    %swap3A_1751 = vector.shape_cast %slice3A_1744 : vector<8x2048xf32> to vector<1x1x8x2048xf32>
    tpu.vector_store %arg3[%swap3A_1745, %swap3A_1746, %swap3A_1747, %swap3A_1748], %swap3A_1751 {strides = array<i32>} : memref<1x1x2048x2048xf32, #tpu.memory_space<vmem>>, vector<1x1x8x2048xf32>,
    %slice3A_1752 = vector.extract_strided_slice %get3A_1711 {offsets = [0, 80], sizes = [8, 2048], strides = [1, 1]} : vector<8x2176xf32> to vector<8x2048xf32>
    %swap3A_1753 = arith.constant 0 : index
    %swap3A_1754 = arith.constant 0 : index
    %swap3A_1755 = arith.constant 1576 : index
    %swap3A_1756 = arith.constant 0 : index
    %swap3A_1757 = vector.load %arg3[%swap3A_1753, %swap3A_1754, %swap3A_1755, %swap3A_1756] : memref<1x1x2048x2048xf32, #tpu.memory_space<vmem>>, vector<1x1x8x2048xf32>
    %swap3A_1758 = vector.shape_cast %swap3A_1757 : vector<1x1x8x2048xf32> to vector<8x2048xf32>
    %swap3A_1759 = vector.shape_cast %slice3A_1752 : vector<8x2048xf32> to vector<1x1x8x2048xf32>
    tpu.vector_store %arg3[%swap3A_1753, %swap3A_1754, %swap3A_1755, %swap3A_1756], %swap3A_1759 {strides = array<i32>} : memref<1x1x2048x2048xf32, #tpu.memory_space<vmem>>, vector<1x1x8x2048xf32>,
    %slice3A_1760 = vector.extract_strided_slice %get3A_1711 {offsets = [0, 72], sizes = [8, 2048], strides = [1, 1]} : vector<8x2176xf32> to vector<8x2048xf32>
    %swap3A_1761 = arith.constant 0 : index
    %swap3A_1762 = arith.constant 0 : index
    %swap3A_1763 = arith.constant 1584 : index
    %swap3A_1764 = arith.constant 0 : index
    %swap3A_1765 = vector.load %arg3[%swap3A_1761, %swap3A_1762, %swap3A_1763, %swap3A_1764] : memref<1x1x2048x2048xf32, #tpu.memory_space<vmem>>, vector<1x1x8x2048xf32>
    %swap3A_1766 = vector.shape_cast %swap3A_1765 : vector<1x1x8x2048xf32> to vector<8x2048xf32>
    %swap3A_1767 = vector.shape_cast %slice3A_1760 : vector<8x2048xf32> to vector<1x1x8x2048xf32>
    tpu.vector_store %arg3[%swap3A_1761, %swap3A_1762, %swap3A_1763, %swap3A_1764], %swap3A_1767 {strides = array<i32>} : memref<1x1x2048x2048xf32, #tpu.memory_space<vmem>>, vector<1x1x8x2048xf32>,
    %slice3A_1768 = vector.extract_strided_slice %get3A_1711 {offsets = [0, 64], sizes = [8, 2048], strides = [1, 1]} : vector<8x2176xf32> to vector<8x2048xf32>
    %swap3A_1769 = arith.constant 0 : index
    %swap3A_1770 = arith.constant 0 : index
    %swap3A_1771 = arith.constant 1592 : index
    %swap3A_1772 = arith.constant 0 : index
    %swap3A_1773 = vector.load %arg3[%swap3A_1769, %swap3A_1770, %swap3A_1771, %swap3A_1772] : memref<1x1x2048x2048xf32, #tpu.memory_space<vmem>>, vector<1x1x8x2048xf32>
    %swap3A_1774 = vector.shape_cast %swap3A_1773 : vector<1x1x8x2048xf32> to vector<8x2048xf32>
    %swap3A_1775 = vector.shape_cast %slice3A_1768 : vector<8x2048xf32> to vector<1x1x8x2048xf32>
    tpu.vector_store %arg3[%swap3A_1769, %swap3A_1770, %swap3A_1771, %swap3A_1772], %swap3A_1775 {strides = array<i32>} : memref<1x1x2048x2048xf32, #tpu.memory_space<vmem>>, vector<1x1x8x2048xf32>,
    %slice3A_1776 = vector.extract_strided_slice %get3A_1711 {offsets = [0, 56], sizes = [8, 2048], strides = [1, 1]} : vector<8x2176xf32> to vector<8x2048xf32>
    %swap3A_1777 = arith.constant 0 : index
    %swap3A_1778 = arith.constant 0 : index
    %swap3A_1779 = arith.constant 1600 : index
    %swap3A_1780 = arith.constant 0 : index
    %swap3A_1781 = vector.load %arg3[%swap3A_1777, %swap3A_1778, %swap3A_1779, %swap3A_1780] : memref<1x1x2048x2048xf32, #tpu.memory_space<vmem>>, vector<1x1x8x2048xf32>
    %swap3A_1782 = vector.shape_cast %swap3A_1781 : vector<1x1x8x2048xf32> to vector<8x2048xf32>
    %swap3A_1783 = vector.shape_cast %slice3A_1776 : vector<8x2048xf32> to vector<1x1x8x2048xf32>
    tpu.vector_store %arg3[%swap3A_1777, %swap3A_1778, %swap3A_1779, %swap3A_1780], %swap3A_1783 {strides = array<i32>} : memref<1x1x2048x2048xf32, #tpu.memory_space<vmem>>, vector<1x1x8x2048xf32>,
    %slice3A_1784 = vector.extract_strided_slice %get3A_1711 {offsets = [0, 48], sizes = [8, 2048], strides = [1, 1]} : vector<8x2176xf32> to vector<8x2048xf32>
    %swap3A_1785 = arith.constant 0 : index
    %swap3A_1786 = arith.constant 0 : index
    %swap3A_1787 = arith.constant 1608 : index
    %swap3A_1788 = arith.constant 0 : index
    %swap3A_1789 = vector.load %arg3[%swap3A_1785, %swap3A_1786, %swap3A_1787, %swap3A_1788] : memref<1x1x2048x2048xf32, #tpu.memory_space<vmem>>, vector<1x1x8x2048xf32>
    %swap3A_1790 = vector.shape_cast %swap3A_1789 : vector<1x1x8x2048xf32> to vector<8x2048xf32>
    %swap3A_1791 = vector.shape_cast %slice3A_1784 : vector<8x2048xf32> to vector<1x1x8x2048xf32>
    tpu.vector_store %arg3[%swap3A_1785, %swap3A_1786, %swap3A_1787, %swap3A_1788], %swap3A_1791 {strides = array<i32>} : memref<1x1x2048x2048xf32, #tpu.memory_space<vmem>>, vector<1x1x8x2048xf32>,
    %slice3A_1792 = vector.extract_strided_slice %get3A_1711 {offsets = [0, 40], sizes = [8, 2048], strides = [1, 1]} : vector<8x2176xf32> to vector<8x2048xf32>
    %swap3A_1793 = arith.constant 0 : index
    %swap3A_1794 = arith.constant 0 : index
    %swap3A_1795 = arith.constant 1616 : index
    %swap3A_1796 = arith.constant 0 : index
    %swap3A_1797 = vector.load %arg3[%swap3A_1793, %swap3A_1794, %swap3A_1795, %swap3A_1796] : memref<1x1x2048x2048xf32, #tpu.memory_space<vmem>>, vector<1x1x8x2048xf32>
    %swap3A_1798 = vector.shape_cast %swap3A_1797 : vector<1x1x8x2048xf32> to vector<8x2048xf32>
    %swap3A_1799 = vector.shape_cast %slice3A_1792 : vector<8x2048xf32> to vector<1x1x8x2048xf32>
    tpu.vector_store %arg3[%swap3A_1793, %swap3A_1794, %swap3A_1795, %swap3A_1796], %swap3A_1799 {strides = array<i32>} : memref<1x1x2048x2048xf32, #tpu.memory_space<vmem>>, vector<1x1x8x2048xf32>,
    %slice3A_1800 = vector.extract_strided_slice %get3A_1711 {offsets = [0, 32], sizes = [8, 2048], strides = [1, 1]} : vector<8x2176xf32> to vector<8x2048xf32>
    %swap3A_1801 = arith.constant 0 : index
    %swap3A_1802 = arith.constant 0 : index
    %swap3A_1803 = arith.constant 1624 : index
    %swap3A_1804 = arith.constant 0 : index
    %swap3A_1805 = vector.load %arg3[%swap3A_1801, %swap3A_1802, %swap3A_1803, %swap3A_1804] : memref<1x1x2048x2048xf32, #tpu.memory_space<vmem>>, vector<1x1x8x2048xf32>
    %swap3A_1806 = vector.shape_cast %swap3A_1805 : vector<1x1x8x2048xf32> to vector<8x2048xf32>
    %swap3A_1807 = vector.shape_cast %slice3A_1800 : vector<8x2048xf32> to vector<1x1x8x2048xf32>
    tpu.vector_store %arg3[%swap3A_1801, %swap3A_1802, %swap3A_1803, %swap3A_1804], %swap3A_1807 {strides = array<i32>} : memref<1x1x2048x2048xf32, #tpu.memory_space<vmem>>, vector<1x1x8x2048xf32>,
    %slice3A_1808 = vector.extract_strided_slice %get3A_1711 {offsets = [0, 24], sizes = [8, 2048], strides = [1, 1]} : vector<8x2176xf32> to vector<8x2048xf32>
    %swap3A_1809 = arith.constant 0 : index
    %swap3A_1810 = arith.constant 0 : index
    %swap3A_1811 = arith.constant 1632 : index
    %swap3A_1812 = arith.constant 0 : index
    %swap3A_1813 = vector.load %arg3[%swap3A_1809, %swap3A_1810, %swap3A_1811, %swap3A_1812] : memref<1x1x2048x2048xf32, #tpu.memory_space<vmem>>, vector<1x1x8x2048xf32>
    %swap3A_1814 = vector.shape_cast %swap3A_1813 : vector<1x1x8x2048xf32> to vector<8x2048xf32>
    %swap3A_1815 = vector.shape_cast %slice3A_1808 : vector<8x2048xf32> to vector<1x1x8x2048xf32>
    tpu.vector_store %arg3[%swap3A_1809, %swap3A_1810, %swap3A_1811, %swap3A_1812], %swap3A_1815 {strides = array<i32>} : memref<1x1x2048x2048xf32, #tpu.memory_space<vmem>>, vector<1x1x8x2048xf32>,
    %slice3A_1816 = vector.extract_strided_slice %get3A_1711 {offsets = [0, 16], sizes = [8, 2048], strides = [1, 1]} : vector<8x2176xf32> to vector<8x2048xf32>
    %swap3A_1817 = arith.constant 0 : index
    %swap3A_1818 = arith.constant 0 : index
    %swap3A_1819 = arith.constant 1640 : index
    %swap3A_1820 = arith.constant 0 : index
    %swap3A_1821 = vector.load %arg3[%swap3A_1817, %swap3A_1818, %swap3A_1819, %swap3A_1820] : memref<1x1x2048x2048xf32, #tpu.memory_space<vmem>>, vector<1x1x8x2048xf32>
    %swap3A_1822 = vector.shape_cast %swap3A_1821 : vector<1x1x8x2048xf32> to vector<8x2048xf32>
    %swap3A_1823 = vector.shape_cast %slice3A_1816 : vector<8x2048xf32> to vector<1x1x8x2048xf32>
    tpu.vector_store %arg3[%swap3A_1817, %swap3A_1818, %swap3A_1819, %swap3A_1820], %swap3A_1823 {strides = array<i32>} : memref<1x1x2048x2048xf32, #tpu.memory_space<vmem>>, vector<1x1x8x2048xf32>,
    %slice3A_1824 = vector.extract_strided_slice %get3A_1711 {offsets = [0, 8], sizes = [8, 2048], strides = [1, 1]} : vector<8x2176xf32> to vector<8x2048xf32>
    %swap3A_1825 = arith.constant 0 : index
    %swap3A_1826 = arith.constant 0 : index
    %swap3A_1827 = arith.constant 1648 : index
    %swap3A_1828 = arith.constant 0 : index
    %swap3A_1829 = vector.load %arg3[%swap3A_1825, %swap3A_1826, %swap3A_1827, %swap3A_1828] : memref<1x1x2048x2048xf32, #tpu.memory_space<vmem>>, vector<1x1x8x2048xf32>
    %swap3A_1830 = vector.shape_cast %swap3A_1829 : vector<1x1x8x2048xf32> to vector<8x2048xf32>
    %swap3A_1831 = vector.shape_cast %slice3A_1824 : vector<8x2048xf32> to vector<1x1x8x2048xf32>
    tpu.vector_store %arg3[%swap3A_1825, %swap3A_1826, %swap3A_1827, %swap3A_1828], %swap3A_1831 {strides = array<i32>} : memref<1x1x2048x2048xf32, #tpu.memory_space<vmem>>, vector<1x1x8x2048xf32>,
    %slice3A_1832 = vector.extract_strided_slice %get3A_1711 {offsets = [0, 0], sizes = [8, 2048], strides = [1, 1]} : vector<8x2176xf32> to vector<8x2048xf32>
    %swap3A_1833 = arith.constant 0 : index
    %swap3A_1834 = arith.constant 0 : index
    %swap3A_1835 = arith.constant 1656 : index
    %swap3A_1836 = arith.constant 0 : index
    %swap3A_1837 = vector.load %arg3[%swap3A_1833, %swap3A_1834, %swap3A_1835, %swap3A_1836] : memref<1x1x2048x2048xf32, #tpu.memory_space<vmem>>, vector<1x1x8x2048xf32>
    %swap3A_1838 = vector.shape_cast %swap3A_1837 : vector<1x1x8x2048xf32> to vector<8x2048xf32>
    %swap3A_1839 = vector.shape_cast %slice3A_1832 : vector<8x2048xf32> to vector<1x1x8x2048xf32>
    tpu.vector_store %arg3[%swap3A_1833, %swap3A_1834, %swap3A_1835, %swap3A_1836], %swap3A_1839 {strides = array<i32>} : memref<1x1x2048x2048xf32, #tpu.memory_space<vmem>>, vector<1x1x8x2048xf32>,
    %mul3A_1840 = arith.constant 16 : i32
    %mul3A_1841 = arith.muli %mul3A_1840, %arg1 : i32
    %sub3A_1842 = arith.constant 15 : i32
    %sub3A_1843 = arith.subi %sub3A_1842, %mul3A_1841 : i32
    %sub3A_1844 = arith.constant 13 : i32
    %sub3A_1845 = arith.subi %sub3A_1843, %sub3A_1844 : i32
    %mul3A_1846 = arith.constant 128 : i32
    %mul3A_1847 = arith.muli %mul3A_1846, %sub3A_1845 : i32
    %multiple_of3A_1848 = tpu.assume_multiple %mul3A_1847, 128 : i32
    %get3A_1849 = arith.constant 0 : index
    %get3A_1850 = arith.constant 0 : index
    %get3A_1851 = arith.index_cast %multiple_of3A_1848 : i32 to index
    %get3A_1852 = vector.load %arg2[%get3A_1849, %get3A_1850, %get3A_1851] : memref<1x8x4224xf32, #tpu.memory_space<vmem>>, vector<1x8x2176xf32>
    %get3A_1853 = vector.shape_cast %get3A_1852 : vector<1x8x2176xf32> to vector<8x2176xf32>
    %slice3A_1854 = vector.extract_strided_slice %get3A_1853 {offsets = [0, 120], sizes = [8, 2048], strides = [1, 1]} : vector<8x2176xf32> to vector<8x2048xf32>
    %swap3A_1855 = arith.constant 0 : index
    %swap3A_1856 = arith.constant 0 : index
    %swap3A_1857 = arith.constant 1664 : index
    %swap3A_1858 = arith.constant 0 : index
    %swap3A_1859 = vector.load %arg3[%swap3A_1855, %swap3A_1856, %swap3A_1857, %swap3A_1858] : memref<1x1x2048x2048xf32, #tpu.memory_space<vmem>>, vector<1x1x8x2048xf32>
    %swap3A_1860 = vector.shape_cast %swap3A_1859 : vector<1x1x8x2048xf32> to vector<8x2048xf32>
    %swap3A_1861 = vector.shape_cast %slice3A_1854 : vector<8x2048xf32> to vector<1x1x8x2048xf32>
    tpu.vector_store %arg3[%swap3A_1855, %swap3A_1856, %swap3A_1857, %swap3A_1858], %swap3A_1861 {strides = array<i32>} : memref<1x1x2048x2048xf32, #tpu.memory_space<vmem>>, vector<1x1x8x2048xf32>,
    %slice3A_1862 = vector.extract_strided_slice %get3A_1853 {offsets = [0, 112], sizes = [8, 2048], strides = [1, 1]} : vector<8x2176xf32> to vector<8x2048xf32>
    %swap3A_1863 = arith.constant 0 : index
    %swap3A_1864 = arith.constant 0 : index
    %swap3A_1865 = arith.constant 1672 : index
    %swap3A_1866 = arith.constant 0 : index
    %swap3A_1867 = vector.load %arg3[%swap3A_1863, %swap3A_1864, %swap3A_1865, %swap3A_1866] : memref<1x1x2048x2048xf32, #tpu.memory_space<vmem>>, vector<1x1x8x2048xf32>
    %swap3A_1868 = vector.shape_cast %swap3A_1867 : vector<1x1x8x2048xf32> to vector<8x2048xf32>
    %swap3A_1869 = vector.shape_cast %slice3A_1862 : vector<8x2048xf32> to vector<1x1x8x2048xf32>
    tpu.vector_store %arg3[%swap3A_1863, %swap3A_1864, %swap3A_1865, %swap3A_1866], %swap3A_1869 {strides = array<i32>} : memref<1x1x2048x2048xf32, #tpu.memory_space<vmem>>, vector<1x1x8x2048xf32>,
    %slice3A_1870 = vector.extract_strided_slice %get3A_1853 {offsets = [0, 104], sizes = [8, 2048], strides = [1, 1]} : vector<8x2176xf32> to vector<8x2048xf32>
    %swap3A_1871 = arith.constant 0 : index
    %swap3A_1872 = arith.constant 0 : index
    %swap3A_1873 = arith.constant 1680 : index
    %swap3A_1874 = arith.constant 0 : index
    %swap3A_1875 = vector.load %arg3[%swap3A_1871, %swap3A_1872, %swap3A_1873, %swap3A_1874] : memref<1x1x2048x2048xf32, #tpu.memory_space<vmem>>, vector<1x1x8x2048xf32>
    %swap3A_1876 = vector.shape_cast %swap3A_1875 : vector<1x1x8x2048xf32> to vector<8x2048xf32>
    %swap3A_1877 = vector.shape_cast %slice3A_1870 : vector<8x2048xf32> to vector<1x1x8x2048xf32>
    tpu.vector_store %arg3[%swap3A_1871, %swap3A_1872, %swap3A_1873, %swap3A_1874], %swap3A_1877 {strides = array<i32>} : memref<1x1x2048x2048xf32, #tpu.memory_space<vmem>>, vector<1x1x8x2048xf32>,
    %slice3A_1878 = vector.extract_strided_slice %get3A_1853 {offsets = [0, 96], sizes = [8, 2048], strides = [1, 1]} : vector<8x2176xf32> to vector<8x2048xf32>
    %swap3A_1879 = arith.constant 0 : index
    %swap3A_1880 = arith.constant 0 : index
    %swap3A_1881 = arith.constant 1688 : index
    %swap3A_1882 = arith.constant 0 : index
    %swap3A_1883 = vector.load %arg3[%swap3A_1879, %swap3A_1880, %swap3A_1881, %swap3A_1882] : memref<1x1x2048x2048xf32, #tpu.memory_space<vmem>>, vector<1x1x8x2048xf32>
    %swap3A_1884 = vector.shape_cast %swap3A_1883 : vector<1x1x8x2048xf32> to vector<8x2048xf32>
    %swap3A_1885 = vector.shape_cast %slice3A_1878 : vector<8x2048xf32> to vector<1x1x8x2048xf32>
    tpu.vector_store %arg3[%swap3A_1879, %swap3A_1880, %swap3A_1881, %swap3A_1882], %swap3A_1885 {strides = array<i32>} : memref<1x1x2048x2048xf32, #tpu.memory_space<vmem>>, vector<1x1x8x2048xf32>,
    %slice3A_1886 = vector.extract_strided_slice %get3A_1853 {offsets = [0, 88], sizes = [8, 2048], strides = [1, 1]} : vector<8x2176xf32> to vector<8x2048xf32>
    %swap3A_1887 = arith.constant 0 : index
    %swap3A_1888 = arith.constant 0 : index
    %swap3A_1889 = arith.constant 1696 : index
    %swap3A_1890 = arith.constant 0 : index
    %swap3A_1891 = vector.load %arg3[%swap3A_1887, %swap3A_1888, %swap3A_1889, %swap3A_1890] : memref<1x1x2048x2048xf32, #tpu.memory_space<vmem>>, vector<1x1x8x2048xf32>
    %swap3A_1892 = vector.shape_cast %swap3A_1891 : vector<1x1x8x2048xf32> to vector<8x2048xf32>
    %swap3A_1893 = vector.shape_cast %slice3A_1886 : vector<8x2048xf32> to vector<1x1x8x2048xf32>
    tpu.vector_store %arg3[%swap3A_1887, %swap3A_1888, %swap3A_1889, %swap3A_1890], %swap3A_1893 {strides = array<i32>} : memref<1x1x2048x2048xf32, #tpu.memory_space<vmem>>, vector<1x1x8x2048xf32>,
    %slice3A_1894 = vector.extract_strided_slice %get3A_1853 {offsets = [0, 80], sizes = [8, 2048], strides = [1, 1]} : vector<8x2176xf32> to vector<8x2048xf32>
    %swap3A_1895 = arith.constant 0 : index
    %swap3A_1896 = arith.constant 0 : index
    %swap3A_1897 = arith.constant 1704 : index
    %swap3A_1898 = arith.constant 0 : index
    %swap3A_1899 = vector.load %arg3[%swap3A_1895, %swap3A_1896, %swap3A_1897, %swap3A_1898] : memref<1x1x2048x2048xf32, #tpu.memory_space<vmem>>, vector<1x1x8x2048xf32>
    %swap3A_1900 = vector.shape_cast %swap3A_1899 : vector<1x1x8x2048xf32> to vector<8x2048xf32>
    %swap3A_1901 = vector.shape_cast %slice3A_1894 : vector<8x2048xf32> to vector<1x1x8x2048xf32>
    tpu.vector_store %arg3[%swap3A_1895, %swap3A_1896, %swap3A_1897, %swap3A_1898], %swap3A_1901 {strides = array<i32>} : memref<1x1x2048x2048xf32, #tpu.memory_space<vmem>>, vector<1x1x8x2048xf32>,
    %slice3A_1902 = vector.extract_strided_slice %get3A_1853 {offsets = [0, 72], sizes = [8, 2048], strides = [1, 1]} : vector<8x2176xf32> to vector<8x2048xf32>
    %swap3A_1903 = arith.constant 0 : index
    %swap3A_1904 = arith.constant 0 : index
    %swap3A_1905 = arith.constant 1712 : index
    %swap3A_1906 = arith.constant 0 : index
    %swap3A_1907 = vector.load %arg3[%swap3A_1903, %swap3A_1904, %swap3A_1905, %swap3A_1906] : memref<1x1x2048x2048xf32, #tpu.memory_space<vmem>>, vector<1x1x8x2048xf32>
    %swap3A_1908 = vector.shape_cast %swap3A_1907 : vector<1x1x8x2048xf32> to vector<8x2048xf32>
    %swap3A_1909 = vector.shape_cast %slice3A_1902 : vector<8x2048xf32> to vector<1x1x8x2048xf32>
    tpu.vector_store %arg3[%swap3A_1903, %swap3A_1904, %swap3A_1905, %swap3A_1906], %swap3A_1909 {strides = array<i32>} : memref<1x1x2048x2048xf32, #tpu.memory_space<vmem>>, vector<1x1x8x2048xf32>,
    %slice3A_1910 = vector.extract_strided_slice %get3A_1853 {offsets = [0, 64], sizes = [8, 2048], strides = [1, 1]} : vector<8x2176xf32> to vector<8x2048xf32>
    %swap3A_1911 = arith.constant 0 : index
    %swap3A_1912 = arith.constant 0 : index
    %swap3A_1913 = arith.constant 1720 : index
    %swap3A_1914 = arith.constant 0 : index
    %swap3A_1915 = vector.load %arg3[%swap3A_1911, %swap3A_1912, %swap3A_1913, %swap3A_1914] : memref<1x1x2048x2048xf32, #tpu.memory_space<vmem>>, vector<1x1x8x2048xf32>
    %swap3A_1916 = vector.shape_cast %swap3A_1915 : vector<1x1x8x2048xf32> to vector<8x2048xf32>
    %swap3A_1917 = vector.shape_cast %slice3A_1910 : vector<8x2048xf32> to vector<1x1x8x2048xf32>
    tpu.vector_store %arg3[%swap3A_1911, %swap3A_1912, %swap3A_1913, %swap3A_1914], %swap3A_1917 {strides = array<i32>} : memref<1x1x2048x2048xf32, #tpu.memory_space<vmem>>, vector<1x1x8x2048xf32>,
    %slice3A_1918 = vector.extract_strided_slice %get3A_1853 {offsets = [0, 56], sizes = [8, 2048], strides = [1, 1]} : vector<8x2176xf32> to vector<8x2048xf32>
    %swap3A_1919 = arith.constant 0 : index
    %swap3A_1920 = arith.constant 0 : index
    %swap3A_1921 = arith.constant 1728 : index
    %swap3A_1922 = arith.constant 0 : index
    %swap3A_1923 = vector.load %arg3[%swap3A_1919, %swap3A_1920, %swap3A_1921, %swap3A_1922] : memref<1x1x2048x2048xf32, #tpu.memory_space<vmem>>, vector<1x1x8x2048xf32>
    %swap3A_1924 = vector.shape_cast %swap3A_1923 : vector<1x1x8x2048xf32> to vector<8x2048xf32>
    %swap3A_1925 = vector.shape_cast %slice3A_1918 : vector<8x2048xf32> to vector<1x1x8x2048xf32>
    tpu.vector_store %arg3[%swap3A_1919, %swap3A_1920, %swap3A_1921, %swap3A_1922], %swap3A_1925 {strides = array<i32>} : memref<1x1x2048x2048xf32, #tpu.memory_space<vmem>>, vector<1x1x8x2048xf32>,
    %slice3A_1926 = vector.extract_strided_slice %get3A_1853 {offsets = [0, 48], sizes = [8, 2048], strides = [1, 1]} : vector<8x2176xf32> to vector<8x2048xf32>
    %swap3A_1927 = arith.constant 0 : index
    %swap3A_1928 = arith.constant 0 : index
    %swap3A_1929 = arith.constant 1736 : index
    %swap3A_1930 = arith.constant 0 : index
    %swap3A_1931 = vector.load %arg3[%swap3A_1927, %swap3A_1928, %swap3A_1929, %swap3A_1930] : memref<1x1x2048x2048xf32, #tpu.memory_space<vmem>>, vector<1x1x8x2048xf32>
    %swap3A_1932 = vector.shape_cast %swap3A_1931 : vector<1x1x8x2048xf32> to vector<8x2048xf32>
    %swap3A_1933 = vector.shape_cast %slice3A_1926 : vector<8x2048xf32> to vector<1x1x8x2048xf32>
    tpu.vector_store %arg3[%swap3A_1927, %swap3A_1928, %swap3A_1929, %swap3A_1930], %swap3A_1933 {strides = array<i32>} : memref<1x1x2048x2048xf32, #tpu.memory_space<vmem>>, vector<1x1x8x2048xf32>,
    %slice3A_1934 = vector.extract_strided_slice %get3A_1853 {offsets = [0, 40], sizes = [8, 2048], strides = [1, 1]} : vector<8x2176xf32> to vector<8x2048xf32>
    %swap3A_1935 = arith.constant 0 : index
    %swap3A_1936 = arith.constant 0 : index
    %swap3A_1937 = arith.constant 1744 : index
    %swap3A_1938 = arith.constant 0 : index
    %swap3A_1939 = vector.load %arg3[%swap3A_1935, %swap3A_1936, %swap3A_1937, %swap3A_1938] : memref<1x1x2048x2048xf32, #tpu.memory_space<vmem>>, vector<1x1x8x2048xf32>
    %swap3A_1940 = vector.shape_cast %swap3A_1939 : vector<1x1x8x2048xf32> to vector<8x2048xf32>
    %swap3A_1941 = vector.shape_cast %slice3A_1934 : vector<8x2048xf32> to vector<1x1x8x2048xf32>
    tpu.vector_store %arg3[%swap3A_1935, %swap3A_1936, %swap3A_1937, %swap3A_1938], %swap3A_1941 {strides = array<i32>} : memref<1x1x2048x2048xf32, #tpu.memory_space<vmem>>, vector<1x1x8x2048xf32>,
    %slice3A_1942 = vector.extract_strided_slice %get3A_1853 {offsets = [0, 32], sizes = [8, 2048], strides = [1, 1]} : vector<8x2176xf32> to vector<8x2048xf32>
    %swap3A_1943 = arith.constant 0 : index
    %swap3A_1944 = arith.constant 0 : index
    %swap3A_1945 = arith.constant 1752 : index
    %swap3A_1946 = arith.constant 0 : index
    %swap3A_1947 = vector.load %arg3[%swap3A_1943, %swap3A_1944, %swap3A_1945, %swap3A_1946] : memref<1x1x2048x2048xf32, #tpu.memory_space<vmem>>, vector<1x1x8x2048xf32>
    %swap3A_1948 = vector.shape_cast %swap3A_1947 : vector<1x1x8x2048xf32> to vector<8x2048xf32>
    %swap3A_1949 = vector.shape_cast %slice3A_1942 : vector<8x2048xf32> to vector<1x1x8x2048xf32>
    tpu.vector_store %arg3[%swap3A_1943, %swap3A_1944, %swap3A_1945, %swap3A_1946], %swap3A_1949 {strides = array<i32>} : memref<1x1x2048x2048xf32, #tpu.memory_space<vmem>>, vector<1x1x8x2048xf32>,
    %slice3A_1950 = vector.extract_strided_slice %get3A_1853 {offsets = [0, 24], sizes = [8, 2048], strides = [1, 1]} : vector<8x2176xf32> to vector<8x2048xf32>
    %swap3A_1951 = arith.constant 0 : index
    %swap3A_1952 = arith.constant 0 : index
    %swap3A_1953 = arith.constant 1760 : index
    %swap3A_1954 = arith.constant 0 : index
    %swap3A_1955 = vector.load %arg3[%swap3A_1951, %swap3A_1952, %swap3A_1953, %swap3A_1954] : memref<1x1x2048x2048xf32, #tpu.memory_space<vmem>>, vector<1x1x8x2048xf32>
    %swap3A_1956 = vector.shape_cast %swap3A_1955 : vector<1x1x8x2048xf32> to vector<8x2048xf32>
    %swap3A_1957 = vector.shape_cast %slice3A_1950 : vector<8x2048xf32> to vector<1x1x8x2048xf32>
    tpu.vector_store %arg3[%swap3A_1951, %swap3A_1952, %swap3A_1953, %swap3A_1954], %swap3A_1957 {strides = array<i32>} : memref<1x1x2048x2048xf32, #tpu.memory_space<vmem>>, vector<1x1x8x2048xf32>,
    %slice3A_1958 = vector.extract_strided_slice %get3A_1853 {offsets = [0, 16], sizes = [8, 2048], strides = [1, 1]} : vector<8x2176xf32> to vector<8x2048xf32>
    %swap3A_1959 = arith.constant 0 : index
    %swap3A_1960 = arith.constant 0 : index
    %swap3A_1961 = arith.constant 1768 : index
    %swap3A_1962 = arith.constant 0 : index
    %swap3A_1963 = vector.load %arg3[%swap3A_1959, %swap3A_1960, %swap3A_1961, %swap3A_1962] : memref<1x1x2048x2048xf32, #tpu.memory_space<vmem>>, vector<1x1x8x2048xf32>
    %swap3A_1964 = vector.shape_cast %swap3A_1963 : vector<1x1x8x2048xf32> to vector<8x2048xf32>
    %swap3A_1965 = vector.shape_cast %slice3A_1958 : vector<8x2048xf32> to vector<1x1x8x2048xf32>
    tpu.vector_store %arg3[%swap3A_1959, %swap3A_1960, %swap3A_1961, %swap3A_1962], %swap3A_1965 {strides = array<i32>} : memref<1x1x2048x2048xf32, #tpu.memory_space<vmem>>, vector<1x1x8x2048xf32>,
    %slice3A_1966 = vector.extract_strided_slice %get3A_1853 {offsets = [0, 8], sizes = [8, 2048], strides = [1, 1]} : vector<8x2176xf32> to vector<8x2048xf32>
    %swap3A_1967 = arith.constant 0 : index
    %swap3A_1968 = arith.constant 0 : index
    %swap3A_1969 = arith.constant 1776 : index
    %swap3A_1970 = arith.constant 0 : index
    %swap3A_1971 = vector.load %arg3[%swap3A_1967, %swap3A_1968, %swap3A_1969, %swap3A_1970] : memref<1x1x2048x2048xf32, #tpu.memory_space<vmem>>, vector<1x1x8x2048xf32>
    %swap3A_1972 = vector.shape_cast %swap3A_1971 : vector<1x1x8x2048xf32> to vector<8x2048xf32>
    %swap3A_1973 = vector.shape_cast %slice3A_1966 : vector<8x2048xf32> to vector<1x1x8x2048xf32>
    tpu.vector_store %arg3[%swap3A_1967, %swap3A_1968, %swap3A_1969, %swap3A_1970], %swap3A_1973 {strides = array<i32>} : memref<1x1x2048x2048xf32, #tpu.memory_space<vmem>>, vector<1x1x8x2048xf32>,
    %slice3A_1974 = vector.extract_strided_slice %get3A_1853 {offsets = [0, 0], sizes = [8, 2048], strides = [1, 1]} : vector<8x2176xf32> to vector<8x2048xf32>
    %swap3A_1975 = arith.constant 0 : index
    %swap3A_1976 = arith.constant 0 : index
    %swap3A_1977 = arith.constant 1784 : index
    %swap3A_1978 = arith.constant 0 : index
    %swap3A_1979 = vector.load %arg3[%swap3A_1975, %swap3A_1976, %swap3A_1977, %swap3A_1978] : memref<1x1x2048x2048xf32, #tpu.memory_space<vmem>>, vector<1x1x8x2048xf32>
    %swap3A_1980 = vector.shape_cast %swap3A_1979 : vector<1x1x8x2048xf32> to vector<8x2048xf32>
    %swap3A_1981 = vector.shape_cast %slice3A_1974 : vector<8x2048xf32> to vector<1x1x8x2048xf32>
    tpu.vector_store %arg3[%swap3A_1975, %swap3A_1976, %swap3A_1977, %swap3A_1978], %swap3A_1981 {strides = array<i32>} : memref<1x1x2048x2048xf32, #tpu.memory_space<vmem>>, vector<1x1x8x2048xf32>,
    %mul3A_1982 = arith.constant 16 : i32
    %mul3A_1983 = arith.muli %mul3A_1982, %arg1 : i32
    %sub3A_1984 = arith.constant 15 : i32
    %sub3A_1985 = arith.subi %sub3A_1984, %mul3A_1983 : i32
    %sub3A_1986 = arith.constant 14 : i32
    %sub3A_1987 = arith.subi %sub3A_1985, %sub3A_1986 : i32
    %mul3A_1988 = arith.constant 128 : i32
    %mul3A_1989 = arith.muli %mul3A_1988, %sub3A_1987 : i32
    %multiple_of3A_1990 = tpu.assume_multiple %mul3A_1989, 128 : i32
    %get3A_1991 = arith.constant 0 : index
    %get3A_1992 = arith.constant 0 : index
    %get3A_1993 = arith.index_cast %multiple_of3A_1990 : i32 to index
    %get3A_1994 = vector.load %arg2[%get3A_1991, %get3A_1992, %get3A_1993] : memref<1x8x4224xf32, #tpu.memory_space<vmem>>, vector<1x8x2176xf32>
    %get3A_1995 = vector.shape_cast %get3A_1994 : vector<1x8x2176xf32> to vector<8x2176xf32>
    %slice3A_1996 = vector.extract_strided_slice %get3A_1995 {offsets = [0, 120], sizes = [8, 2048], strides = [1, 1]} : vector<8x2176xf32> to vector<8x2048xf32>
    %swap3A_1997 = arith.constant 0 : index
    %swap3A_1998 = arith.constant 0 : index
    %swap3A_1999 = arith.constant 1792 : index
    %swap3A_2000 = arith.constant 0 : index
    %swap3A_2001 = vector.load %arg3[%swap3A_1997, %swap3A_1998, %swap3A_1999, %swap3A_2000] : memref<1x1x2048x2048xf32, #tpu.memory_space<vmem>>, vector<1x1x8x2048xf32>
    %swap3A_2002 = vector.shape_cast %swap3A_2001 : vector<1x1x8x2048xf32> to vector<8x2048xf32>
    %swap3A_2003 = vector.shape_cast %slice3A_1996 : vector<8x2048xf32> to vector<1x1x8x2048xf32>
    tpu.vector_store %arg3[%swap3A_1997, %swap3A_1998, %swap3A_1999, %swap3A_2000], %swap3A_2003 {strides = array<i32>} : memref<1x1x2048x2048xf32, #tpu.memory_space<vmem>>, vector<1x1x8x2048xf32>,
    %slice3A_2004 = vector.extract_strided_slice %get3A_1995 {offsets = [0, 112], sizes = [8, 2048], strides = [1, 1]} : vector<8x2176xf32> to vector<8x2048xf32>
    %swap3A_2005 = arith.constant 0 : index
    %swap3A_2006 = arith.constant 0 : index
    %swap3A_2007 = arith.constant 1800 : index
    %swap3A_2008 = arith.constant 0 : index
    %swap3A_2009 = vector.load %arg3[%swap3A_2005, %swap3A_2006, %swap3A_2007, %swap3A_2008] : memref<1x1x2048x2048xf32, #tpu.memory_space<vmem>>, vector<1x1x8x2048xf32>
    %swap3A_2010 = vector.shape_cast %swap3A_2009 : vector<1x1x8x2048xf32> to vector<8x2048xf32>
    %swap3A_2011 = vector.shape_cast %slice3A_2004 : vector<8x2048xf32> to vector<1x1x8x2048xf32>
    tpu.vector_store %arg3[%swap3A_2005, %swap3A_2006, %swap3A_2007, %swap3A_2008], %swap3A_2011 {strides = array<i32>} : memref<1x1x2048x2048xf32, #tpu.memory_space<vmem>>, vector<1x1x8x2048xf32>,
    %slice3A_2012 = vector.extract_strided_slice %get3A_1995 {offsets = [0, 104], sizes = [8, 2048], strides = [1, 1]} : vector<8x2176xf32> to vector<8x2048xf32>
    %swap3A_2013 = arith.constant 0 : index
    %swap3A_2014 = arith.constant 0 : index
    %swap3A_2015 = arith.constant 1808 : index
    %swap3A_2016 = arith.constant 0 : index
    %swap3A_2017 = vector.load %arg3[%swap3A_2013, %swap3A_2014, %swap3A_2015, %swap3A_2016] : memref<1x1x2048x2048xf32, #tpu.memory_space<vmem>>, vector<1x1x8x2048xf32>
    %swap3A_2018 = vector.shape_cast %swap3A_2017 : vector<1x1x8x2048xf32> to vector<8x2048xf32>
    %swap3A_2019 = vector.shape_cast %slice3A_2012 : vector<8x2048xf32> to vector<1x1x8x2048xf32>
    tpu.vector_store %arg3[%swap3A_2013, %swap3A_2014, %swap3A_2015, %swap3A_2016], %swap3A_2019 {strides = array<i32>} : memref<1x1x2048x2048xf32, #tpu.memory_space<vmem>>, vector<1x1x8x2048xf32>,
    %slice3A_2020 = vector.extract_strided_slice %get3A_1995 {offsets = [0, 96], sizes = [8, 2048], strides = [1, 1]} : vector<8x2176xf32> to vector<8x2048xf32>
    %swap3A_2021 = arith.constant 0 : index
    %swap3A_2022 = arith.constant 0 : index
    %swap3A_2023 = arith.constant 1816 : index
    %swap3A_2024 = arith.constant 0 : index
    %swap3A_2025 = vector.load %arg3[%swap3A_2021, %swap3A_2022, %swap3A_2023, %swap3A_2024] : memref<1x1x2048x2048xf32, #tpu.memory_space<vmem>>, vector<1x1x8x2048xf32>
    %swap3A_2026 = vector.shape_cast %swap3A_2025 : vector<1x1x8x2048xf32> to vector<8x2048xf32>
    %swap3A_2027 = vector.shape_cast %slice3A_2020 : vector<8x2048xf32> to vector<1x1x8x2048xf32>
    tpu.vector_store %arg3[%swap3A_2021, %swap3A_2022, %swap3A_2023, %swap3A_2024], %swap3A_2027 {strides = array<i32>} : memref<1x1x2048x2048xf32, #tpu.memory_space<vmem>>, vector<1x1x8x2048xf32>,
    %slice3A_2028 = vector.extract_strided_slice %get3A_1995 {offsets = [0, 88], sizes = [8, 2048], strides = [1, 1]} : vector<8x2176xf32> to vector<8x2048xf32>
    %swap3A_2029 = arith.constant 0 : index
    %swap3A_2030 = arith.constant 0 : index
    %swap3A_2031 = arith.constant 1824 : index
    %swap3A_2032 = arith.constant 0 : index
    %swap3A_2033 = vector.load %arg3[%swap3A_2029, %swap3A_2030, %swap3A_2031, %swap3A_2032] : memref<1x1x2048x2048xf32, #tpu.memory_space<vmem>>, vector<1x1x8x2048xf32>
    %swap3A_2034 = vector.shape_cast %swap3A_2033 : vector<1x1x8x2048xf32> to vector<8x2048xf32>
    %swap3A_2035 = vector.shape_cast %slice3A_2028 : vector<8x2048xf32> to vector<1x1x8x2048xf32>
    tpu.vector_store %arg3[%swap3A_2029, %swap3A_2030, %swap3A_2031, %swap3A_2032], %swap3A_2035 {strides = array<i32>} : memref<1x1x2048x2048xf32, #tpu.memory_space<vmem>>, vector<1x1x8x2048xf32>,
    %slice3A_2036 = vector.extract_strided_slice %get3A_1995 {offsets = [0, 80], sizes = [8, 2048], strides = [1, 1]} : vector<8x2176xf32> to vector<8x2048xf32>
    %swap3A_2037 = arith.constant 0 : index
    %swap3A_2038 = arith.constant 0 : index
    %swap3A_2039 = arith.constant 1832 : index
    %swap3A_2040 = arith.constant 0 : index
    %swap3A_2041 = vector.load %arg3[%swap3A_2037, %swap3A_2038, %swap3A_2039, %swap3A_2040] : memref<1x1x2048x2048xf32, #tpu.memory_space<vmem>>, vector<1x1x8x2048xf32>
    %swap3A_2042 = vector.shape_cast %swap3A_2041 : vector<1x1x8x2048xf32> to vector<8x2048xf32>
    %swap3A_2043 = vector.shape_cast %slice3A_2036 : vector<8x2048xf32> to vector<1x1x8x2048xf32>
    tpu.vector_store %arg3[%swap3A_2037, %swap3A_2038, %swap3A_2039, %swap3A_2040], %swap3A_2043 {strides = array<i32>} : memref<1x1x2048x2048xf32, #tpu.memory_space<vmem>>, vector<1x1x8x2048xf32>,
    %slice3A_2044 = vector.extract_strided_slice %get3A_1995 {offsets = [0, 72], sizes = [8, 2048], strides = [1, 1]} : vector<8x2176xf32> to vector<8x2048xf32>
    %swap3A_2045 = arith.constant 0 : index
    %swap3A_2046 = arith.constant 0 : index
    %swap3A_2047 = arith.constant 1840 : index
    %swap3A_2048 = arith.constant 0 : index
    %swap3A_2049 = vector.load %arg3[%swap3A_2045, %swap3A_2046, %swap3A_2047, %swap3A_2048] : memref<1x1x2048x2048xf32, #tpu.memory_space<vmem>>, vector<1x1x8x2048xf32>
    %swap3A_2050 = vector.shape_cast %swap3A_2049 : vector<1x1x8x2048xf32> to vector<8x2048xf32>
    %swap3A_2051 = vector.shape_cast %slice3A_2044 : vector<8x2048xf32> to vector<1x1x8x2048xf32>
    tpu.vector_store %arg3[%swap3A_2045, %swap3A_2046, %swap3A_2047, %swap3A_2048], %swap3A_2051 {strides = array<i32>} : memref<1x1x2048x2048xf32, #tpu.memory_space<vmem>>, vector<1x1x8x2048xf32>,
    %slice3A_2052 = vector.extract_strided_slice %get3A_1995 {offsets = [0, 64], sizes = [8, 2048], strides = [1, 1]} : vector<8x2176xf32> to vector<8x2048xf32>
    %swap3A_2053 = arith.constant 0 : index
    %swap3A_2054 = arith.constant 0 : index
    %swap3A_2055 = arith.constant 1848 : index
    %swap3A_2056 = arith.constant 0 : index
    %swap3A_2057 = vector.load %arg3[%swap3A_2053, %swap3A_2054, %swap3A_2055, %swap3A_2056] : memref<1x1x2048x2048xf32, #tpu.memory_space<vmem>>, vector<1x1x8x2048xf32>
    %swap3A_2058 = vector.shape_cast %swap3A_2057 : vector<1x1x8x2048xf32> to vector<8x2048xf32>
    %swap3A_2059 = vector.shape_cast %slice3A_2052 : vector<8x2048xf32> to vector<1x1x8x2048xf32>
    tpu.vector_store %arg3[%swap3A_2053, %swap3A_2054, %swap3A_2055, %swap3A_2056], %swap3A_2059 {strides = array<i32>} : memref<1x1x2048x2048xf32, #tpu.memory_space<vmem>>, vector<1x1x8x2048xf32>,
    %slice3A_2060 = vector.extract_strided_slice %get3A_1995 {offsets = [0, 56], sizes = [8, 2048], strides = [1, 1]} : vector<8x2176xf32> to vector<8x2048xf32>
    %swap3A_2061 = arith.constant 0 : index
    %swap3A_2062 = arith.constant 0 : index
    %swap3A_2063 = arith.constant 1856 : index
    %swap3A_2064 = arith.constant 0 : index
    %swap3A_2065 = vector.load %arg3[%swap3A_2061, %swap3A_2062, %swap3A_2063, %swap3A_2064] : memref<1x1x2048x2048xf32, #tpu.memory_space<vmem>>, vector<1x1x8x2048xf32>
    %swap3A_2066 = vector.shape_cast %swap3A_2065 : vector<1x1x8x2048xf32> to vector<8x2048xf32>
    %swap3A_2067 = vector.shape_cast %slice3A_2060 : vector<8x2048xf32> to vector<1x1x8x2048xf32>
    tpu.vector_store %arg3[%swap3A_2061, %swap3A_2062, %swap3A_2063, %swap3A_2064], %swap3A_2067 {strides = array<i32>} : memref<1x1x2048x2048xf32, #tpu.memory_space<vmem>>, vector<1x1x8x2048xf32>,
    %slice3A_2068 = vector.extract_strided_slice %get3A_1995 {offsets = [0, 48], sizes = [8, 2048], strides = [1, 1]} : vector<8x2176xf32> to vector<8x2048xf32>
    %swap3A_2069 = arith.constant 0 : index
    %swap3A_2070 = arith.constant 0 : index
    %swap3A_2071 = arith.constant 1864 : index
    %swap3A_2072 = arith.constant 0 : index
    %swap3A_2073 = vector.load %arg3[%swap3A_2069, %swap3A_2070, %swap3A_2071, %swap3A_2072] : memref<1x1x2048x2048xf32, #tpu.memory_space<vmem>>, vector<1x1x8x2048xf32>
    %swap3A_2074 = vector.shape_cast %swap3A_2073 : vector<1x1x8x2048xf32> to vector<8x2048xf32>
    %swap3A_2075 = vector.shape_cast %slice3A_2068 : vector<8x2048xf32> to vector<1x1x8x2048xf32>
    tpu.vector_store %arg3[%swap3A_2069, %swap3A_2070, %swap3A_2071, %swap3A_2072], %swap3A_2075 {strides = array<i32>} : memref<1x1x2048x2048xf32, #tpu.memory_space<vmem>>, vector<1x1x8x2048xf32>,
    %slice3A_2076 = vector.extract_strided_slice %get3A_1995 {offsets = [0, 40], sizes = [8, 2048], strides = [1, 1]} : vector<8x2176xf32> to vector<8x2048xf32>
    %swap3A_2077 = arith.constant 0 : index
    %swap3A_2078 = arith.constant 0 : index
    %swap3A_2079 = arith.constant 1872 : index
    %swap3A_2080 = arith.constant 0 : index
    %swap3A_2081 = vector.load %arg3[%swap3A_2077, %swap3A_2078, %swap3A_2079, %swap3A_2080] : memref<1x1x2048x2048xf32, #tpu.memory_space<vmem>>, vector<1x1x8x2048xf32>
    %swap3A_2082 = vector.shape_cast %swap3A_2081 : vector<1x1x8x2048xf32> to vector<8x2048xf32>
    %swap3A_2083 = vector.shape_cast %slice3A_2076 : vector<8x2048xf32> to vector<1x1x8x2048xf32>
    tpu.vector_store %arg3[%swap3A_2077, %swap3A_2078, %swap3A_2079, %swap3A_2080], %swap3A_2083 {strides = array<i32>} : memref<1x1x2048x2048xf32, #tpu.memory_space<vmem>>, vector<1x1x8x2048xf32>,
    %slice3A_2084 = vector.extract_strided_slice %get3A_1995 {offsets = [0, 32], sizes = [8, 2048], strides = [1, 1]} : vector<8x2176xf32> to vector<8x2048xf32>
    %swap3A_2085 = arith.constant 0 : index
    %swap3A_2086 = arith.constant 0 : index
    %swap3A_2087 = arith.constant 1880 : index
    %swap3A_2088 = arith.constant 0 : index
    %swap3A_2089 = vector.load %arg3[%swap3A_2085, %swap3A_2086, %swap3A_2087, %swap3A_2088] : memref<1x1x2048x2048xf32, #tpu.memory_space<vmem>>, vector<1x1x8x2048xf32>
    %swap3A_2090 = vector.shape_cast %swap3A_2089 : vector<1x1x8x2048xf32> to vector<8x2048xf32>
    %swap3A_2091 = vector.shape_cast %slice3A_2084 : vector<8x2048xf32> to vector<1x1x8x2048xf32>
    tpu.vector_store %arg3[%swap3A_2085, %swap3A_2086, %swap3A_2087, %swap3A_2088], %swap3A_2091 {strides = array<i32>} : memref<1x1x2048x2048xf32, #tpu.memory_space<vmem>>, vector<1x1x8x2048xf32>,
    %slice3A_2092 = vector.extract_strided_slice %get3A_1995 {offsets = [0, 24], sizes = [8, 2048], strides = [1, 1]} : vector<8x2176xf32> to vector<8x2048xf32>
    %swap3A_2093 = arith.constant 0 : index
    %swap3A_2094 = arith.constant 0 : index
    %swap3A_2095 = arith.constant 1888 : index
    %swap3A_2096 = arith.constant 0 : index
    %swap3A_2097 = vector.load %arg3[%swap3A_2093, %swap3A_2094, %swap3A_2095, %swap3A_2096] : memref<1x1x2048x2048xf32, #tpu.memory_space<vmem>>, vector<1x1x8x2048xf32>
    %swap3A_2098 = vector.shape_cast %swap3A_2097 : vector<1x1x8x2048xf32> to vector<8x2048xf32>
    %swap3A_2099 = vector.shape_cast %slice3A_2092 : vector<8x2048xf32> to vector<1x1x8x2048xf32>
    tpu.vector_store %arg3[%swap3A_2093, %swap3A_2094, %swap3A_2095, %swap3A_2096], %swap3A_2099 {strides = array<i32>} : memref<1x1x2048x2048xf32, #tpu.memory_space<vmem>>, vector<1x1x8x2048xf32>,
    %slice3A_2100 = vector.extract_strided_slice %get3A_1995 {offsets = [0, 16], sizes = [8, 2048], strides = [1, 1]} : vector<8x2176xf32> to vector<8x2048xf32>
    %swap3A_2101 = arith.constant 0 : index
    %swap3A_2102 = arith.constant 0 : index
    %swap3A_2103 = arith.constant 1896 : index
    %swap3A_2104 = arith.constant 0 : index
    %swap3A_2105 = vector.load %arg3[%swap3A_2101, %swap3A_2102, %swap3A_2103, %swap3A_2104] : memref<1x1x2048x2048xf32, #tpu.memory_space<vmem>>, vector<1x1x8x2048xf32>
    %swap3A_2106 = vector.shape_cast %swap3A_2105 : vector<1x1x8x2048xf32> to vector<8x2048xf32>
    %swap3A_2107 = vector.shape_cast %slice3A_2100 : vector<8x2048xf32> to vector<1x1x8x2048xf32>
    tpu.vector_store %arg3[%swap3A_2101, %swap3A_2102, %swap3A_2103, %swap3A_2104], %swap3A_2107 {strides = array<i32>} : memref<1x1x2048x2048xf32, #tpu.memory_space<vmem>>, vector<1x1x8x2048xf32>,
    %slice3A_2108 = vector.extract_strided_slice %get3A_1995 {offsets = [0, 8], sizes = [8, 2048], strides = [1, 1]} : vector<8x2176xf32> to vector<8x2048xf32>
    %swap3A_2109 = arith.constant 0 : index
    %swap3A_2110 = arith.constant 0 : index
    %swap3A_2111 = arith.constant 1904 : index
    %swap3A_2112 = arith.constant 0 : index
    %swap3A_2113 = vector.load %arg3[%swap3A_2109, %swap3A_2110, %swap3A_2111, %swap3A_2112] : memref<1x1x2048x2048xf32, #tpu.memory_space<vmem>>, vector<1x1x8x2048xf32>
    %swap3A_2114 = vector.shape_cast %swap3A_2113 : vector<1x1x8x2048xf32> to vector<8x2048xf32>
    %swap3A_2115 = vector.shape_cast %slice3A_2108 : vector<8x2048xf32> to vector<1x1x8x2048xf32>
    tpu.vector_store %arg3[%swap3A_2109, %swap3A_2110, %swap3A_2111, %swap3A_2112], %swap3A_2115 {strides = array<i32>} : memref<1x1x2048x2048xf32, #tpu.memory_space<vmem>>, vector<1x1x8x2048xf32>,
    %slice3A_2116 = vector.extract_strided_slice %get3A_1995 {offsets = [0, 0], sizes = [8, 2048], strides = [1, 1]} : vector<8x2176xf32> to vector<8x2048xf32>
    %swap3A_2117 = arith.constant 0 : index
    %swap3A_2118 = arith.constant 0 : index
    %swap3A_2119 = arith.constant 1912 : index
    %swap3A_2120 = arith.constant 0 : index
    %swap3A_2121 = vector.load %arg3[%swap3A_2117, %swap3A_2118, %swap3A_2119, %swap3A_2120] : memref<1x1x2048x2048xf32, #tpu.memory_space<vmem>>, vector<1x1x8x2048xf32>
    %swap3A_2122 = vector.shape_cast %swap3A_2121 : vector<1x1x8x2048xf32> to vector<8x2048xf32>
    %swap3A_2123 = vector.shape_cast %slice3A_2116 : vector<8x2048xf32> to vector<1x1x8x2048xf32>
    tpu.vector_store %arg3[%swap3A_2117, %swap3A_2118, %swap3A_2119, %swap3A_2120], %swap3A_2123 {strides = array<i32>} : memref<1x1x2048x2048xf32, #tpu.memory_space<vmem>>, vector<1x1x8x2048xf32>,
    %mul3A_2124 = arith.constant 16 : i32
    %mul3A_2125 = arith.muli %mul3A_2124, %arg1 : i32
    %sub3A_2126 = arith.constant 15 : i32
    %sub3A_2127 = arith.subi %sub3A_2126, %mul3A_2125 : i32
    %sub3A_2128 = arith.constant 15 : i32
    %sub3A_2129 = arith.subi %sub3A_2127, %sub3A_2128 : i32
    %mul3A_2130 = arith.constant 128 : i32
    %mul3A_2131 = arith.muli %mul3A_2130, %sub3A_2129 : i32
    %multiple_of3A_2132 = tpu.assume_multiple %mul3A_2131, 128 : i32
    %get3A_2133 = arith.constant 0 : index
    %get3A_2134 = arith.constant 0 : index
    %get3A_2135 = arith.index_cast %multiple_of3A_2132 : i32 to index
    %get3A_2136 = vector.load %arg2[%get3A_2133, %get3A_2134, %get3A_2135] : memref<1x8x4224xf32, #tpu.memory_space<vmem>>, vector<1x8x2176xf32>
    %get3A_2137 = vector.shape_cast %get3A_2136 : vector<1x8x2176xf32> to vector<8x2176xf32>
    %slice3A_2138 = vector.extract_strided_slice %get3A_2137 {offsets = [0, 120], sizes = [8, 2048], strides = [1, 1]} : vector<8x2176xf32> to vector<8x2048xf32>
    %swap3A_2139 = arith.constant 0 : index
    %swap3A_2140 = arith.constant 0 : index
    %swap3A_2141 = arith.constant 1920 : index
    %swap3A_2142 = arith.constant 0 : index
    %swap3A_2143 = vector.load %arg3[%swap3A_2139, %swap3A_2140, %swap3A_2141, %swap3A_2142] : memref<1x1x2048x2048xf32, #tpu.memory_space<vmem>>, vector<1x1x8x2048xf32>
    %swap3A_2144 = vector.shape_cast %swap3A_2143 : vector<1x1x8x2048xf32> to vector<8x2048xf32>
    %swap3A_2145 = vector.shape_cast %slice3A_2138 : vector<8x2048xf32> to vector<1x1x8x2048xf32>
    tpu.vector_store %arg3[%swap3A_2139, %swap3A_2140, %swap3A_2141, %swap3A_2142], %swap3A_2145 {strides = array<i32>} : memref<1x1x2048x2048xf32, #tpu.memory_space<vmem>>, vector<1x1x8x2048xf32>,
    %slice3A_2146 = vector.extract_strided_slice %get3A_2137 {offsets = [0, 112], sizes = [8, 2048], strides = [1, 1]} : vector<8x2176xf32> to vector<8x2048xf32>
    %swap3A_2147 = arith.constant 0 : index
    %swap3A_2148 = arith.constant 0 : index
    %swap3A_2149 = arith.constant 1928 : index
    %swap3A_2150 = arith.constant 0 : index
    %swap3A_2151 = vector.load %arg3[%swap3A_2147, %swap3A_2148, %swap3A_2149, %swap3A_2150] : memref<1x1x2048x2048xf32, #tpu.memory_space<vmem>>, vector<1x1x8x2048xf32>
    %swap3A_2152 = vector.shape_cast %swap3A_2151 : vector<1x1x8x2048xf32> to vector<8x2048xf32>
    %swap3A_2153 = vector.shape_cast %slice3A_2146 : vector<8x2048xf32> to vector<1x1x8x2048xf32>
    tpu.vector_store %arg3[%swap3A_2147, %swap3A_2148, %swap3A_2149, %swap3A_2150], %swap3A_2153 {strides = array<i32>} : memref<1x1x2048x2048xf32, #tpu.memory_space<vmem>>, vector<1x1x8x2048xf32>,
    %slice3A_2154 = vector.extract_strided_slice %get3A_2137 {offsets = [0, 104], sizes = [8, 2048], strides = [1, 1]} : vector<8x2176xf32> to vector<8x2048xf32>
    %swap3A_2155 = arith.constant 0 : index
    %swap3A_2156 = arith.constant 0 : index
    %swap3A_2157 = arith.constant 1936 : index
    %swap3A_2158 = arith.constant 0 : index
    %swap3A_2159 = vector.load %arg3[%swap3A_2155, %swap3A_2156, %swap3A_2157, %swap3A_2158] : memref<1x1x2048x2048xf32, #tpu.memory_space<vmem>>, vector<1x1x8x2048xf32>
    %swap3A_2160 = vector.shape_cast %swap3A_2159 : vector<1x1x8x2048xf32> to vector<8x2048xf32>
    %swap3A_2161 = vector.shape_cast %slice3A_2154 : vector<8x2048xf32> to vector<1x1x8x2048xf32>
    tpu.vector_store %arg3[%swap3A_2155, %swap3A_2156, %swap3A_2157, %swap3A_2158], %swap3A_2161 {strides = array<i32>} : memref<1x1x2048x2048xf32, #tpu.memory_space<vmem>>, vector<1x1x8x2048xf32>,
    %slice3A_2162 = vector.extract_strided_slice %get3A_2137 {offsets = [0, 96], sizes = [8, 2048], strides = [1, 1]} : vector<8x2176xf32> to vector<8x2048xf32>
    %swap3A_2163 = arith.constant 0 : index
    %swap3A_2164 = arith.constant 0 : index
    %swap3A_2165 = arith.constant 1944 : index
    %swap3A_2166 = arith.constant 0 : index
    %swap3A_2167 = vector.load %arg3[%swap3A_2163, %swap3A_2164, %swap3A_2165, %swap3A_2166] : memref<1x1x2048x2048xf32, #tpu.memory_space<vmem>>, vector<1x1x8x2048xf32>
    %swap3A_2168 = vector.shape_cast %swap3A_2167 : vector<1x1x8x2048xf32> to vector<8x2048xf32>
    %swap3A_2169 = vector.shape_cast %slice3A_2162 : vector<8x2048xf32> to vector<1x1x8x2048xf32>
    tpu.vector_store %arg3[%swap3A_2163, %swap3A_2164, %swap3A_2165, %swap3A_2166], %swap3A_2169 {strides = array<i32>} : memref<1x1x2048x2048xf32, #tpu.memory_space<vmem>>, vector<1x1x8x2048xf32>,
    %slice3A_2170 = vector.extract_strided_slice %get3A_2137 {offsets = [0, 88], sizes = [8, 2048], strides = [1, 1]} : vector<8x2176xf32> to vector<8x2048xf32>
    %swap3A_2171 = arith.constant 0 : index
    %swap3A_2172 = arith.constant 0 : index
    %swap3A_2173 = arith.constant 1952 : index
    %swap3A_2174 = arith.constant 0 : index
    %swap3A_2175 = vector.load %arg3[%swap3A_2171, %swap3A_2172, %swap3A_2173, %swap3A_2174] : memref<1x1x2048x2048xf32, #tpu.memory_space<vmem>>, vector<1x1x8x2048xf32>
    %swap3A_2176 = vector.shape_cast %swap3A_2175 : vector<1x1x8x2048xf32> to vector<8x2048xf32>
    %swap3A_2177 = vector.shape_cast %slice3A_2170 : vector<8x2048xf32> to vector<1x1x8x2048xf32>
    tpu.vector_store %arg3[%swap3A_2171, %swap3A_2172, %swap3A_2173, %swap3A_2174], %swap3A_2177 {strides = array<i32>} : memref<1x1x2048x2048xf32, #tpu.memory_space<vmem>>, vector<1x1x8x2048xf32>,
    %slice3A_2178 = vector.extract_strided_slice %get3A_2137 {offsets = [0, 80], sizes = [8, 2048], strides = [1, 1]} : vector<8x2176xf32> to vector<8x2048xf32>
    %swap3A_2179 = arith.constant 0 : index
    %swap3A_2180 = arith.constant 0 : index
    %swap3A_2181 = arith.constant 1960 : index
    %swap3A_2182 = arith.constant 0 : index
    %swap3A_2183 = vector.load %arg3[%swap3A_2179, %swap3A_2180, %swap3A_2181, %swap3A_2182] : memref<1x1x2048x2048xf32, #tpu.memory_space<vmem>>, vector<1x1x8x2048xf32>
    %swap3A_2184 = vector.shape_cast %swap3A_2183 : vector<1x1x8x2048xf32> to vector<8x2048xf32>
    %swap3A_2185 = vector.shape_cast %slice3A_2178 : vector<8x2048xf32> to vector<1x1x8x2048xf32>
    tpu.vector_store %arg3[%swap3A_2179, %swap3A_2180, %swap3A_2181, %swap3A_2182], %swap3A_2185 {strides = array<i32>} : memref<1x1x2048x2048xf32, #tpu.memory_space<vmem>>, vector<1x1x8x2048xf32>,
    %slice3A_2186 = vector.extract_strided_slice %get3A_2137 {offsets = [0, 72], sizes = [8, 2048], strides = [1, 1]} : vector<8x2176xf32> to vector<8x2048xf32>
    %swap3A_2187 = arith.constant 0 : index
    %swap3A_2188 = arith.constant 0 : index
    %swap3A_2189 = arith.constant 1968 : index
    %swap3A_2190 = arith.constant 0 : index
    %swap3A_2191 = vector.load %arg3[%swap3A_2187, %swap3A_2188, %swap3A_2189, %swap3A_2190] : memref<1x1x2048x2048xf32, #tpu.memory_space<vmem>>, vector<1x1x8x2048xf32>
    %swap3A_2192 = vector.shape_cast %swap3A_2191 : vector<1x1x8x2048xf32> to vector<8x2048xf32>
    %swap3A_2193 = vector.shape_cast %slice3A_2186 : vector<8x2048xf32> to vector<1x1x8x2048xf32>
    tpu.vector_store %arg3[%swap3A_2187, %swap3A_2188, %swap3A_2189, %swap3A_2190], %swap3A_2193 {strides = array<i32>} : memref<1x1x2048x2048xf32, #tpu.memory_space<vmem>>, vector<1x1x8x2048xf32>,
    %slice3A_2194 = vector.extract_strided_slice %get3A_2137 {offsets = [0, 64], sizes = [8, 2048], strides = [1, 1]} : vector<8x2176xf32> to vector<8x2048xf32>
    %swap3A_2195 = arith.constant 0 : index
    %swap3A_2196 = arith.constant 0 : index
    %swap3A_2197 = arith.constant 1976 : index
    %swap3A_2198 = arith.constant 0 : index
    %swap3A_2199 = vector.load %arg3[%swap3A_2195, %swap3A_2196, %swap3A_2197, %swap3A_2198] : memref<1x1x2048x2048xf32, #tpu.memory_space<vmem>>, vector<1x1x8x2048xf32>
    %swap3A_2200 = vector.shape_cast %swap3A_2199 : vector<1x1x8x2048xf32> to vector<8x2048xf32>
    %swap3A_2201 = vector.shape_cast %slice3A_2194 : vector<8x2048xf32> to vector<1x1x8x2048xf32>
    tpu.vector_store %arg3[%swap3A_2195, %swap3A_2196, %swap3A_2197, %swap3A_2198], %swap3A_2201 {strides = array<i32>} : memref<1x1x2048x2048xf32, #tpu.memory_space<vmem>>, vector<1x1x8x2048xf32>,
    %slice3A_2202 = vector.extract_strided_slice %get3A_2137 {offsets = [0, 56], sizes = [8, 2048], strides = [1, 1]} : vector<8x2176xf32> to vector<8x2048xf32>
    %swap3A_2203 = arith.constant 0 : index
    %swap3A_2204 = arith.constant 0 : index
    %swap3A_2205 = arith.constant 1984 : index
    %swap3A_2206 = arith.constant 0 : index
    %swap3A_2207 = vector.load %arg3[%swap3A_2203, %swap3A_2204, %swap3A_2205, %swap3A_2206] : memref<1x1x2048x2048xf32, #tpu.memory_space<vmem>>, vector<1x1x8x2048xf32>
    %swap3A_2208 = vector.shape_cast %swap3A_2207 : vector<1x1x8x2048xf32> to vector<8x2048xf32>
    %swap3A_2209 = vector.shape_cast %slice3A_2202 : vector<8x2048xf32> to vector<1x1x8x2048xf32>
    tpu.vector_store %arg3[%swap3A_2203, %swap3A_2204, %swap3A_2205, %swap3A_2206], %swap3A_2209 {strides = array<i32>} : memref<1x1x2048x2048xf32, #tpu.memory_space<vmem>>, vector<1x1x8x2048xf32>,
    %slice3A_2210 = vector.extract_strided_slice %get3A_2137 {offsets = [0, 48], sizes = [8, 2048], strides = [1, 1]} : vector<8x2176xf32> to vector<8x2048xf32>
    %swap3A_2211 = arith.constant 0 : index
    %swap3A_2212 = arith.constant 0 : index
    %swap3A_2213 = arith.constant 1992 : index
    %swap3A_2214 = arith.constant 0 : index
    %swap3A_2215 = vector.load %arg3[%swap3A_2211, %swap3A_2212, %swap3A_2213, %swap3A_2214] : memref<1x1x2048x2048xf32, #tpu.memory_space<vmem>>, vector<1x1x8x2048xf32>
    %swap3A_2216 = vector.shape_cast %swap3A_2215 : vector<1x1x8x2048xf32> to vector<8x2048xf32>
    %swap3A_2217 = vector.shape_cast %slice3A_2210 : vector<8x2048xf32> to vector<1x1x8x2048xf32>
    tpu.vector_store %arg3[%swap3A_2211, %swap3A_2212, %swap3A_2213, %swap3A_2214], %swap3A_2217 {strides = array<i32>} : memref<1x1x2048x2048xf32, #tpu.memory_space<vmem>>, vector<1x1x8x2048xf32>,
    %slice3A_2218 = vector.extract_strided_slice %get3A_2137 {offsets = [0, 40], sizes = [8, 2048], strides = [1, 1]} : vector<8x2176xf32> to vector<8x2048xf32>
    %swap3A_2219 = arith.constant 0 : index
    %swap3A_2220 = arith.constant 0 : index
    %swap3A_2221 = arith.constant 2000 : index
    %swap3A_2222 = arith.constant 0 : index
    %swap3A_2223 = vector.load %arg3[%swap3A_2219, %swap3A_2220, %swap3A_2221, %swap3A_2222] : memref<1x1x2048x2048xf32, #tpu.memory_space<vmem>>, vector<1x1x8x2048xf32>
    %swap3A_2224 = vector.shape_cast %swap3A_2223 : vector<1x1x8x2048xf32> to vector<8x2048xf32>
    %swap3A_2225 = vector.shape_cast %slice3A_2218 : vector<8x2048xf32> to vector<1x1x8x2048xf32>
    tpu.vector_store %arg3[%swap3A_2219, %swap3A_2220, %swap3A_2221, %swap3A_2222], %swap3A_2225 {strides = array<i32>} : memref<1x1x2048x2048xf32, #tpu.memory_space<vmem>>, vector<1x1x8x2048xf32>,
    %slice3A_2226 = vector.extract_strided_slice %get3A_2137 {offsets = [0, 32], sizes = [8, 2048], strides = [1, 1]} : vector<8x2176xf32> to vector<8x2048xf32>
    %swap3A_2227 = arith.constant 0 : index
    %swap3A_2228 = arith.constant 0 : index
    %swap3A_2229 = arith.constant 2008 : index
    %swap3A_2230 = arith.constant 0 : index
    %swap3A_2231 = vector.load %arg3[%swap3A_2227, %swap3A_2228, %swap3A_2229, %swap3A_2230] : memref<1x1x2048x2048xf32, #tpu.memory_space<vmem>>, vector<1x1x8x2048xf32>
    %swap3A_2232 = vector.shape_cast %swap3A_2231 : vector<1x1x8x2048xf32> to vector<8x2048xf32>
    %swap3A_2233 = vector.shape_cast %slice3A_2226 : vector<8x2048xf32> to vector<1x1x8x2048xf32>
    tpu.vector_store %arg3[%swap3A_2227, %swap3A_2228, %swap3A_2229, %swap3A_2230], %swap3A_2233 {strides = array<i32>} : memref<1x1x2048x2048xf32, #tpu.memory_space<vmem>>, vector<1x1x8x2048xf32>,
    %slice3A_2234 = vector.extract_strided_slice %get3A_2137 {offsets = [0, 24], sizes = [8, 2048], strides = [1, 1]} : vector<8x2176xf32> to vector<8x2048xf32>
    %swap3A_2235 = arith.constant 0 : index
    %swap3A_2236 = arith.constant 0 : index
    %swap3A_2237 = arith.constant 2016 : index
    %swap3A_2238 = arith.constant 0 : index
    %swap3A_2239 = vector.load %arg3[%swap3A_2235, %swap3A_2236, %swap3A_2237, %swap3A_2238] : memref<1x1x2048x2048xf32, #tpu.memory_space<vmem>>, vector<1x1x8x2048xf32>
    %swap3A_2240 = vector.shape_cast %swap3A_2239 : vector<1x1x8x2048xf32> to vector<8x2048xf32>
    %swap3A_2241 = vector.shape_cast %slice3A_2234 : vector<8x2048xf32> to vector<1x1x8x2048xf32>
    tpu.vector_store %arg3[%swap3A_2235, %swap3A_2236, %swap3A_2237, %swap3A_2238], %swap3A_2241 {strides = array<i32>} : memref<1x1x2048x2048xf32, #tpu.memory_space<vmem>>, vector<1x1x8x2048xf32>,
    %slice3A_2242 = vector.extract_strided_slice %get3A_2137 {offsets = [0, 16], sizes = [8, 2048], strides = [1, 1]} : vector<8x2176xf32> to vector<8x2048xf32>
    %swap3A_2243 = arith.constant 0 : index
    %swap3A_2244 = arith.constant 0 : index
    %swap3A_2245 = arith.constant 2024 : index
    %swap3A_2246 = arith.constant 0 : index
    %swap3A_2247 = vector.load %arg3[%swap3A_2243, %swap3A_2244, %swap3A_2245, %swap3A_2246] : memref<1x1x2048x2048xf32, #tpu.memory_space<vmem>>, vector<1x1x8x2048xf32>
    %swap3A_2248 = vector.shape_cast %swap3A_2247 : vector<1x1x8x2048xf32> to vector<8x2048xf32>
    %swap3A_2249 = vector.shape_cast %slice3A_2242 : vector<8x2048xf32> to vector<1x1x8x2048xf32>
    tpu.vector_store %arg3[%swap3A_2243, %swap3A_2244, %swap3A_2245, %swap3A_2246], %swap3A_2249 {strides = array<i32>} : memref<1x1x2048x2048xf32, #tpu.memory_space<vmem>>, vector<1x1x8x2048xf32>,
    %slice3A_2250 = vector.extract_strided_slice %get3A_2137 {offsets = [0, 8], sizes = [8, 2048], strides = [1, 1]} : vector<8x2176xf32> to vector<8x2048xf32>
    %swap3A_2251 = arith.constant 0 : index
    %swap3A_2252 = arith.constant 0 : index
    %swap3A_2253 = arith.constant 2032 : index
    %swap3A_2254 = arith.constant 0 : index
    %swap3A_2255 = vector.load %arg3[%swap3A_2251, %swap3A_2252, %swap3A_2253, %swap3A_2254] : memref<1x1x2048x2048xf32, #tpu.memory_space<vmem>>, vector<1x1x8x2048xf32>
    %swap3A_2256 = vector.shape_cast %swap3A_2255 : vector<1x1x8x2048xf32> to vector<8x2048xf32>
    %swap3A_2257 = vector.shape_cast %slice3A_2250 : vector<8x2048xf32> to vector<1x1x8x2048xf32>
    tpu.vector_store %arg3[%swap3A_2251, %swap3A_2252, %swap3A_2253, %swap3A_2254], %swap3A_2257 {strides = array<i32>} : memref<1x1x2048x2048xf32, #tpu.memory_space<vmem>>, vector<1x1x8x2048xf32>,
    %slice3A_2258 = vector.extract_strided_slice %get3A_2137 {offsets = [0, 0], sizes = [8, 2048], strides = [1, 1]} : vector<8x2176xf32> to vector<8x2048xf32>
    %swap3A_2259 = arith.constant 0 : index
    %swap3A_2260 = arith.constant 0 : index
    %swap3A_2261 = arith.constant 2040 : index
    %swap3A_2262 = arith.constant 0 : index
    %swap3A_2263 = vector.load %arg3[%swap3A_2259, %swap3A_2260, %swap3A_2261, %swap3A_2262] : memref<1x1x2048x2048xf32, #tpu.memory_space<vmem>>, vector<1x1x8x2048xf32>
    %swap3A_2264 = vector.shape_cast %swap3A_2263 : vector<1x1x8x2048xf32> to vector<8x2048xf32>
    %swap3A_2265 = vector.shape_cast %slice3A_2258 : vector<8x2048xf32> to vector<1x1x8x2048xf32>
    tpu.vector_store %arg3[%swap3A_2259, %swap3A_2260, %swap3A_2261, %swap3A_2262], %swap3A_2265 {strides = array<i32>} : memref<1x1x2048x2048xf32, #tpu.memory_space<vmem>>, vector<1x1x8x2048xf32>,
    return
  }
  func.func @transform_0(%arg0: i32, %arg1: i32) -> (i32, i32, i32) {
    %c0_i32 = arith.constant 0 : i32
    %c0_i32_0 = arith.constant 0 : i32
    %c0_i32_1 = arith.constant 0 : i32
    return %arg0, %c0_i32, %c0_i32_0 : i32, i32, i32
  }
  func.func @transform_1(%arg0: i32, %arg1: i32) -> (i32, i32, i32, i32) {
    %c0_i32 = arith.constant 0 : i32
    %c0_i32_0 = arith.constant 0 : i32
    %c0_i32_1 = arith.constant 0 : i32
    return %c0_i32, %arg0, %arg1, %c0_i32_0 : i32, i32, i32, i32
  }
}

</mosaic_0001>

<sc_bundles>
// kernel: kernel.4.cloned.1.call-start
scs
__scs_entry_jumppad:
0x0: {  	(pc) =	sbr.rel $0x88, $3  }
0x1: {  	(tag) =	ssettag $0x0;
	lr =	simm.s32 $0x1  }
0x2: {  	[smem:$0x3FA0] =	sst lr;
	_ =	strace $0xD0000000  }
0x3: {  	_ = 	snop  }
0x4: {  	_ = 	snop  }
0x5: {  	_ = 	snop  }
0x6: {  	_ = 	snop  }
0x7: {  	_ = 	snop  }
__scs_overlays_trampoline_lowered:
0x8: {  	[smem:$0x3FAF] =	sst s0  }
0x9: {  	[smem:$0x3FB0] =	sst s1  }
0xa: {  	[smem:$0x3FB1] =	sst s2  }
0xb: {  	[smem:$0x3FB2] =	sst s3  }
0xc: {  	[smem:$0x3FB3] =	sst s4  }
0xd: {  	[smem:$0x3FB4] =	sst s5  }
0xe: {  	[smem:$0x3FB5] =	sst s6  }
0xf: {  	[smem:$0x3FB6] =	sst s7  }
0x10: {  	[smem:$0x3FB7] =	sst s8  }
0x11: {  	[smem:$0x3FB8] =	sst s9;
	s0 =	simm.s32 @!p0 $0x0  }
0x12: {  	s1 =	sld [smem:$0x3F9E];
	s0 =	simm.s32 @p0 $0x1  }
0x13: {  	[smem:$0x3FB9] =	sst s0;
	s0 =	simm.s32 @!p1 $0x0  }
0x14: {  	s2 =	sld [smem:$0x3F9D];
	s0 =	simm.s32 @p1 $0x1  }
0x15: {  	[smem:$0x3FBA] =	sst s0;
	s0 =	simm.s32 @!p2 $0x0  }
0x16: {  	s3 =	sld [smem:$0x3FDB];
	s0 =	simm.s32 @p2 $0x1  }
0x17: {  	s4 =	simm.s32 $0x1BF5;
	[smem:$0x3FBC] =	sst s0  }
0x18: {  	s0 =	sld [smem:$0x3F9F];
	_ =	swait.ge [sflag:s4], $0x0  }
0x19: {  	s7 =	sld [smem:$0x3FA0]  }
0x1a: {  	s8 =	sadd.s32 $0xFFFFE003, lr  }
0x1b: {  	s9 =	sadd.s32 $0xFFFFFEF7, lr;
	s5 =	simm.s32 $0xFFFFFFFF;
	p2 =	slt.u32 s8, $0xFFFFF086  }
0x1c: {  	p1 =	slt.u32 s9, $0xF7A;
	s5 =	simm.s32 @!p2 $0x0  }
0x1d: {  	s5 =	simm.s32 @p1 $0x1;
	p0 =	seq.s32 s7, s2  }
0x1e: {  	s7 =	smul.u32 @!p0 $0xF7A, s2;
	p2 =	seq.s32 @!p0 s5, $0x0  }
0x1f: {  	s9 =	smul.u32 $0xF7A, s1;
	s8 =	simm.s32 @!p0 $0x1BF5;
	p2 =	por !p2, p0  }
0x20: {  	[sflag:s8] =	ssyncset.s32 @!p0 $0xFFFFF086;
	s6 =	sadd.s32 @!p0 s3, s7;
	s7 =	simm.s32 @!p0 $0x108  }
0x21: {  	s3 =	sadd.s32 s3, s9;
	s6 =	sadd.s32 @!p0 $0x88, s6;
	s7 =	simm.s32 @p2 $0x1082  }
0x22: {  	[simem:s7], [sflag:s8] =	dma.local @!p0 [hbm:s6], $0xF7A  }
0x23: {  	s9 =	sor.u32 $0xD0000000, s2;
	s6 =	simm.s32 $0x108;
	_ =	swait.ge @!p0 [sflag:s8], $0x0  }
0x24: {  	s3 =	sadd.s32 $0x88, s3;
	s6 =	simm.s32 @!p1 $0x1082;
	[sflag:s4] =	ssyncset.s32 $0xFFFFF086  }
0x25: {  	[simem:s6], [sflag:s4] =	dma.local [hbm:s3], $0xF7A  }
0x26: {  	[smem:$0x3FA0] =	sst s1;
	(tag) =	ssettag s2;
	_ =	strace s9  }
0x27: {  	s1 =	sld [smem:$0x3FB0]  }
0x28: {  	s2 =	sld [smem:$0x3FB1]  }
0x29: {  	s4 =	sld [smem:$0x3FB3]  }
0x2a: {  	p0 =	seq.s32 s5, $0x0;
	s5 =	sld [smem:$0x3FB4]  }
0x2b: {  	s6 =	sld [smem:$0x3FB5]  }
0x2c: {  	s7 =	sld [smem:$0x3FB6]  }
0x2d: {  	s3 =	simm.s32 $0x108;
	s8 =	sld [smem:$0x3FB7]  }
0x2e: {  	s3 =	simm.s32 @!p0 $0x1082;
	s9 =	sld [smem:$0x3FB8]  }
0x2f: {  	lr =	sadd.s32 s0, s3;
	s0 =	sld [smem:$0x3FAF]  }
0x30: {  	s3 =	sld [smem:$0x3FB2]  }
0x31: {  	[smem:$0x3FBB] =	sst s10  }
0x32: {  	s10 =	sld [smem:$0x3FB9];
	_ =	sdelay $0x3  }
0x33: {  	p0 =	seq.s32 s10, $0x1;
	s10 =	sld [smem:$0x3FBB];
	_ =	sdelay $0x3  }
0x34: {  	[smem:$0x3FBB] =	sst s10  }
0x35: {  	s10 =	sld [smem:$0x3FBA];
	_ =	sdelay $0x3  }
0x36: {  	p1 =	seq.s32 s10, $0x1;
	s10 =	sld [smem:$0x3FBB];
	_ =	sdelay $0x3  }
0x37: {  	[smem:$0x3FBB] =	sst s10  }
0x38: {  	s10 =	sld [smem:$0x3FBC]  }
0x39: {  	_ = 	snop;
	(pc) =	sbr.ind lr, $3  }
0x3a: {  	_ = 	snop  }
0x3b: {  	_ = 	snop  }
0x3c: {  	p2 =	seq.s32 s10, $0x1;
	s10 =	sld [smem:$0x3FBB]  }
0x3d: {  	_ =	shalt  }
0x3e: {  	_ =	shalt  }
0x3f: {  	_ =	shalt  }
0x40: {  	_ =	shalt  }
0x41: {  	_ =	shalt  }
0x42: {  	_ =	shalt  }
0x43: {  	_ =	shalt  }
0x44: {  	_ =	shalt  }
0x45: {  	_ =	shalt  }
0x46: {  	_ =	shalt  }
0x47: {  	_ =	shalt  }
0x48: {  	_ =	shalt  }
0x49: {  	_ =	shalt  }
0x4a: {  	_ =	shalt  }
0x4b: {  	_ =	shalt  }
0x4c: {  	_ =	shalt  }
0x4d: {  	_ =	shalt  }
0x4e: {  	_ =	shalt  }
0x4f: {  	_ =	shalt  }
0x50: {  	_ =	shalt  }
0x51: {  	_ =	shalt  }
0x52: {  	_ =	shalt  }
0x53: {  	_ =	shalt  }
0x54: {  	_ =	shalt  }
0x55: {  	_ =	shalt  }
0x56: {  	_ =	shalt  }
0x57: {  	_ =	shalt  }
0x58: {  	_ =	shalt  }
0x59: {  	_ =	shalt  }
0x5a: {  	_ =	shalt  }
0x5b: {  	_ =	shalt  }
0x5c: {  	_ =	shalt  }
0x5d: {  	_ =	shalt  }
0x5e: {  	_ =	shalt  }
0x5f: {  	_ =	shalt  }
0x60: {  	_ =	shalt  }
0x61: {  	_ =	shalt  }
0x62: {  	_ =	shalt  }
0x63: {  	_ =	shalt  }
0x64: {  	_ =	shalt  }
0x65: {  	_ =	shalt  }
0x66: {  	_ =	shalt  }
0x67: {  	_ =	shalt  }
0x68: {  	_ =	shalt  }
0x69: {  	_ =	shalt  }
0x6a: {  	_ =	shalt  }
0x6b: {  	_ =	shalt  }
0x6c: {  	_ =	shalt  }
0x6d: {  	_ =	shalt  }
0x6e: {  	_ =	shalt  }
0x6f: {  	_ =	shalt  }
0x70: {  	_ =	shalt  }
0x71: {  	_ =	shalt  }
0x72: {  	_ =	shalt  }
0x73: {  	_ =	shalt  }
0x74: {  	_ =	shalt  }
0x75: {  	_ =	shalt  }
0x76: {  	_ =	shalt  }
0x77: {  	_ =	shalt  }
0x78: {  	_ =	shalt  }
0x79: {  	_ =	shalt  }
0x7a: {  	_ =	shalt  }
0x7b: {  	_ =	shalt  }
0x7c: {  	_ =	shalt  }
0x7d: {  	_ =	shalt  }
0x7e: {  	_ =	shalt  }
0x7f: {  	_ =	shalt  }
0x80: {  	_ =	shalt  }
0x81: {  	_ =	shalt  }
0x82: {  	_ =	shalt  }
0x83: {  	_ =	shalt  }
0x84: {  	_ =	shalt  }
0x85: {  	_ =	shalt  }
0x86: {  	_ =	shalt  }
0x87: {  	_ =	shalt  }
.Lfunc_end0:
.L_simem_size_0:
called_computation_lowered:
.L_overlay_start_0:
0x88: {  	s2 =	sld [smem:$0x3FD9]  }
0x89: {  	s3 =	sld [smem:$0x3FFE];
	_ =	sdelay $0x1  }
0x8a: {  	s1 =	srdreg.scid  }
0x8b: {  	s0 =	sand.u32 $0x1, s1  }
0x8c: {  	s17 =	sshll.u32 s0, $0xA;
	s2 =	sadd.s32 s3, s2  }
0x8d: {  	s2 =	sadd.s32 s2, s17  }
0x8e: {  	[smem:$0x3FC7] =	sst s2  }
0x8f: {  	_ = 	snop  }
0x90: {  	s2 =	sld [smem:$0x3FD0];
	(tm) =	ssettm $0x1  }
0x91: {  	s18 =	sld [smem:$0x3FFB];
	_ =	sdelay $0x3  }
0x92: {  	_ =	strace s18  }
0x93: {  	s3 =	sld [smem:$0x3FFC];
	_ =	sdelay $0x3  }
0x94: {  	_ =	strace s3  }
0x95: {  	s3 =	sld [smem:$0x3FFD];
	_ =	sdelay $0x3  }
0x96: {  	_ =	strace s3  }
0x97: {  	_ =	strace $0x8FFFFFFF  }
0x98: {  	s19 =	sld [smem:$0x3FDB];
	_ =	sdelay $0x1  }
0x99: {  	s4 =	simm.s32 $_scs_section_size  }
0x9a: {  	s5 =	simm.s32 $_size__tile_overlayer_lowered;
	s6 =	simm.s32 $_tile_overlayer_lowered  }
0x9b: {  	s22 =	simm.s32 $0x1BFF;
	s21 =	sshll.u32 s6, $0x1;
	s3 =	sadd.s32 s4, s19  }
0x9c: {  	s7 =	simm.s32 $0x0;
	s20 =	sshll.u32 s5, $0x1;
	s5 =	sadd.s32 s21, s3  }
0x9d: {  	[timem:s7], [sflag:s22] =	dma.local [hbm:s5], s20  }
0x9e: {  	_ =	swait.ge [sflag:s22], s20  }
0x9f: {  	s4 =	ssub.s32 $0x0, s20;
	[sflag:s22] =	ssyncset.done $0x0  }
0xa0: {  	[sflag:s22] =	ssyncadd.s32 s4;
	_ =	sdelay $0x1  }
0xa1: {  	s23 =	simm.s32 $0x1B8B  }
0xa2: {  	_ =	swait.ge [sflag:s23], $0x1  }
0xa3: {  	[sflag:s23] =	ssyncset.done $0x0  }
0xa4: {  	s25 =	simm.s32 $0x1B8E;
	s24 =	sld [smem:$0x3FFE];
	[sflag:s23] =	ssyncadd.s32 $0xFFFFFFFF  }
0xa5: {  	s26 =	simm.s32 $execute0_lowered;
	[smem:$0x3FD2] =	sst s25  }
0xa6: {  	s5 =	sshll.u32 s26, $0x1;
	_ =	strace $0x80000046;
	[dreg:$0x1] =	wrdreg $0xFFFFFFFF  }
0xa7: {  	s28 =	simm.s32 $_size_execute0_lowered;
	s3 =	sadd.s32 s3, s5;
	[dreg:$0x0] =	wrdreg $0x0  }
0xa8: {  	s5 =	sshll.u32 s28, $0x1;
	[dreg:$0x2] =	wrdreg s3  }
0xa9: {  	[dreg:$0x3] =	wrdreg s5  }
0xaa: {  	[dreg:$0x4] =	wrdreg $0xC0  }
0xab: {  	_ =	task [dreg:s7], $0x5FFFF  }
0xac: {  	[dreg:$0x1] =	wrdreg $0xFFFFFFFF  }
0xad: {  	[dreg:$0x0] =	wrdreg $0x60  }
0xae: {  	[dreg:$0x2] =	wrdreg s24  }
0xaf: {  	[dreg:$0x3] =	wrdreg s2  }
0xb0: {  	[dreg:$0x4] =	wrdreg $0x9  }
0xb1: {  	_ =	task.clear_ibuf [dreg:s7], $0x5FFFF;
	_ =	strace $0x90000046  }
0xb2: {  	s29 =	simm.s32 $0x9;
	_ =	strace $0x80000048  }
0xb3: {  	_ =	swait.ge [sflag:s29], $0x1  }
0xb4: {  	[sflag:s29] =	ssyncadd.s32 $0xFFFFFFFF  }
0xb5: {  	_ =	strace $0x90000048  }
0xb6: {  	_ =	sfence  }
0xb7: {  	s30 =	sld [smem:$0x0];
	_ =	sdelay $0x2  }
0xb8: {  	s31 =	sshll.u32 s1, $0xD;
	s1 =	sshrl.u32 s1, $0x2  }
0xb9: {  	s3 =	sand.u32 $0x4000, s31;
	s1 =	sadd.s32 s1, s30  }
0xba: {  	s0 =	sor.u32 s3, s0;
	s1 =	sshll.u32 s1, $0x11  }
0xbb: {  	s0 =	sor.u32 s1, s0  }
0xbc: {  	s0 =	sadd.s32 $0x8F2B, s0  }
0xbd: {  	[sflag:s0] =	ssyncadd.remote.s32 $0x1  }
0xbe: {  	_ =	sfence.sel $0xFFFF  }
0xbf: {  	[dreg:$0x0] =	wrdreg $0xFFFFFFFF;
	(pc) =	sbr.abs _section_cstart, $3  }
0xc0: {  	[dreg:$0x1] =	wrdreg $0xFFFFFFFF  }
0xc1: {  	_ =	task.clear_ibuf [dreg:s7], $0x2FFFF;
	_ =	strace $0x9FFFFFFF  }
0xc2: {  	(tm) =	ssettm $0x7FFFFFFF  }
0xc3: {  	_ =	shalt  }
tec
execute0_lowered:
.L_overlay_start_1:
0x0: {  	(tag) =	ssettag $0x1  }
0x1: {  	s0 =	srdreg.scid  }
0x2: {  	s4 =	rddreg [dreg:$0x0];
	s1 =	stileid.u32;
	s17 =	sand.u32 $0x1, s0  }
0x3: {  	s14 =	rddreg [dreg:$0x1];
	s2 =	simm.s32 $0x0;
	s3 =	sor.u32 s17, s1  }
0x4: {  	s0 =	rddreg [dreg:$0x2];
	p1 =	seq.s32 s17, $0x1;
	p0 =	seq.s32 s3, $0x0  }
0x5: {  	s6 =	simm.s32 $0x1;
	[smem:$0x7FF] =	sst s2;
	p0 =	por !p0, !p1  }
0x6: {  	_ =	strace $0x80000047;
	s5 =	ssub.s32 $0x2, s17;
	p0 =	por !p0, !p0  }
0x7: {  	s9 =	smul.u32 $0x4200, s17;
	s3 =	sadd.s32 $0x400, s4;
	s6 =	simm.s32 @!p0 $0x0  }
0x8: {  	s25 =	ssub.s32 s1, s6;
	s6 =	sshll.u32 s17, $0x2;
	s17 =	smul.u32 $0xFFFFBE04, s17  }
0x9: {  	s7 =	sshrl.u32 s5, $0x1;
	s8 =	smul.u32 $0x8400, s25;
	s19 =	sxor.u32 $0x7, s6  }
0xa: {  	s4 =	sadd.s32 $0x600, s4;
	s16 =	ssub.s32 s5, s7;
	s7 =	smul.u32 $0x107F, s19  }
0xb: {  	s5 =	simm.s32 $0x1;
	s10 =	sxor.u32 $0x6, s6;
	s26 =	smul.u32 $0x4200, s19  }
0xc: {  	s16 =	smax.u32 s16, $0x1;
	s13 =	sxor.u32 $0x5, s6;
	s20 =	smul.u32 $0x4200, s10  }
0xd: {  	s18 =	sshll.u32 s25, $0x5;
	s12 =	sxor.u32 $0x4, s6;
	s13 =	smul.u32 $0x4200, s13  }
0xe: {  	s21 =	smul.u32 $0x4200, s12;
	v0 =	vmov s18;
	s18 =	ssub.s32 $0x0, s19;
	s15 =	sadd.s32 s9, s8  }
0xf: {  	s19 =	simm.s32 $0x1290;
	s8 =	sshrl.u32 s15, $0x3;
	s11 =	sadd.s32 $0x1080, s15  }
0x10: {  	s9 =	sshrl.u32 s26, $0x2;
	s29 =	sshrl.u32 s20, $0x2;
	s30 =	sadd.s32 $0x2100, s15  }
0x11: {  	s15 =	sadd.s32 $0x3180, s15;
	s13 =	sshrl.u32 s13, $0x2;
	s31 =	sshrl.u32 s21, $0x2  }
0x12: {  	s8 =	sadd.s32 s14, s8;
	s28 =	sshrl.u32 s11, $0x3;
	s9 =	sadd.s32 $0x1290, s9  }
0x13: {  	s11 =	sadd.s32 $0x1290, s29;
	s20 =	sshrl.u32 s30, $0x3;
	s15 =	sshrl.u32 s15, $0x3  }
0x14: {  	s13 =	sadd.s32 $0x1290, s13;
	s10 =	sadd.s32 s14, s28;
	s12 =	sadd.s32 s14, s20  }
0x15: {  	v1 =	vlaneseq.u32;
	s14 =	sadd.s32 s14, s15;
	s15 =	sadd.s32 $0x1290, s31;
	s20 =	simm.s32 $0x0  }
.LBB2_1:
0x16: {  	[tilespmem:s2], [sflag:$0x1] =	stream.linear.gather [hbm4b:s3+s2], $0x200, $0x38;
	[tilespmem:$0x9690] =	vst v63  }
0x17: {  	_ =	swait.ge [sflag:s5], $0x200  }
0x18: {  	[sflag:s5] =	ssyncset.done $0x0  }
0x19: {  	s21 =	simm.s32 $0x200;
	[sflag:s5] =	ssyncadd.s32 $0xFFFFFE00  }
0x1a: {  	[tilespmem:s21], [sflag:$0x1] =	stream.linear.gather [hbm4b:s4+s2], $0x1090, $0x38;
	[tilespmem:$0x9690] =	vst v63  }
0x1b: {  	_ =	swait.ge [sflag:s5], $0x1090  }
0x1c: {  	[sflag:s5] =	ssyncset.done $0x0  }
0x1d: {  	[sflag:s5] =	ssyncadd.s32 $0xFFFFEF70  }
0x1e: {  	v2 =	vld [tilespmem:s21+$0x0];
	_ =	sdelay $0x4  }
0x1f: {  	v2 =	vadd.s32 v0, v2  }
0x20: {  	s22 =	sadd.s32 $0x0, s6  }
0x21: {  	s23 =	sadd.s32 $0xFFFFFFFC, s22  }
0x22: {  	s25 =	sadd.s32 $0x0, s17;
	v3 =	vadd.s32 s23, v1  }
0x23: {  	s26 =	sadd.s32 $0x41FC, s25;
	vm0 =	vgt.s32 v3, $0xFFFFFFFF  }
0x24: {  	s24 =	sadd.s32 $0xFFFFFFFB, s22;
	v5 =	vadd.s32 s26, v1;
	v2 =	vld.idx.msk [tilespmem:v2+s2+$0x0], $0xffff  }
0x25: {  	s22 =	sadd.s32 $0xFFFFFFFA, s22;
	v4 =	vadd.s32 s24, v1  }
0x26: {  	s28 =	sadd.s32 $0x527B, s25;
	v3 =	vadd.s32 s22, v1;
	vm1 =	vgt.s32 v4, $0xFFFFFFFF  }
0x27: {  	s30 =	sadd.s32 $0x0, s18;
	s29 =	sadd.s32 $0x62FA, s25;
	v4 =	vadd.s32 s28, v1;
	vm2 =	vgt.s32 v3, $0xFFFFFFFF  }
0x28: {  	v6 =	vadd.s32 s29, v1;
	v3 =	vadd.s32 s30, v1  }
0x29: {  	s31 =	sadd.s32 $0x0, s7;
	[tilespmem:v5+s19+$0x0] =	vst.idx.msk vm0, v2;
	vm0 =	vgt.s32 v3, $0xFFFFFFFF  }
0x2a: {  	v3 =	vadd.s32 s31, v1;
	_ =	sdelay $0x1  }
0x2b: {  	[tilespmem:v4+s19+$0x0] =	vst.idx.msk vm1, v2  }
0x2c: {  	s22 =	simm.s32 $0x10;
	[tilespmem:v6+s19+$0x0] =	vst.idx.msk vm2, v2  }
.LBB2_2:
0x2d: {  	p0 =	sne.s32 s22, $0x1070  }
0x2e: {  	[tilespmem:v3+s19+$0x0] =	vst.idx.msk vm0, v2;
	s21 =	sadd.s32 $0x10, s21;
	s23 =	smov.u32 s22;
	s22 =	sadd.s32 $0x10, s22  }
0x2f: {  	v2 =	vld [tilespmem:s21+$0x0];
	_ =	sdelay $0x4  }
0x30: {  	v2 =	vadd.s32 v0, v2;
	_ =	sdelay $0x1  }
0x31: {  	s24 =	sadd.s32 s23, s6  }
0x32: {  	s25 =	sadd.s32 $0xFFFFFFFC, s24;
	s26 =	sadd.s32 $0xFFFFFFFB, s24;
	s24 =	sadd.s32 $0xFFFFFFFA, s24  }
0x33: {  	s28 =	sadd.s32 s23, s17;
	v3 =	vadd.s32 s25, v1;
	v4 =	vadd.s32 s26, v1;
	v5 =	vadd.s32 s24, v1  }
0x34: {  	s24 =	sadd.s32 $0x41FC, s28;
	s25 =	sadd.s32 $0x527B, s28;
	s26 =	sadd.s32 $0x62FA, s28;
	vm1 =	vgt.s32 v3, $0xFFFFFFFF;
	v2 =	vld.idx.msk [tilespmem:v2+s2+$0x0], $0xffff  }
0x35: {  	v6 =	vadd.s32 s24, v1;
	vm2 =	vgt.s32 v4, $0xFFFFFFFF;
	s24 =	sadd.s32 s23, s18  }
0x36: {  	v4 =	vadd.s32 s25, v1;
	vm3 =	vgt.s32 v5, $0xFFFFFFFF;
	v3 =	vadd.s32 s24, v1  }
0x37: {  	v5 =	vadd.s32 s26, v1;
	s23 =	sadd.s32 s23, s7;
	vm0 =	vgt.s32 v3, $0xFFFFFFFF  }
.Ltmp0:
0x38: {  	v3 =	vadd.s32 s23, v1;
	(pc) =	sbr.rel @p0 .LBB2_2-.Ltmp0, $4  }
0x39: {  	_ = 	snop  }
0x3a: {  	[tilespmem:v6+s19+$0x0] =	vst.idx.msk vm1, v2  }
0x3b: {  	[tilespmem:v4+s19+$0x0] =	vst.idx.msk vm2, v2  }
0x3c: {  	[tilespmem:v5+s19+$0x0] =	vst.idx.msk vm3, v2  }
0x3d: {  	_ =	sdelay $0x4  }
0x3e: {  	[tilespmem:v3+s19+$0x0] =	vst.idx.msk vm0, v2  }
0x3f: {  	[hbm4b:s8+s2] =	stream.linear.scatter [tilespmem:s9], [sflag:$0x1], $0x1080, $0x38;
	[tilespmem:$0x9690] =	vst v63  }
0x40: {  	_ =	swait.ge [sflag:s5], $0x1080  }
0x41: {  	[sflag:s5] =	ssyncset.done $0x0  }
0x42: {  	[sflag:s5] =	ssyncadd.s32 $0xFFFFEF80  }
0x43: {  	[hbm4b:s10+s2] =	stream.linear.scatter [tilespmem:s11], [sflag:$0x1], $0x1080, $0x38;
	[tilespmem:$0x9690] =	vst v63  }
0x44: {  	_ =	swait.ge [sflag:s5], $0x1080  }
0x45: {  	[sflag:s5] =	ssyncset.done $0x0  }
0x46: {  	[sflag:s5] =	ssyncadd.s32 $0xFFFFEF80  }
0x47: {  	[hbm4b:s12+s2] =	stream.linear.scatter [tilespmem:s13], [sflag:$0x1], $0x1080, $0x38;
	[tilespmem:$0x9690] =	vst v63  }
0x48: {  	s20 =	sadd.s32 $0x1, s20;
	_ =	swait.ge [sflag:s5], $0x1080  }
0x49: {  	p0 =	sne.s32 s20, s16;
	[sflag:s5] =	ssyncset.done $0x0  }
.Ltmp1:
0x4a: {  	[sflag:s5] =	ssyncadd.s32 $0xFFFFEF80;
	(pc) =	sbr.rel @p0 .LBB2_1-.Ltmp1, $4  }
0x4b: {  	[hbm4b:s14+s2] =	stream.linear.scatter [tilespmem:s15], [sflag:$0x1], $0x1080, $0x38;
	[tilespmem:$0x9690] =	vst v63  }
0x4c: {  	_ =	swait.ge [sflag:s5], $0x1080  }
0x4d: {  	[sflag:s5] =	ssyncset.done $0x0  }
0x4e: {  	[sflag:s5] =	ssyncadd.s32 $0xFFFFEF80  }
0x4f: {  	_ =	sfence.sel $0x180000  }
0x50: {  	[bflag:$0x0] =	sbarrier.arrive $0xFFFF  }
0x51: {  	p0 =	sne.s32 s1, $0x0;
	_ =	strace $0x90000047  }
0x52: {  	s0 =	sadd.s32 @!p0 $0x100000, s0;
	[bflag:$0x2] =	sbarrier.arrive $0xFFFF  }
0x53: {  	[sflag:s0] =	ssyncadd.tile.s32 @!p0 $0x1;
	_ =	shalt  }
.Lfunc_end2:
_tile_overlayer_lowered:
.L_overlay_start_2:
0x54: {  	(tag) =	ssettag $0x2  }
0x55: {  	s0 =	rddreg [dreg:$0x0];
	s2 =	stileid.u32  }
0x56: {  	s1 =	rddreg [dreg:$0x1];
	p0 =	sne.s32 s2, $0x0  }
0x57: {  	s3 =	rddreg [dreg:$0x2];
	[bflag:$0x3] =	sbarrier.arrive $0xFFFF;
	s2 =	simm.s32 @!p0 $0x1C01  }
0x58: {  	[timem:s3], [sflag:s2] =	dma.local @!p0 [hbm:s0], s1  }
0x59: {  	s0 =	simm.s32 @!p0 $0x1  }
0x5a: {  	_ =	swait.ge @!p0 [sflag:s0], s1  }
0x5b: {  	s1 =	ssub.s32 @!p0 $0x0, s1;
	[sflag:s0] =	ssyncset.done @!p0 $0x0  }
0x5c: {  	[sflag:s0] =	ssyncadd.s32 @!p0 s1  }
0x5d: {  	[bflag:$0x3] =	sbarrier.arrive $0xFFFF  }
0x5e: {  	_ =	shalt  }

</sc_bundles>
